<compile_context>
chip_gen: v7x
topology: tpu7x:2x2x1
jax: 0.10.2.dev20260603
libtpu: 0.0.44.dev20260713+nightly
codegen_flags: <defaults>
</compile_context>

<pallas_src>
import functools

import jax
import jax.numpy as jnp
from jax import lax
from jax.experimental import pallas as pl
from jax.experimental.pallas import tpu as pltpu
from jax.experimental.pallas import tpu_sc as plsc

_NC = 2
_NS = 16
_NW = _NC * _NS
_L = 16
_BLK = 128


def _sinc_q(q):
    p = jnp.float32(1.0 / 6227020800.0)
    p = p * q + jnp.float32(-1.0 / 39916800.0)
    p = p * q + jnp.float32(1.0 / 362880.0)
    p = p * q + jnp.float32(-1.0 / 5040.0)
    p = p * q + jnp.float32(1.0 / 120.0)
    p = p * q + jnp.float32(-1.0 / 6.0)
    return p * q + jnp.float32(1.0)


def _cosc_q(q):
    p = jnp.float32(1.0 / 87178291200.0)
    p = p * q + jnp.float32(-1.0 / 479001600.0)
    p = p * q + jnp.float32(1.0 / 3628800.0)
    p = p * q + jnp.float32(-1.0 / 40320.0)
    p = p * q + jnp.float32(1.0 / 720.0)
    p = p * q + jnp.float32(-1.0 / 24.0)
    return p * q + jnp.float32(0.5)


def _rodrigues(x, y, z):
    q = x * x + y * y + z * z
    sc = _sinc_q(q)
    cc = _cosc_q(q)
    c = jnp.float32(1.0) - q * cc
    xx, yy, zz = cc * x * x, cc * y * y, cc * z * z
    xy, xz, yz = cc * x * y, cc * x * z, cc * y * z
    sx, sy, sz = sc * x, sc * y, sc * z
    return (c + xx, xy - sz, xz + sy,
            xy + sz, c + yy, yz - sx,
            xz - sy, yz + sx, c + zz)


def _make_sc_kernel(n_blk):
    mesh = plsc.VectorSubcoreMesh(core_axis_name="c", subcore_axis_name="s")

    @functools.partial(
        pl.kernel,
        mesh=mesh,
        out_type=jax.ShapeDtypeStruct((4 * 4 * _NW * n_blk, _BLK), jnp.float32),
        scratch_types=[
            pltpu.VMEM((3 * n_blk, _BLK), jnp.int32),
            pltpu.VMEM((6 * n_blk, _BLK), jnp.float32),
            pltpu.VMEM((4, 4 * n_blk, _BLK), jnp.float32),
            pltpu.VMEM((8, 16), jnp.float32),
            pltpu.SemaphoreType.DMA,
        ],
        compiler_params=pltpu.CompilerParams(
            needs_layout_passes=False, use_tc_tiling_on_sc=False),
    )
    def sc_kernel(idx_hbm, r_hbm, t_hbm,
                  base_hbm, out_hbm, idx_v, gat_v, res_v, base_v, sem):
        wid = lax.axis_index("s") * _NC + lax.axis_index("c")

        pltpu.sync_copy(idx_hbm.at[pl.ds(wid * 3 * n_blk, 3 * n_blk)], idx_v)
        copies = []
        for dk in range(n_blk):
            for c in range(3):
                copies.append(pltpu.async_copy(
                    r_hbm.at[idx_v.at[dk * 3 + c]], gat_v.at[dk * 6 + c], sem))
                copies.append(pltpu.async_copy(
                    t_hbm.at[idx_v.at[dk * 3 + c]], gat_v.at[dk * 6 + 3 + c], sem))
        pltpu.sync_copy(base_hbm, base_v)
        for cp in copies:
            cp.wait()

        bR = _rodrigues(base_v[0], base_v[1], base_v[2])
        bs = base_v[3]
        S = tuple(bs * e for e in bR)
        bt = (base_v[4], base_v[5], base_v[6])

        zeros_f = jnp.zeros((_L,), jnp.float32)
        ones_f = jnp.ones((_L,), jnp.float32)

        for dk in range(n_blk):
            def group_body(g, carry, dk=dk):
                sl = pl.ds(g * _L, _L)
                x = gat_v[dk * 6 + 0, sl]
                y = gat_v[dk * 6 + 1, sl]
                z = gat_v[dk * 6 + 2, sl]
                tvec = (gat_v[dk * 6 + 3, sl],
                        gat_v[dk * 6 + 4, sl],
                        gat_v[dk * 6 + 5, sl])

                R = _rodrigues(x, y, z)
                for i in range(3):
                    Ri0, Ri1, Ri2 = R[3 * i], R[3 * i + 1], R[3 * i + 2]
                    for j in range(3):
                        res_v[i, 4 * dk + j, sl] = (
                            Ri0 * S[j] + Ri1 * S[3 + j] + Ri2 * S[6 + j])
                    res_v[i, 4 * dk + 3, sl] = (
                        Ri0 * bt[0] + Ri1 * bt[1] + Ri2 * bt[2] + tvec[i])
                res_v[3, 4 * dk + 0, sl] = zeros_f
                res_v[3, 4 * dk + 1, sl] = zeros_f
                res_v[3, 4 * dk + 2, sl] = zeros_f
                res_v[3, 4 * dk + 3, sl] = ones_f
                return carry

            lax.fori_loop(0, _BLK // _L, group_body, 0)

        for i in range(4):
            pltpu.sync_copy(
                res_v.at[i],
                out_hbm.at[pl.ds((i * _NW + wid) * 4 * n_blk, 4 * n_blk)])

    return sc_kernel


def kernel(cam_id, r, t, base_r, base_s, base_t):
    B = cam_id.shape[0]
    N = r.shape[0]
    n_blk = B // (_NW * _BLK)
    idx = cam_id.astype(jnp.int32).reshape(_NW * n_blk, 1, _BLK)
    offs = (N * jnp.arange(3, dtype=jnp.int32)).reshape(1, 3, 1)
    idx3 = (idx + offs).reshape(_NW * n_blk * 3, _BLK)
    base = jnp.concatenate([
        base_r.reshape(3).astype(jnp.float32),
        base_s.reshape(1).astype(jnp.float32),
        base_t.reshape(3).astype(jnp.float32),
        jnp.zeros((1,), jnp.float32),
    ])
    base = jnp.broadcast_to(base[:, None], (8, 16))
    out2d = _make_sc_kernel(n_blk)(
        idx3, r.T.reshape(-1), t.T.reshape(-1), base)
    s = out2d.reshape(4, _NW * n_blk, 4, _BLK)
    return s.transpose(1, 3, 0, 2).reshape(B, 4, 4)

# --- scband reference (transcript-rebuilt; emitter-appended) ---
"""Pipeline reference for scband-rel-pose-net-25185688224574 (READ-ONLY COPY).

The authoritative reference and input builder live on the scoring server;
editing this copy changes nothing except your own understanding.
"""

import jax, jax.numpy as jnp
import numpy as np

NUM_FRAMES = 1000000
BATCH = 16384


def _axis_angle_to_matrix(aa):
    sq = jnp.sum(aa * aa, axis=-1, keepdims=True)
    angle = jnp.sqrt(sq + 1e-12)
    axis = aa / angle
    x = axis[..., 0]
    y = axis[..., 1]
    z = axis[..., 2]
    s = jnp.sin(angle)[..., 0]
    c = jnp.cos(angle)[..., 0]
    C = 1.0 - c
    R00 = c + x * x * C
    R01 = x * y * C - z * s
    R02 = x * z * C + y * s
    R10 = y * x * C + z * s
    R11 = c + y * y * C
    R12 = y * z * C - x * s
    R20 = z * x * C - y * s
    R21 = z * y * C + x * s
    R22 = c + z * z * C
    R = jnp.stack([R00, R01, R02, R10, R11, R12, R20, R21, R22], axis=-1)
    return R.reshape(aa.shape[:-1] + (3, 3))


def _axis_angle_t_to_matrix(r, t):
    R = _axis_angle_to_matrix(r)
    N = r.shape[0]
    top = jnp.concatenate([R, t[..., None]], axis=-1)
    bottom = jnp.broadcast_to(jnp.array([0.0, 0.0, 0.0, 1.0], dtype=R.dtype), (N, 1, 4))
    return jnp.concatenate([top, bottom], axis=-2)


def _rt_to_homo(rot, t, s):
    rot = rot * s[..., None, None]
    N = rot.shape[0]
    top = jnp.concatenate([rot, t[..., None]], axis=-1)
    bottom = jnp.broadcast_to(jnp.array([0.0, 0.0, 0.0, 1.0], dtype=rot.dtype), (N, 1, 4))
    return jnp.concatenate([top, bottom], axis=-2)


def setup_inputs(seed: int = 0) -> dict:
    key = jax.random.key(seed)
    k1, k2, k3, k4, k5, k6 = jax.random.split(key, 6)
    cam_id = jax.random.randint(k1, (BATCH,), 0, NUM_FRAMES)
    # learned per-frame parameters (torch inits to zeros; use small randn for nontrivial math)
    r = 0.01 * jax.random.normal(k2, (NUM_FRAMES, 3), dtype=jnp.float32)
    t = 0.01 * jax.random.normal(k3, (NUM_FRAMES, 3), dtype=jnp.float32)
    # base pose params derived from init_pose=identity
    base_r = 0.01 * jax.random.normal(k4, (1, 3), dtype=jnp.float32)
    base_s = jnp.ones((1,), dtype=jnp.float32)
    base_t = 0.01 * jax.random.normal(k5, (1, 3), dtype=jnp.float32)
    return {"cam_id": cam_id, "r": r, "t": t, "base_r": base_r, "base_s": base_s, "base_t": base_t}


def reference(cam_id, r, t, base_r, base_s, base_t):
    # torch.gather(self.r, 0, stack(3*[cam_id], -1)) == row gather r[cam_id]
    rr = jnp.take(r, cam_id, axis=0)
    tt = jnp.take(t, cam_id, axis=0)
    frameTbase = _axis_angle_t_to_matrix(rr, tt)  # (B, 4, 4)
    base = _rt_to_homo(_axis_angle_to_matrix(base_r), base_t, base_s)  # (1, 4, 4)
    base = jnp.broadcast_to(base, (cam_id.shape[0], 4, 4))
    frame_pose = frameTbase @ base
    return frame_pose

if __name__ == "__main__":
    import jax
    _d = setup_inputs()
    print(jax.jit(kernel)(*tuple(_d.values())))

</pallas_src>

<mosaic_0001>
#map = affine_map<(d0, d1) -> (0, 0)>
#map1 = affine_map<(d0, d1) -> (0)>
module attributes {stable_mosaic.version = 14 : i64} {
  func.func @sc_kernel(%arg0: i32, %arg1: i32, %arg2: memref<384x128xi32, #tpu.memory_space<hbm>>, %arg3: memref<3000000xf32, #tpu.memory_space<hbm>>, %arg4: memref<3000000xf32, #tpu.memory_space<hbm>>, %arg5: memref<8x16xf32, #tpu.memory_space<hbm>>, %arg6: memref<2048x128xf32, #tpu.memory_space<hbm>>, %arg7: memref<12x128xi32, #tpu.memory_space<vmem>>, %arg8: memref<24x128xf32, #tpu.memory_space<vmem>>, %arg9: memref<4x16x128xf32, #tpu.memory_space<vmem>>, %arg10: memref<8x16xf32, #tpu.memory_space<vmem>>, %arg11: memref<!tpu.dma_semaphore, #tpu.memory_space<semaphore_mem>>) attributes {dimension_semantics = [#tpu.dimension_semantics<core_parallel>, #tpu.dimension_semantics<subcore_parallel>], iteration_bounds = array<i64: 2, 16>, scalar_prefetch = 0 : i64, scratch_operands = 5 : i64, tpu.core_type = #tpu.core_type<sc_vector_subcore>, window_params = [{transform_indices = #map}, {transform_indices = #map1}, {transform_indices = #map1}, {transform_indices = #map}, {transform_indices = #map}]} {
    %mul3A = arith.constant 2 : i32
    %mul3A_0 = arith.muli %arg1, %mul3A : i32
    %add3A = arith.addi %mul3A_0, %arg0 : i32
    %mul3A_1 = arith.constant 3 : i32
    %mul3A_2 = arith.muli %add3A, %mul3A_1 : i32
    %mul3A_3 = arith.constant 4 : i32
    %mul3A_4 = arith.muli %mul3A_2, %mul3A_3 : i32
    "tpu.region"() ({
      %run_scoped3A_656 = tpu.sem_alloc : memref<!tpu.dma_semaphore, #tpu.memory_space<semaphore_mem>>
      %dma_start3A_657 = arith.constant 0 : i32
      %dma_start3A_658 = tpu.memref_slice %arg2[%mul3A_4, %dma_start3A_657] : memref<384x128xi32, #tpu.memory_space<hbm>> -> memref<12x128xi32, #tpu.memory_space<hbm>>
      %dma_start3A_659 = arith.constant 0 : i32
      %dma_start3A_660 = tpu.memref_slice %arg2[%mul3A_4, %dma_start3A_659] : memref<384x128xi32, #tpu.memory_space<hbm>> -> memref<12x128xi32, #tpu.memory_space<hbm>>
      tpu.enqueue_dma source(%dma_start3A_660 : memref<12x128xi32, #tpu.memory_space<hbm>>) target(%arg7 : memref<12x128xi32, #tpu.memory_space<vmem>>) target_semaphore(%run_scoped3A_656 : memref<!tpu.dma_semaphore, #tpu.memory_space<semaphore_mem>>)
      %dma_wait3A_661 = arith.constant 0 : i32
      %dma_wait3A_662 = tpu.memref_slice %arg2[%mul3A_4, %dma_wait3A_661] : memref<384x128xi32, #tpu.memory_space<hbm>> -> memref<12x128xi32, #tpu.memory_space<hbm>>
      %dma_wait3A_663 = arith.constant 0 : i32
      %dma_wait3A_664 = tpu.memref_slice %arg2[%mul3A_4, %dma_wait3A_663] : memref<384x128xi32, #tpu.memory_space<hbm>> -> memref<12x128xi32, #tpu.memory_space<hbm>>
      tpu.wait_dma2 semaphore(%run_scoped3A_656 : memref<!tpu.dma_semaphore, #tpu.memory_space<semaphore_mem>>) src(%dma_wait3A_664 : memref<12x128xi32, #tpu.memory_space<hbm>>) dst(%arg7 : memref<12x128xi32, #tpu.memory_space<vmem>>)
      tpu.yield
    }) : () -> ()
    %dma_start3A = arith.constant 0 : i32
    %dma_start3A_5 = arith.constant 0 : i32
    %dma_start3A_6 = arith.constant 0 : i32
    %dma_start3A_7 = tpu.memref_slice %arg8[%dma_start3A_5, %dma_start3A_6] : memref<24x128xf32, #tpu.memory_space<vmem>> -> memref<1x128xf32, #tpu.memory_space<vmem>>
    %dma_start3A_8 = tpu.memref_squeeze %dma_start3A_7 : memref<1x128xf32, #tpu.memory_space<vmem>> -> memref<128xf32, #tpu.memory_space<vmem>>
    %dma_start3A_9 = arith.constant 0 : i32
    %dma_start3A_10 = tpu.memref_slice %arg7[%dma_start3A, %dma_start3A_9] : memref<12x128xi32, #tpu.memory_space<vmem>> -> memref<1x128xi32, #tpu.memory_space<vmem>>
    %dma_start3A_11 = tpu.memref_squeeze %dma_start3A_10 : memref<1x128xi32, #tpu.memory_space<vmem>> -> memref<128xi32, #tpu.memory_space<vmem>>
    %dma_start3A_12 = arith.constant 0 : i32
    %dma_start3A_13 = tpu.memref_slice %arg3[%dma_start3A_12] : memref<3000000xf32, #tpu.memory_space<hbm>> -> memref<3000000xf32, #tpu.memory_space<hbm>>
    tpu.enqueue_indirect_dma source(%dma_start3A_13 : memref<3000000xf32, #tpu.memory_space<hbm>>) target(%dma_start3A_8 : memref<128xf32, #tpu.memory_space<vmem>>) offsets(%dma_start3A_11 : memref<128xi32, #tpu.memory_space<vmem>>) semaphore(%arg11 : memref<!tpu.dma_semaphore, #tpu.memory_space<semaphore_mem>>)
    %dma_start3A_14 = arith.constant 0 : i32
    %dma_start3A_15 = arith.constant 3 : i32
    %dma_start3A_16 = arith.constant 0 : i32
    %dma_start3A_17 = tpu.memref_slice %arg8[%dma_start3A_15, %dma_start3A_16] : memref<24x128xf32, #tpu.memory_space<vmem>> -> memref<1x128xf32, #tpu.memory_space<vmem>>
    %dma_start3A_18 = tpu.memref_squeeze %dma_start3A_17 : memref<1x128xf32, #tpu.memory_space<vmem>> -> memref<128xf32, #tpu.memory_space<vmem>>
    %dma_start3A_19 = arith.constant 0 : i32
    %dma_start3A_20 = tpu.memref_slice %arg7[%dma_start3A_14, %dma_start3A_19] : memref<12x128xi32, #tpu.memory_space<vmem>> -> memref<1x128xi32, #tpu.memory_space<vmem>>
    %dma_start3A_21 = tpu.memref_squeeze %dma_start3A_20 : memref<1x128xi32, #tpu.memory_space<vmem>> -> memref<128xi32, #tpu.memory_space<vmem>>
    %dma_start3A_22 = arith.constant 0 : i32
    %dma_start3A_23 = tpu.memref_slice %arg4[%dma_start3A_22] : memref<3000000xf32, #tpu.memory_space<hbm>> -> memref<3000000xf32, #tpu.memory_space<hbm>>
    tpu.enqueue_indirect_dma source(%dma_start3A_23 : memref<3000000xf32, #tpu.memory_space<hbm>>) target(%dma_start3A_18 : memref<128xf32, #tpu.memory_space<vmem>>) offsets(%dma_start3A_21 : memref<128xi32, #tpu.memory_space<vmem>>) semaphore(%arg11 : memref<!tpu.dma_semaphore, #tpu.memory_space<semaphore_mem>>)
    %dma_start3A_24 = arith.constant 1 : i32
    %dma_start3A_25 = arith.constant 1 : i32
    %dma_start3A_26 = arith.constant 0 : i32
    %dma_start3A_27 = tpu.memref_slice %arg8[%dma_start3A_25, %dma_start3A_26] : memref<24x128xf32, #tpu.memory_space<vmem>> -> memref<1x128xf32, #tpu.memory_space<vmem>>
    %dma_start3A_28 = tpu.memref_squeeze %dma_start3A_27 : memref<1x128xf32, #tpu.memory_space<vmem>> -> memref<128xf32, #tpu.memory_space<vmem>>
    %dma_start3A_29 = arith.constant 0 : i32
    %dma_start3A_30 = tpu.memref_slice %arg7[%dma_start3A_24, %dma_start3A_29] : memref<12x128xi32, #tpu.memory_space<vmem>> -> memref<1x128xi32, #tpu.memory_space<vmem>>
    %dma_start3A_31 = tpu.memref_squeeze %dma_start3A_30 : memref<1x128xi32, #tpu.memory_space<vmem>> -> memref<128xi32, #tpu.memory_space<vmem>>
    %dma_start3A_32 = arith.constant 0 : i32
    %dma_start3A_33 = tpu.memref_slice %arg3[%dma_start3A_32] : memref<3000000xf32, #tpu.memory_space<hbm>> -> memref<3000000xf32, #tpu.memory_space<hbm>>
    tpu.enqueue_indirect_dma source(%dma_start3A_33 : memref<3000000xf32, #tpu.memory_space<hbm>>) target(%dma_start3A_28 : memref<128xf32, #tpu.memory_space<vmem>>) offsets(%dma_start3A_31 : memref<128xi32, #tpu.memory_space<vmem>>) semaphore(%arg11 : memref<!tpu.dma_semaphore, #tpu.memory_space<semaphore_mem>>)
    %dma_start3A_34 = arith.constant 1 : i32
    %dma_start3A_35 = arith.constant 4 : i32
    %dma_start3A_36 = arith.constant 0 : i32
    %dma_start3A_37 = tpu.memref_slice %arg8[%dma_start3A_35, %dma_start3A_36] : memref<24x128xf32, #tpu.memory_space<vmem>> -> memref<1x128xf32, #tpu.memory_space<vmem>>
    %dma_start3A_38 = tpu.memref_squeeze %dma_start3A_37 : memref<1x128xf32, #tpu.memory_space<vmem>> -> memref<128xf32, #tpu.memory_space<vmem>>
    %dma_start3A_39 = arith.constant 0 : i32
    %dma_start3A_40 = tpu.memref_slice %arg7[%dma_start3A_34, %dma_start3A_39] : memref<12x128xi32, #tpu.memory_space<vmem>> -> memref<1x128xi32, #tpu.memory_space<vmem>>
    %dma_start3A_41 = tpu.memref_squeeze %dma_start3A_40 : memref<1x128xi32, #tpu.memory_space<vmem>> -> memref<128xi32, #tpu.memory_space<vmem>>
    %dma_start3A_42 = arith.constant 0 : i32
    %dma_start3A_43 = tpu.memref_slice %arg4[%dma_start3A_42] : memref<3000000xf32, #tpu.memory_space<hbm>> -> memref<3000000xf32, #tpu.memory_space<hbm>>
    tpu.enqueue_indirect_dma source(%dma_start3A_43 : memref<3000000xf32, #tpu.memory_space<hbm>>) target(%dma_start3A_38 : memref<128xf32, #tpu.memory_space<vmem>>) offsets(%dma_start3A_41 : memref<128xi32, #tpu.memory_space<vmem>>) semaphore(%arg11 : memref<!tpu.dma_semaphore, #tpu.memory_space<semaphore_mem>>)
    %dma_start3A_44 = arith.constant 2 : i32
    %dma_start3A_45 = arith.constant 2 : i32
    %dma_start3A_46 = arith.constant 0 : i32
    %dma_start3A_47 = tpu.memref_slice %arg8[%dma_start3A_45, %dma_start3A_46] : memref<24x128xf32, #tpu.memory_space<vmem>> -> memref<1x128xf32, #tpu.memory_space<vmem>>
    %dma_start3A_48 = tpu.memref_squeeze %dma_start3A_47 : memref<1x128xf32, #tpu.memory_space<vmem>> -> memref<128xf32, #tpu.memory_space<vmem>>
    %dma_start3A_49 = arith.constant 0 : i32
    %dma_start3A_50 = tpu.memref_slice %arg7[%dma_start3A_44, %dma_start3A_49] : memref<12x128xi32, #tpu.memory_space<vmem>> -> memref<1x128xi32, #tpu.memory_space<vmem>>
    %dma_start3A_51 = tpu.memref_squeeze %dma_start3A_50 : memref<1x128xi32, #tpu.memory_space<vmem>> -> memref<128xi32, #tpu.memory_space<vmem>>
    %dma_start3A_52 = arith.constant 0 : i32
    %dma_start3A_53 = tpu.memref_slice %arg3[%dma_start3A_52] : memref<3000000xf32, #tpu.memory_space<hbm>> -> memref<3000000xf32, #tpu.memory_space<hbm>>
    tpu.enqueue_indirect_dma source(%dma_start3A_53 : memref<3000000xf32, #tpu.memory_space<hbm>>) target(%dma_start3A_48 : memref<128xf32, #tpu.memory_space<vmem>>) offsets(%dma_start3A_51 : memref<128xi32, #tpu.memory_space<vmem>>) semaphore(%arg11 : memref<!tpu.dma_semaphore, #tpu.memory_space<semaphore_mem>>)
    %dma_start3A_54 = arith.constant 2 : i32
    %dma_start3A_55 = arith.constant 5 : i32
    %dma_start3A_56 = arith.constant 0 : i32
    %dma_start3A_57 = tpu.memref_slice %arg8[%dma_start3A_55, %dma_start3A_56] : memref<24x128xf32, #tpu.memory_space<vmem>> -> memref<1x128xf32, #tpu.memory_space<vmem>>
    %dma_start3A_58 = tpu.memref_squeeze %dma_start3A_57 : memref<1x128xf32, #tpu.memory_space<vmem>> -> memref<128xf32, #tpu.memory_space<vmem>>
    %dma_start3A_59 = arith.constant 0 : i32
    %dma_start3A_60 = tpu.memref_slice %arg7[%dma_start3A_54, %dma_start3A_59] : memref<12x128xi32, #tpu.memory_space<vmem>> -> memref<1x128xi32, #tpu.memory_space<vmem>>
    %dma_start3A_61 = tpu.memref_squeeze %dma_start3A_60 : memref<1x128xi32, #tpu.memory_space<vmem>> -> memref<128xi32, #tpu.memory_space<vmem>>
    %dma_start3A_62 = arith.constant 0 : i32
    %dma_start3A_63 = tpu.memref_slice %arg4[%dma_start3A_62] : memref<3000000xf32, #tpu.memory_space<hbm>> -> memref<3000000xf32, #tpu.memory_space<hbm>>
    tpu.enqueue_indirect_dma source(%dma_start3A_63 : memref<3000000xf32, #tpu.memory_space<hbm>>) target(%dma_start3A_58 : memref<128xf32, #tpu.memory_space<vmem>>) offsets(%dma_start3A_61 : memref<128xi32, #tpu.memory_space<vmem>>) semaphore(%arg11 : memref<!tpu.dma_semaphore, #tpu.memory_space<semaphore_mem>>)
    %dma_start3A_64 = arith.constant 3 : i32
    %dma_start3A_65 = arith.constant 6 : i32
    %dma_start3A_66 = arith.constant 0 : i32
    %dma_start3A_67 = tpu.memref_slice %arg8[%dma_start3A_65, %dma_start3A_66] : memref<24x128xf32, #tpu.memory_space<vmem>> -> memref<1x128xf32, #tpu.memory_space<vmem>>
    %dma_start3A_68 = tpu.memref_squeeze %dma_start3A_67 : memref<1x128xf32, #tpu.memory_space<vmem>> -> memref<128xf32, #tpu.memory_space<vmem>>
    %dma_start3A_69 = arith.constant 0 : i32
    %dma_start3A_70 = tpu.memref_slice %arg7[%dma_start3A_64, %dma_start3A_69] : memref<12x128xi32, #tpu.memory_space<vmem>> -> memref<1x128xi32, #tpu.memory_space<vmem>>
    %dma_start3A_71 = tpu.memref_squeeze %dma_start3A_70 : memref<1x128xi32, #tpu.memory_space<vmem>> -> memref<128xi32, #tpu.memory_space<vmem>>
    %dma_start3A_72 = arith.constant 0 : i32
    %dma_start3A_73 = tpu.memref_slice %arg3[%dma_start3A_72] : memref<3000000xf32, #tpu.memory_space<hbm>> -> memref<3000000xf32, #tpu.memory_space<hbm>>
    tpu.enqueue_indirect_dma source(%dma_start3A_73 : memref<3000000xf32, #tpu.memory_space<hbm>>) target(%dma_start3A_68 : memref<128xf32, #tpu.memory_space<vmem>>) offsets(%dma_start3A_71 : memref<128xi32, #tpu.memory_space<vmem>>) semaphore(%arg11 : memref<!tpu.dma_semaphore, #tpu.memory_space<semaphore_mem>>)
    %dma_start3A_74 = arith.constant 3 : i32
    %dma_start3A_75 = arith.constant 9 : i32
    %dma_start3A_76 = arith.constant 0 : i32
    %dma_start3A_77 = tpu.memref_slice %arg8[%dma_start3A_75, %dma_start3A_76] : memref<24x128xf32, #tpu.memory_space<vmem>> -> memref<1x128xf32, #tpu.memory_space<vmem>>
    %dma_start3A_78 = tpu.memref_squeeze %dma_start3A_77 : memref<1x128xf32, #tpu.memory_space<vmem>> -> memref<128xf32, #tpu.memory_space<vmem>>
    %dma_start3A_79 = arith.constant 0 : i32
    %dma_start3A_80 = tpu.memref_slice %arg7[%dma_start3A_74, %dma_start3A_79] : memref<12x128xi32, #tpu.memory_space<vmem>> -> memref<1x128xi32, #tpu.memory_space<vmem>>
    %dma_start3A_81 = tpu.memref_squeeze %dma_start3A_80 : memref<1x128xi32, #tpu.memory_space<vmem>> -> memref<128xi32, #tpu.memory_space<vmem>>
    %dma_start3A_82 = arith.constant 0 : i32
    %dma_start3A_83 = tpu.memref_slice %arg4[%dma_start3A_82] : memref<3000000xf32, #tpu.memory_space<hbm>> -> memref<3000000xf32, #tpu.memory_space<hbm>>
    tpu.enqueue_indirect_dma source(%dma_start3A_83 : memref<3000000xf32, #tpu.memory_space<hbm>>) target(%dma_start3A_78 : memref<128xf32, #tpu.memory_space<vmem>>) offsets(%dma_start3A_81 : memref<128xi32, #tpu.memory_space<vmem>>) semaphore(%arg11 : memref<!tpu.dma_semaphore, #tpu.memory_space<semaphore_mem>>)
    %dma_start3A_84 = arith.constant 4 : i32
    %dma_start3A_85 = arith.constant 7 : i32
    %dma_start3A_86 = arith.constant 0 : i32
    %dma_start3A_87 = tpu.memref_slice %arg8[%dma_start3A_85, %dma_start3A_86] : memref<24x128xf32, #tpu.memory_space<vmem>> -> memref<1x128xf32, #tpu.memory_space<vmem>>
    %dma_start3A_88 = tpu.memref_squeeze %dma_start3A_87 : memref<1x128xf32, #tpu.memory_space<vmem>> -> memref<128xf32, #tpu.memory_space<vmem>>
    %dma_start3A_89 = arith.constant 0 : i32
    %dma_start3A_90 = tpu.memref_slice %arg7[%dma_start3A_84, %dma_start3A_89] : memref<12x128xi32, #tpu.memory_space<vmem>> -> memref<1x128xi32, #tpu.memory_space<vmem>>
    %dma_start3A_91 = tpu.memref_squeeze %dma_start3A_90 : memref<1x128xi32, #tpu.memory_space<vmem>> -> memref<128xi32, #tpu.memory_space<vmem>>
    %dma_start3A_92 = arith.constant 0 : i32
    %dma_start3A_93 = tpu.memref_slice %arg3[%dma_start3A_92] : memref<3000000xf32, #tpu.memory_space<hbm>> -> memref<3000000xf32, #tpu.memory_space<hbm>>
    tpu.enqueue_indirect_dma source(%dma_start3A_93 : memref<3000000xf32, #tpu.memory_space<hbm>>) target(%dma_start3A_88 : memref<128xf32, #tpu.memory_space<vmem>>) offsets(%dma_start3A_91 : memref<128xi32, #tpu.memory_space<vmem>>) semaphore(%arg11 : memref<!tpu.dma_semaphore, #tpu.memory_space<semaphore_mem>>)
    %dma_start3A_94 = arith.constant 4 : i32
    %dma_start3A_95 = arith.constant 10 : i32
    %dma_start3A_96 = arith.constant 0 : i32
    %dma_start3A_97 = tpu.memref_slice %arg8[%dma_start3A_95, %dma_start3A_96] : memref<24x128xf32, #tpu.memory_space<vmem>> -> memref<1x128xf32, #tpu.memory_space<vmem>>
    %dma_start3A_98 = tpu.memref_squeeze %dma_start3A_97 : memref<1x128xf32, #tpu.memory_space<vmem>> -> memref<128xf32, #tpu.memory_space<vmem>>
    %dma_start3A_99 = arith.constant 0 : i32
    %dma_start3A_100 = tpu.memref_slice %arg7[%dma_start3A_94, %dma_start3A_99] : memref<12x128xi32, #tpu.memory_space<vmem>> -> memref<1x128xi32, #tpu.memory_space<vmem>>
    %dma_start3A_101 = tpu.memref_squeeze %dma_start3A_100 : memref<1x128xi32, #tpu.memory_space<vmem>> -> memref<128xi32, #tpu.memory_space<vmem>>
    %dma_start3A_102 = arith.constant 0 : i32
    %dma_start3A_103 = tpu.memref_slice %arg4[%dma_start3A_102] : memref<3000000xf32, #tpu.memory_space<hbm>> -> memref<3000000xf32, #tpu.memory_space<hbm>>
    tpu.enqueue_indirect_dma source(%dma_start3A_103 : memref<3000000xf32, #tpu.memory_space<hbm>>) target(%dma_start3A_98 : memref<128xf32, #tpu.memory_space<vmem>>) offsets(%dma_start3A_101 : memref<128xi32, #tpu.memory_space<vmem>>) semaphore(%arg11 : memref<!tpu.dma_semaphore, #tpu.memory_space<semaphore_mem>>)
    %dma_start3A_104 = arith.constant 5 : i32
    %dma_start3A_105 = arith.constant 8 : i32
    %dma_start3A_106 = arith.constant 0 : i32
    %dma_start3A_107 = tpu.memref_slice %arg8[%dma_start3A_105, %dma_start3A_106] : memref<24x128xf32, #tpu.memory_space<vmem>> -> memref<1x128xf32, #tpu.memory_space<vmem>>
    %dma_start3A_108 = tpu.memref_squeeze %dma_start3A_107 : memref<1x128xf32, #tpu.memory_space<vmem>> -> memref<128xf32, #tpu.memory_space<vmem>>
    %dma_start3A_109 = arith.constant 0 : i32
    %dma_start3A_110 = tpu.memref_slice %arg7[%dma_start3A_104, %dma_start3A_109] : memref<12x128xi32, #tpu.memory_space<vmem>> -> memref<1x128xi32, #tpu.memory_space<vmem>>
    %dma_start3A_111 = tpu.memref_squeeze %dma_start3A_110 : memref<1x128xi32, #tpu.memory_space<vmem>> -> memref<128xi32, #tpu.memory_space<vmem>>
    %dma_start3A_112 = arith.constant 0 : i32
    %dma_start3A_113 = tpu.memref_slice %arg3[%dma_start3A_112] : memref<3000000xf32, #tpu.memory_space<hbm>> -> memref<3000000xf32, #tpu.memory_space<hbm>>
    tpu.enqueue_indirect_dma source(%dma_start3A_113 : memref<3000000xf32, #tpu.memory_space<hbm>>) target(%dma_start3A_108 : memref<128xf32, #tpu.memory_space<vmem>>) offsets(%dma_start3A_111 : memref<128xi32, #tpu.memory_space<vmem>>) semaphore(%arg11 : memref<!tpu.dma_semaphore, #tpu.memory_space<semaphore_mem>>)
    %dma_start3A_114 = arith.constant 5 : i32
    %dma_start3A_115 = arith.constant 11 : i32
    %dma_start3A_116 = arith.constant 0 : i32
    %dma_start3A_117 = tpu.memref_slice %arg8[%dma_start3A_115, %dma_start3A_116] : memref<24x128xf32, #tpu.memory_space<vmem>> -> memref<1x128xf32, #tpu.memory_space<vmem>>
    %dma_start3A_118 = tpu.memref_squeeze %dma_start3A_117 : memref<1x128xf32, #tpu.memory_space<vmem>> -> memref<128xf32, #tpu.memory_space<vmem>>
    %dma_start3A_119 = arith.constant 0 : i32
    %dma_start3A_120 = tpu.memref_slice %arg7[%dma_start3A_114, %dma_start3A_119] : memref<12x128xi32, #tpu.memory_space<vmem>> -> memref<1x128xi32, #tpu.memory_space<vmem>>
    %dma_start3A_121 = tpu.memref_squeeze %dma_start3A_120 : memref<1x128xi32, #tpu.memory_space<vmem>> -> memref<128xi32, #tpu.memory_space<vmem>>
    %dma_start3A_122 = arith.constant 0 : i32
    %dma_start3A_123 = tpu.memref_slice %arg4[%dma_start3A_122] : memref<3000000xf32, #tpu.memory_space<hbm>> -> memref<3000000xf32, #tpu.memory_space<hbm>>
    tpu.enqueue_indirect_dma source(%dma_start3A_123 : memref<3000000xf32, #tpu.memory_space<hbm>>) target(%dma_start3A_118 : memref<128xf32, #tpu.memory_space<vmem>>) offsets(%dma_start3A_121 : memref<128xi32, #tpu.memory_space<vmem>>) semaphore(%arg11 : memref<!tpu.dma_semaphore, #tpu.memory_space<semaphore_mem>>)
    %dma_start3A_124 = arith.constant 6 : i32
    %dma_start3A_125 = arith.constant 12 : i32
    %dma_start3A_126 = arith.constant 0 : i32
    %dma_start3A_127 = tpu.memref_slice %arg8[%dma_start3A_125, %dma_start3A_126] : memref<24x128xf32, #tpu.memory_space<vmem>> -> memref<1x128xf32, #tpu.memory_space<vmem>>
    %dma_start3A_128 = tpu.memref_squeeze %dma_start3A_127 : memref<1x128xf32, #tpu.memory_space<vmem>> -> memref<128xf32, #tpu.memory_space<vmem>>
    %dma_start3A_129 = arith.constant 0 : i32
    %dma_start3A_130 = tpu.memref_slice %arg7[%dma_start3A_124, %dma_start3A_129] : memref<12x128xi32, #tpu.memory_space<vmem>> -> memref<1x128xi32, #tpu.memory_space<vmem>>
    %dma_start3A_131 = tpu.memref_squeeze %dma_start3A_130 : memref<1x128xi32, #tpu.memory_space<vmem>> -> memref<128xi32, #tpu.memory_space<vmem>>
    %dma_start3A_132 = arith.constant 0 : i32
    %dma_start3A_133 = tpu.memref_slice %arg3[%dma_start3A_132] : memref<3000000xf32, #tpu.memory_space<hbm>> -> memref<3000000xf32, #tpu.memory_space<hbm>>
    tpu.enqueue_indirect_dma source(%dma_start3A_133 : memref<3000000xf32, #tpu.memory_space<hbm>>) target(%dma_start3A_128 : memref<128xf32, #tpu.memory_space<vmem>>) offsets(%dma_start3A_131 : memref<128xi32, #tpu.memory_space<vmem>>) semaphore(%arg11 : memref<!tpu.dma_semaphore, #tpu.memory_space<semaphore_mem>>)
    %dma_start3A_134 = arith.constant 6 : i32
    %dma_start3A_135 = arith.constant 15 : i32
    %dma_start3A_136 = arith.constant 0 : i32
    %dma_start3A_137 = tpu.memref_slice %arg8[%dma_start3A_135, %dma_start3A_136] : memref<24x128xf32, #tpu.memory_space<vmem>> -> memref<1x128xf32, #tpu.memory_space<vmem>>
    %dma_start3A_138 = tpu.memref_squeeze %dma_start3A_137 : memref<1x128xf32, #tpu.memory_space<vmem>> -> memref<128xf32, #tpu.memory_space<vmem>>
    %dma_start3A_139 = arith.constant 0 : i32
    %dma_start3A_140 = tpu.memref_slice %arg7[%dma_start3A_134, %dma_start3A_139] : memref<12x128xi32, #tpu.memory_space<vmem>> -> memref<1x128xi32, #tpu.memory_space<vmem>>
    %dma_start3A_141 = tpu.memref_squeeze %dma_start3A_140 : memref<1x128xi32, #tpu.memory_space<vmem>> -> memref<128xi32, #tpu.memory_space<vmem>>
    %dma_start3A_142 = arith.constant 0 : i32
    %dma_start3A_143 = tpu.memref_slice %arg4[%dma_start3A_142] : memref<3000000xf32, #tpu.memory_space<hbm>> -> memref<3000000xf32, #tpu.memory_space<hbm>>
    tpu.enqueue_indirect_dma source(%dma_start3A_143 : memref<3000000xf32, #tpu.memory_space<hbm>>) target(%dma_start3A_138 : memref<128xf32, #tpu.memory_space<vmem>>) offsets(%dma_start3A_141 : memref<128xi32, #tpu.memory_space<vmem>>) semaphore(%arg11 : memref<!tpu.dma_semaphore, #tpu.memory_space<semaphore_mem>>)
    %dma_start3A_144 = arith.constant 7 : i32
    %dma_start3A_145 = arith.constant 13 : i32
    %dma_start3A_146 = arith.constant 0 : i32
    %dma_start3A_147 = tpu.memref_slice %arg8[%dma_start3A_145, %dma_start3A_146] : memref<24x128xf32, #tpu.memory_space<vmem>> -> memref<1x128xf32, #tpu.memory_space<vmem>>
    %dma_start3A_148 = tpu.memref_squeeze %dma_start3A_147 : memref<1x128xf32, #tpu.memory_space<vmem>> -> memref<128xf32, #tpu.memory_space<vmem>>
    %dma_start3A_149 = arith.constant 0 : i32
    %dma_start3A_150 = tpu.memref_slice %arg7[%dma_start3A_144, %dma_start3A_149] : memref<12x128xi32, #tpu.memory_space<vmem>> -> memref<1x128xi32, #tpu.memory_space<vmem>>
    %dma_start3A_151 = tpu.memref_squeeze %dma_start3A_150 : memref<1x128xi32, #tpu.memory_space<vmem>> -> memref<128xi32, #tpu.memory_space<vmem>>
    %dma_start3A_152 = arith.constant 0 : i32
    %dma_start3A_153 = tpu.memref_slice %arg3[%dma_start3A_152] : memref<3000000xf32, #tpu.memory_space<hbm>> -> memref<3000000xf32, #tpu.memory_space<hbm>>
    tpu.enqueue_indirect_dma source(%dma_start3A_153 : memref<3000000xf32, #tpu.memory_space<hbm>>) target(%dma_start3A_148 : memref<128xf32, #tpu.memory_space<vmem>>) offsets(%dma_start3A_151 : memref<128xi32, #tpu.memory_space<vmem>>) semaphore(%arg11 : memref<!tpu.dma_semaphore, #tpu.memory_space<semaphore_mem>>)
    %dma_start3A_154 = arith.constant 7 : i32
    %dma_start3A_155 = arith.constant 16 : i32
    %dma_start3A_156 = arith.constant 0 : i32
    %dma_start3A_157 = tpu.memref_slice %arg8[%dma_start3A_155, %dma_start3A_156] : memref<24x128xf32, #tpu.memory_space<vmem>> -> memref<1x128xf32, #tpu.memory_space<vmem>>
    %dma_start3A_158 = tpu.memref_squeeze %dma_start3A_157 : memref<1x128xf32, #tpu.memory_space<vmem>> -> memref<128xf32, #tpu.memory_space<vmem>>
    %dma_start3A_159 = arith.constant 0 : i32
    %dma_start3A_160 = tpu.memref_slice %arg7[%dma_start3A_154, %dma_start3A_159] : memref<12x128xi32, #tpu.memory_space<vmem>> -> memref<1x128xi32, #tpu.memory_space<vmem>>
    %dma_start3A_161 = tpu.memref_squeeze %dma_start3A_160 : memref<1x128xi32, #tpu.memory_space<vmem>> -> memref<128xi32, #tpu.memory_space<vmem>>
    %dma_start3A_162 = arith.constant 0 : i32
    %dma_start3A_163 = tpu.memref_slice %arg4[%dma_start3A_162] : memref<3000000xf32, #tpu.memory_space<hbm>> -> memref<3000000xf32, #tpu.memory_space<hbm>>
    tpu.enqueue_indirect_dma source(%dma_start3A_163 : memref<3000000xf32, #tpu.memory_space<hbm>>) target(%dma_start3A_158 : memref<128xf32, #tpu.memory_space<vmem>>) offsets(%dma_start3A_161 : memref<128xi32, #tpu.memory_space<vmem>>) semaphore(%arg11 : memref<!tpu.dma_semaphore, #tpu.memory_space<semaphore_mem>>)
    %dma_start3A_164 = arith.constant 8 : i32
    %dma_start3A_165 = arith.constant 14 : i32
    %dma_start3A_166 = arith.constant 0 : i32
    %dma_start3A_167 = tpu.memref_slice %arg8[%dma_start3A_165, %dma_start3A_166] : memref<24x128xf32, #tpu.memory_space<vmem>> -> memref<1x128xf32, #tpu.memory_space<vmem>>
    %dma_start3A_168 = tpu.memref_squeeze %dma_start3A_167 : memref<1x128xf32, #tpu.memory_space<vmem>> -> memref<128xf32, #tpu.memory_space<vmem>>
    %dma_start3A_169 = arith.constant 0 : i32
    %dma_start3A_170 = tpu.memref_slice %arg7[%dma_start3A_164, %dma_start3A_169] : memref<12x128xi32, #tpu.memory_space<vmem>> -> memref<1x128xi32, #tpu.memory_space<vmem>>
    %dma_start3A_171 = tpu.memref_squeeze %dma_start3A_170 : memref<1x128xi32, #tpu.memory_space<vmem>> -> memref<128xi32, #tpu.memory_space<vmem>>
    %dma_start3A_172 = arith.constant 0 : i32
    %dma_start3A_173 = tpu.memref_slice %arg3[%dma_start3A_172] : memref<3000000xf32, #tpu.memory_space<hbm>> -> memref<3000000xf32, #tpu.memory_space<hbm>>
    tpu.enqueue_indirect_dma source(%dma_start3A_173 : memref<3000000xf32, #tpu.memory_space<hbm>>) target(%dma_start3A_168 : memref<128xf32, #tpu.memory_space<vmem>>) offsets(%dma_start3A_171 : memref<128xi32, #tpu.memory_space<vmem>>) semaphore(%arg11 : memref<!tpu.dma_semaphore, #tpu.memory_space<semaphore_mem>>)
    %dma_start3A_174 = arith.constant 8 : i32
    %dma_start3A_175 = arith.constant 17 : i32
    %dma_start3A_176 = arith.constant 0 : i32
    %dma_start3A_177 = tpu.memref_slice %arg8[%dma_start3A_175, %dma_start3A_176] : memref<24x128xf32, #tpu.memory_space<vmem>> -> memref<1x128xf32, #tpu.memory_space<vmem>>
    %dma_start3A_178 = tpu.memref_squeeze %dma_start3A_177 : memref<1x128xf32, #tpu.memory_space<vmem>> -> memref<128xf32, #tpu.memory_space<vmem>>
    %dma_start3A_179 = arith.constant 0 : i32
    %dma_start3A_180 = tpu.memref_slice %arg7[%dma_start3A_174, %dma_start3A_179] : memref<12x128xi32, #tpu.memory_space<vmem>> -> memref<1x128xi32, #tpu.memory_space<vmem>>
    %dma_start3A_181 = tpu.memref_squeeze %dma_start3A_180 : memref<1x128xi32, #tpu.memory_space<vmem>> -> memref<128xi32, #tpu.memory_space<vmem>>
    %dma_start3A_182 = arith.constant 0 : i32
    %dma_start3A_183 = tpu.memref_slice %arg4[%dma_start3A_182] : memref<3000000xf32, #tpu.memory_space<hbm>> -> memref<3000000xf32, #tpu.memory_space<hbm>>
    tpu.enqueue_indirect_dma source(%dma_start3A_183 : memref<3000000xf32, #tpu.memory_space<hbm>>) target(%dma_start3A_178 : memref<128xf32, #tpu.memory_space<vmem>>) offsets(%dma_start3A_181 : memref<128xi32, #tpu.memory_space<vmem>>) semaphore(%arg11 : memref<!tpu.dma_semaphore, #tpu.memory_space<semaphore_mem>>)
    %dma_start3A_184 = arith.constant 9 : i32
    %dma_start3A_185 = arith.constant 18 : i32
    %dma_start3A_186 = arith.constant 0 : i32
    %dma_start3A_187 = tpu.memref_slice %arg8[%dma_start3A_185, %dma_start3A_186] : memref<24x128xf32, #tpu.memory_space<vmem>> -> memref<1x128xf32, #tpu.memory_space<vmem>>
    %dma_start3A_188 = tpu.memref_squeeze %dma_start3A_187 : memref<1x128xf32, #tpu.memory_space<vmem>> -> memref<128xf32, #tpu.memory_space<vmem>>
    %dma_start3A_189 = arith.constant 0 : i32
    %dma_start3A_190 = tpu.memref_slice %arg7[%dma_start3A_184, %dma_start3A_189] : memref<12x128xi32, #tpu.memory_space<vmem>> -> memref<1x128xi32, #tpu.memory_space<vmem>>
    %dma_start3A_191 = tpu.memref_squeeze %dma_start3A_190 : memref<1x128xi32, #tpu.memory_space<vmem>> -> memref<128xi32, #tpu.memory_space<vmem>>
    %dma_start3A_192 = arith.constant 0 : i32
    %dma_start3A_193 = tpu.memref_slice %arg3[%dma_start3A_192] : memref<3000000xf32, #tpu.memory_space<hbm>> -> memref<3000000xf32, #tpu.memory_space<hbm>>
    tpu.enqueue_indirect_dma source(%dma_start3A_193 : memref<3000000xf32, #tpu.memory_space<hbm>>) target(%dma_start3A_188 : memref<128xf32, #tpu.memory_space<vmem>>) offsets(%dma_start3A_191 : memref<128xi32, #tpu.memory_space<vmem>>) semaphore(%arg11 : memref<!tpu.dma_semaphore, #tpu.memory_space<semaphore_mem>>)
    %dma_start3A_194 = arith.constant 9 : i32
    %dma_start3A_195 = arith.constant 21 : i32
    %dma_start3A_196 = arith.constant 0 : i32
    %dma_start3A_197 = tpu.memref_slice %arg8[%dma_start3A_195, %dma_start3A_196] : memref<24x128xf32, #tpu.memory_space<vmem>> -> memref<1x128xf32, #tpu.memory_space<vmem>>
    %dma_start3A_198 = tpu.memref_squeeze %dma_start3A_197 : memref<1x128xf32, #tpu.memory_space<vmem>> -> memref<128xf32, #tpu.memory_space<vmem>>
    %dma_start3A_199 = arith.constant 0 : i32
    %dma_start3A_200 = tpu.memref_slice %arg7[%dma_start3A_194, %dma_start3A_199] : memref<12x128xi32, #tpu.memory_space<vmem>> -> memref<1x128xi32, #tpu.memory_space<vmem>>
    %dma_start3A_201 = tpu.memref_squeeze %dma_start3A_200 : memref<1x128xi32, #tpu.memory_space<vmem>> -> memref<128xi32, #tpu.memory_space<vmem>>
    %dma_start3A_202 = arith.constant 0 : i32
    %dma_start3A_203 = tpu.memref_slice %arg4[%dma_start3A_202] : memref<3000000xf32, #tpu.memory_space<hbm>> -> memref<3000000xf32, #tpu.memory_space<hbm>>
    tpu.enqueue_indirect_dma source(%dma_start3A_203 : memref<3000000xf32, #tpu.memory_space<hbm>>) target(%dma_start3A_198 : memref<128xf32, #tpu.memory_space<vmem>>) offsets(%dma_start3A_201 : memref<128xi32, #tpu.memory_space<vmem>>) semaphore(%arg11 : memref<!tpu.dma_semaphore, #tpu.memory_space<semaphore_mem>>)
    %dma_start3A_204 = arith.constant 10 : i32
    %dma_start3A_205 = arith.constant 19 : i32
    %dma_start3A_206 = arith.constant 0 : i32
    %dma_start3A_207 = tpu.memref_slice %arg8[%dma_start3A_205, %dma_start3A_206] : memref<24x128xf32, #tpu.memory_space<vmem>> -> memref<1x128xf32, #tpu.memory_space<vmem>>
    %dma_start3A_208 = tpu.memref_squeeze %dma_start3A_207 : memref<1x128xf32, #tpu.memory_space<vmem>> -> memref<128xf32, #tpu.memory_space<vmem>>
    %dma_start3A_209 = arith.constant 0 : i32
    %dma_start3A_210 = tpu.memref_slice %arg7[%dma_start3A_204, %dma_start3A_209] : memref<12x128xi32, #tpu.memory_space<vmem>> -> memref<1x128xi32, #tpu.memory_space<vmem>>
    %dma_start3A_211 = tpu.memref_squeeze %dma_start3A_210 : memref<1x128xi32, #tpu.memory_space<vmem>> -> memref<128xi32, #tpu.memory_space<vmem>>
    %dma_start3A_212 = arith.constant 0 : i32
    %dma_start3A_213 = tpu.memref_slice %arg3[%dma_start3A_212] : memref<3000000xf32, #tpu.memory_space<hbm>> -> memref<3000000xf32, #tpu.memory_space<hbm>>
    tpu.enqueue_indirect_dma source(%dma_start3A_213 : memref<3000000xf32, #tpu.memory_space<hbm>>) target(%dma_start3A_208 : memref<128xf32, #tpu.memory_space<vmem>>) offsets(%dma_start3A_211 : memref<128xi32, #tpu.memory_space<vmem>>) semaphore(%arg11 : memref<!tpu.dma_semaphore, #tpu.memory_space<semaphore_mem>>)
    %dma_start3A_214 = arith.constant 10 : i32
    %dma_start3A_215 = arith.constant 22 : i32
    %dma_start3A_216 = arith.constant 0 : i32
    %dma_start3A_217 = tpu.memref_slice %arg8[%dma_start3A_215, %dma_start3A_216] : memref<24x128xf32, #tpu.memory_space<vmem>> -> memref<1x128xf32, #tpu.memory_space<vmem>>
    %dma_start3A_218 = tpu.memref_squeeze %dma_start3A_217 : memref<1x128xf32, #tpu.memory_space<vmem>> -> memref<128xf32, #tpu.memory_space<vmem>>
    %dma_start3A_219 = arith.constant 0 : i32
    %dma_start3A_220 = tpu.memref_slice %arg7[%dma_start3A_214, %dma_start3A_219] : memref<12x128xi32, #tpu.memory_space<vmem>> -> memref<1x128xi32, #tpu.memory_space<vmem>>
    %dma_start3A_221 = tpu.memref_squeeze %dma_start3A_220 : memref<1x128xi32, #tpu.memory_space<vmem>> -> memref<128xi32, #tpu.memory_space<vmem>>
    %dma_start3A_222 = arith.constant 0 : i32
    %dma_start3A_223 = tpu.memref_slice %arg4[%dma_start3A_222] : memref<3000000xf32, #tpu.memory_space<hbm>> -> memref<3000000xf32, #tpu.memory_space<hbm>>
    tpu.enqueue_indirect_dma source(%dma_start3A_223 : memref<3000000xf32, #tpu.memory_space<hbm>>) target(%dma_start3A_218 : memref<128xf32, #tpu.memory_space<vmem>>) offsets(%dma_start3A_221 : memref<128xi32, #tpu.memory_space<vmem>>) semaphore(%arg11 : memref<!tpu.dma_semaphore, #tpu.memory_space<semaphore_mem>>)
    %dma_start3A_224 = arith.constant 11 : i32
    %dma_start3A_225 = arith.constant 20 : i32
    %dma_start3A_226 = arith.constant 0 : i32
    %dma_start3A_227 = tpu.memref_slice %arg8[%dma_start3A_225, %dma_start3A_226] : memref<24x128xf32, #tpu.memory_space<vmem>> -> memref<1x128xf32, #tpu.memory_space<vmem>>
    %dma_start3A_228 = tpu.memref_squeeze %dma_start3A_227 : memref<1x128xf32, #tpu.memory_space<vmem>> -> memref<128xf32, #tpu.memory_space<vmem>>
    %dma_start3A_229 = arith.constant 0 : i32
    %dma_start3A_230 = tpu.memref_slice %arg7[%dma_start3A_224, %dma_start3A_229] : memref<12x128xi32, #tpu.memory_space<vmem>> -> memref<1x128xi32, #tpu.memory_space<vmem>>
    %dma_start3A_231 = tpu.memref_squeeze %dma_start3A_230 : memref<1x128xi32, #tpu.memory_space<vmem>> -> memref<128xi32, #tpu.memory_space<vmem>>
    %dma_start3A_232 = arith.constant 0 : i32
    %dma_start3A_233 = tpu.memref_slice %arg3[%dma_start3A_232] : memref<3000000xf32, #tpu.memory_space<hbm>> -> memref<3000000xf32, #tpu.memory_space<hbm>>
    tpu.enqueue_indirect_dma source(%dma_start3A_233 : memref<3000000xf32, #tpu.memory_space<hbm>>) target(%dma_start3A_228 : memref<128xf32, #tpu.memory_space<vmem>>) offsets(%dma_start3A_231 : memref<128xi32, #tpu.memory_space<vmem>>) semaphore(%arg11 : memref<!tpu.dma_semaphore, #tpu.memory_space<semaphore_mem>>)
    %dma_start3A_234 = arith.constant 11 : i32
    %dma_start3A_235 = arith.constant 23 : i32
    %dma_start3A_236 = arith.constant 0 : i32
    %dma_start3A_237 = tpu.memref_slice %arg8[%dma_start3A_235, %dma_start3A_236] : memref<24x128xf32, #tpu.memory_space<vmem>> -> memref<1x128xf32, #tpu.memory_space<vmem>>
    %dma_start3A_238 = tpu.memref_squeeze %dma_start3A_237 : memref<1x128xf32, #tpu.memory_space<vmem>> -> memref<128xf32, #tpu.memory_space<vmem>>
    %dma_start3A_239 = arith.constant 0 : i32
    %dma_start3A_240 = tpu.memref_slice %arg7[%dma_start3A_234, %dma_start3A_239] : memref<12x128xi32, #tpu.memory_space<vmem>> -> memref<1x128xi32, #tpu.memory_space<vmem>>
    %dma_start3A_241 = tpu.memref_squeeze %dma_start3A_240 : memref<1x128xi32, #tpu.memory_space<vmem>> -> memref<128xi32, #tpu.memory_space<vmem>>
    %dma_start3A_242 = arith.constant 0 : i32
    %dma_start3A_243 = tpu.memref_slice %arg4[%dma_start3A_242] : memref<3000000xf32, #tpu.memory_space<hbm>> -> memref<3000000xf32, #tpu.memory_space<hbm>>
    tpu.enqueue_indirect_dma source(%dma_start3A_243 : memref<3000000xf32, #tpu.memory_space<hbm>>) target(%dma_start3A_238 : memref<128xf32, #tpu.memory_space<vmem>>) offsets(%dma_start3A_241 : memref<128xi32, #tpu.memory_space<vmem>>) semaphore(%arg11 : memref<!tpu.dma_semaphore, #tpu.memory_space<semaphore_mem>>)
    "tpu.region"() ({
      %run_scoped3A_656 = tpu.sem_alloc : memref<!tpu.dma_semaphore, #tpu.memory_space<semaphore_mem>>
      tpu.enqueue_dma source(%arg5 : memref<8x16xf32, #tpu.memory_space<hbm>>) target(%arg10 : memref<8x16xf32, #tpu.memory_space<vmem>>) target_semaphore(%run_scoped3A_656 : memref<!tpu.dma_semaphore, #tpu.memory_space<semaphore_mem>>)
      tpu.wait_dma2 semaphore(%run_scoped3A_656 : memref<!tpu.dma_semaphore, #tpu.memory_space<semaphore_mem>>) src(%arg5 : memref<8x16xf32, #tpu.memory_space<hbm>>) dst(%arg10 : memref<8x16xf32, #tpu.memory_space<vmem>>)
      tpu.yield
    }) : () -> ()
    %dma_wait3A = arith.constant 0 : i32
    %dma_wait3A_244 = arith.constant 0 : i32
    %dma_wait3A_245 = arith.constant 0 : i32
    %dma_wait3A_246 = tpu.memref_slice %arg8[%dma_wait3A_244, %dma_wait3A_245] : memref<24x128xf32, #tpu.memory_space<vmem>> -> memref<1x128xf32, #tpu.memory_space<vmem>>
    %dma_wait3A_247 = tpu.memref_squeeze %dma_wait3A_246 : memref<1x128xf32, #tpu.memory_space<vmem>> -> memref<128xf32, #tpu.memory_space<vmem>>
    %dma_wait3A_248 = arith.constant 0 : i32
    %dma_wait3A_249 = tpu.memref_slice %arg7[%dma_wait3A, %dma_wait3A_248] : memref<12x128xi32, #tpu.memory_space<vmem>> -> memref<1x128xi32, #tpu.memory_space<vmem>>
    %dma_wait3A_250 = tpu.memref_squeeze %dma_wait3A_249 : memref<1x128xi32, #tpu.memory_space<vmem>> -> memref<128xi32, #tpu.memory_space<vmem>>
    %dma_wait3A_251 = arith.constant 0 : i32
    %dma_wait3A_252 = tpu.memref_slice %arg3[%dma_wait3A_251] : memref<3000000xf32, #tpu.memory_space<hbm>> -> memref<3000000xf32, #tpu.memory_space<hbm>>
    tpu.wait_indirect_dma semaphore(%arg11 : memref<!tpu.dma_semaphore, #tpu.memory_space<semaphore_mem>>) src(%dma_wait3A_252 : memref<3000000xf32, #tpu.memory_space<hbm>>) dst(%dma_wait3A_247 : memref<128xf32, #tpu.memory_space<vmem>>)
    %dma_wait3A_253 = arith.constant 0 : i32
    %dma_wait3A_254 = arith.constant 3 : i32
    %dma_wait3A_255 = arith.constant 0 : i32
    %dma_wait3A_256 = tpu.memref_slice %arg8[%dma_wait3A_254, %dma_wait3A_255] : memref<24x128xf32, #tpu.memory_space<vmem>> -> memref<1x128xf32, #tpu.memory_space<vmem>>
    %dma_wait3A_257 = tpu.memref_squeeze %dma_wait3A_256 : memref<1x128xf32, #tpu.memory_space<vmem>> -> memref<128xf32, #tpu.memory_space<vmem>>
    %dma_wait3A_258 = arith.constant 0 : i32
    %dma_wait3A_259 = tpu.memref_slice %arg7[%dma_wait3A_253, %dma_wait3A_258] : memref<12x128xi32, #tpu.memory_space<vmem>> -> memref<1x128xi32, #tpu.memory_space<vmem>>
    %dma_wait3A_260 = tpu.memref_squeeze %dma_wait3A_259 : memref<1x128xi32, #tpu.memory_space<vmem>> -> memref<128xi32, #tpu.memory_space<vmem>>
    %dma_wait3A_261 = arith.constant 0 : i32
    %dma_wait3A_262 = tpu.memref_slice %arg4[%dma_wait3A_261] : memref<3000000xf32, #tpu.memory_space<hbm>> -> memref<3000000xf32, #tpu.memory_space<hbm>>
    tpu.wait_indirect_dma semaphore(%arg11 : memref<!tpu.dma_semaphore, #tpu.memory_space<semaphore_mem>>) src(%dma_wait3A_262 : memref<3000000xf32, #tpu.memory_space<hbm>>) dst(%dma_wait3A_257 : memref<128xf32, #tpu.memory_space<vmem>>)
    %dma_wait3A_263 = arith.constant 1 : i32
    %dma_wait3A_264 = arith.constant 1 : i32
    %dma_wait3A_265 = arith.constant 0 : i32
    %dma_wait3A_266 = tpu.memref_slice %arg8[%dma_wait3A_264, %dma_wait3A_265] : memref<24x128xf32, #tpu.memory_space<vmem>> -> memref<1x128xf32, #tpu.memory_space<vmem>>
    %dma_wait3A_267 = tpu.memref_squeeze %dma_wait3A_266 : memref<1x128xf32, #tpu.memory_space<vmem>> -> memref<128xf32, #tpu.memory_space<vmem>>
    %dma_wait3A_268 = arith.constant 0 : i32
    %dma_wait3A_269 = tpu.memref_slice %arg7[%dma_wait3A_263, %dma_wait3A_268] : memref<12x128xi32, #tpu.memory_space<vmem>> -> memref<1x128xi32, #tpu.memory_space<vmem>>
    %dma_wait3A_270 = tpu.memref_squeeze %dma_wait3A_269 : memref<1x128xi32, #tpu.memory_space<vmem>> -> memref<128xi32, #tpu.memory_space<vmem>>
    %dma_wait3A_271 = arith.constant 0 : i32
    %dma_wait3A_272 = tpu.memref_slice %arg3[%dma_wait3A_271] : memref<3000000xf32, #tpu.memory_space<hbm>> -> memref<3000000xf32, #tpu.memory_space<hbm>>
    tpu.wait_indirect_dma semaphore(%arg11 : memref<!tpu.dma_semaphore, #tpu.memory_space<semaphore_mem>>) src(%dma_wait3A_272 : memref<3000000xf32, #tpu.memory_space<hbm>>) dst(%dma_wait3A_267 : memref<128xf32, #tpu.memory_space<vmem>>)
    %dma_wait3A_273 = arith.constant 1 : i32
    %dma_wait3A_274 = arith.constant 4 : i32
    %dma_wait3A_275 = arith.constant 0 : i32
    %dma_wait3A_276 = tpu.memref_slice %arg8[%dma_wait3A_274, %dma_wait3A_275] : memref<24x128xf32, #tpu.memory_space<vmem>> -> memref<1x128xf32, #tpu.memory_space<vmem>>
    %dma_wait3A_277 = tpu.memref_squeeze %dma_wait3A_276 : memref<1x128xf32, #tpu.memory_space<vmem>> -> memref<128xf32, #tpu.memory_space<vmem>>
    %dma_wait3A_278 = arith.constant 0 : i32
    %dma_wait3A_279 = tpu.memref_slice %arg7[%dma_wait3A_273, %dma_wait3A_278] : memref<12x128xi32, #tpu.memory_space<vmem>> -> memref<1x128xi32, #tpu.memory_space<vmem>>
    %dma_wait3A_280 = tpu.memref_squeeze %dma_wait3A_279 : memref<1x128xi32, #tpu.memory_space<vmem>> -> memref<128xi32, #tpu.memory_space<vmem>>
    %dma_wait3A_281 = arith.constant 0 : i32
    %dma_wait3A_282 = tpu.memref_slice %arg4[%dma_wait3A_281] : memref<3000000xf32, #tpu.memory_space<hbm>> -> memref<3000000xf32, #tpu.memory_space<hbm>>
    tpu.wait_indirect_dma semaphore(%arg11 : memref<!tpu.dma_semaphore, #tpu.memory_space<semaphore_mem>>) src(%dma_wait3A_282 : memref<3000000xf32, #tpu.memory_space<hbm>>) dst(%dma_wait3A_277 : memref<128xf32, #tpu.memory_space<vmem>>)
    %dma_wait3A_283 = arith.constant 2 : i32
    %dma_wait3A_284 = arith.constant 2 : i32
    %dma_wait3A_285 = arith.constant 0 : i32
    %dma_wait3A_286 = tpu.memref_slice %arg8[%dma_wait3A_284, %dma_wait3A_285] : memref<24x128xf32, #tpu.memory_space<vmem>> -> memref<1x128xf32, #tpu.memory_space<vmem>>
    %dma_wait3A_287 = tpu.memref_squeeze %dma_wait3A_286 : memref<1x128xf32, #tpu.memory_space<vmem>> -> memref<128xf32, #tpu.memory_space<vmem>>
    %dma_wait3A_288 = arith.constant 0 : i32
    %dma_wait3A_289 = tpu.memref_slice %arg7[%dma_wait3A_283, %dma_wait3A_288] : memref<12x128xi32, #tpu.memory_space<vmem>> -> memref<1x128xi32, #tpu.memory_space<vmem>>
    %dma_wait3A_290 = tpu.memref_squeeze %dma_wait3A_289 : memref<1x128xi32, #tpu.memory_space<vmem>> -> memref<128xi32, #tpu.memory_space<vmem>>
    %dma_wait3A_291 = arith.constant 0 : i32
    %dma_wait3A_292 = tpu.memref_slice %arg3[%dma_wait3A_291] : memref<3000000xf32, #tpu.memory_space<hbm>> -> memref<3000000xf32, #tpu.memory_space<hbm>>
    tpu.wait_indirect_dma semaphore(%arg11 : memref<!tpu.dma_semaphore, #tpu.memory_space<semaphore_mem>>) src(%dma_wait3A_292 : memref<3000000xf32, #tpu.memory_space<hbm>>) dst(%dma_wait3A_287 : memref<128xf32, #tpu.memory_space<vmem>>)
    %dma_wait3A_293 = arith.constant 2 : i32
    %dma_wait3A_294 = arith.constant 5 : i32
    %dma_wait3A_295 = arith.constant 0 : i32
    %dma_wait3A_296 = tpu.memref_slice %arg8[%dma_wait3A_294, %dma_wait3A_295] : memref<24x128xf32, #tpu.memory_space<vmem>> -> memref<1x128xf32, #tpu.memory_space<vmem>>
    %dma_wait3A_297 = tpu.memref_squeeze %dma_wait3A_296 : memref<1x128xf32, #tpu.memory_space<vmem>> -> memref<128xf32, #tpu.memory_space<vmem>>
    %dma_wait3A_298 = arith.constant 0 : i32
    %dma_wait3A_299 = tpu.memref_slice %arg7[%dma_wait3A_293, %dma_wait3A_298] : memref<12x128xi32, #tpu.memory_space<vmem>> -> memref<1x128xi32, #tpu.memory_space<vmem>>
    %dma_wait3A_300 = tpu.memref_squeeze %dma_wait3A_299 : memref<1x128xi32, #tpu.memory_space<vmem>> -> memref<128xi32, #tpu.memory_space<vmem>>
    %dma_wait3A_301 = arith.constant 0 : i32
    %dma_wait3A_302 = tpu.memref_slice %arg4[%dma_wait3A_301] : memref<3000000xf32, #tpu.memory_space<hbm>> -> memref<3000000xf32, #tpu.memory_space<hbm>>
    tpu.wait_indirect_dma semaphore(%arg11 : memref<!tpu.dma_semaphore, #tpu.memory_space<semaphore_mem>>) src(%dma_wait3A_302 : memref<3000000xf32, #tpu.memory_space<hbm>>) dst(%dma_wait3A_297 : memref<128xf32, #tpu.memory_space<vmem>>)
    %dma_wait3A_303 = arith.constant 3 : i32
    %dma_wait3A_304 = arith.constant 6 : i32
    %dma_wait3A_305 = arith.constant 0 : i32
    %dma_wait3A_306 = tpu.memref_slice %arg8[%dma_wait3A_304, %dma_wait3A_305] : memref<24x128xf32, #tpu.memory_space<vmem>> -> memref<1x128xf32, #tpu.memory_space<vmem>>
    %dma_wait3A_307 = tpu.memref_squeeze %dma_wait3A_306 : memref<1x128xf32, #tpu.memory_space<vmem>> -> memref<128xf32, #tpu.memory_space<vmem>>
    %dma_wait3A_308 = arith.constant 0 : i32
    %dma_wait3A_309 = tpu.memref_slice %arg7[%dma_wait3A_303, %dma_wait3A_308] : memref<12x128xi32, #tpu.memory_space<vmem>> -> memref<1x128xi32, #tpu.memory_space<vmem>>
    %dma_wait3A_310 = tpu.memref_squeeze %dma_wait3A_309 : memref<1x128xi32, #tpu.memory_space<vmem>> -> memref<128xi32, #tpu.memory_space<vmem>>
    %dma_wait3A_311 = arith.constant 0 : i32
    %dma_wait3A_312 = tpu.memref_slice %arg3[%dma_wait3A_311] : memref<3000000xf32, #tpu.memory_space<hbm>> -> memref<3000000xf32, #tpu.memory_space<hbm>>
    tpu.wait_indirect_dma semaphore(%arg11 : memref<!tpu.dma_semaphore, #tpu.memory_space<semaphore_mem>>) src(%dma_wait3A_312 : memref<3000000xf32, #tpu.memory_space<hbm>>) dst(%dma_wait3A_307 : memref<128xf32, #tpu.memory_space<vmem>>)
    %dma_wait3A_313 = arith.constant 3 : i32
    %dma_wait3A_314 = arith.constant 9 : i32
    %dma_wait3A_315 = arith.constant 0 : i32
    %dma_wait3A_316 = tpu.memref_slice %arg8[%dma_wait3A_314, %dma_wait3A_315] : memref<24x128xf32, #tpu.memory_space<vmem>> -> memref<1x128xf32, #tpu.memory_space<vmem>>
    %dma_wait3A_317 = tpu.memref_squeeze %dma_wait3A_316 : memref<1x128xf32, #tpu.memory_space<vmem>> -> memref<128xf32, #tpu.memory_space<vmem>>
    %dma_wait3A_318 = arith.constant 0 : i32
    %dma_wait3A_319 = tpu.memref_slice %arg7[%dma_wait3A_313, %dma_wait3A_318] : memref<12x128xi32, #tpu.memory_space<vmem>> -> memref<1x128xi32, #tpu.memory_space<vmem>>
    %dma_wait3A_320 = tpu.memref_squeeze %dma_wait3A_319 : memref<1x128xi32, #tpu.memory_space<vmem>> -> memref<128xi32, #tpu.memory_space<vmem>>
    %dma_wait3A_321 = arith.constant 0 : i32
    %dma_wait3A_322 = tpu.memref_slice %arg4[%dma_wait3A_321] : memref<3000000xf32, #tpu.memory_space<hbm>> -> memref<3000000xf32, #tpu.memory_space<hbm>>
    tpu.wait_indirect_dma semaphore(%arg11 : memref<!tpu.dma_semaphore, #tpu.memory_space<semaphore_mem>>) src(%dma_wait3A_322 : memref<3000000xf32, #tpu.memory_space<hbm>>) dst(%dma_wait3A_317 : memref<128xf32, #tpu.memory_space<vmem>>)
    %dma_wait3A_323 = arith.constant 4 : i32
    %dma_wait3A_324 = arith.constant 7 : i32
    %dma_wait3A_325 = arith.constant 0 : i32
    %dma_wait3A_326 = tpu.memref_slice %arg8[%dma_wait3A_324, %dma_wait3A_325] : memref<24x128xf32, #tpu.memory_space<vmem>> -> memref<1x128xf32, #tpu.memory_space<vmem>>
    %dma_wait3A_327 = tpu.memref_squeeze %dma_wait3A_326 : memref<1x128xf32, #tpu.memory_space<vmem>> -> memref<128xf32, #tpu.memory_space<vmem>>
    %dma_wait3A_328 = arith.constant 0 : i32
    %dma_wait3A_329 = tpu.memref_slice %arg7[%dma_wait3A_323, %dma_wait3A_328] : memref<12x128xi32, #tpu.memory_space<vmem>> -> memref<1x128xi32, #tpu.memory_space<vmem>>
    %dma_wait3A_330 = tpu.memref_squeeze %dma_wait3A_329 : memref<1x128xi32, #tpu.memory_space<vmem>> -> memref<128xi32, #tpu.memory_space<vmem>>
    %dma_wait3A_331 = arith.constant 0 : i32
    %dma_wait3A_332 = tpu.memref_slice %arg3[%dma_wait3A_331] : memref<3000000xf32, #tpu.memory_space<hbm>> -> memref<3000000xf32, #tpu.memory_space<hbm>>
    tpu.wait_indirect_dma semaphore(%arg11 : memref<!tpu.dma_semaphore, #tpu.memory_space<semaphore_mem>>) src(%dma_wait3A_332 : memref<3000000xf32, #tpu.memory_space<hbm>>) dst(%dma_wait3A_327 : memref<128xf32, #tpu.memory_space<vmem>>)
    %dma_wait3A_333 = arith.constant 4 : i32
    %dma_wait3A_334 = arith.constant 10 : i32
    %dma_wait3A_335 = arith.constant 0 : i32
    %dma_wait3A_336 = tpu.memref_slice %arg8[%dma_wait3A_334, %dma_wait3A_335] : memref<24x128xf32, #tpu.memory_space<vmem>> -> memref<1x128xf32, #tpu.memory_space<vmem>>
    %dma_wait3A_337 = tpu.memref_squeeze %dma_wait3A_336 : memref<1x128xf32, #tpu.memory_space<vmem>> -> memref<128xf32, #tpu.memory_space<vmem>>
    %dma_wait3A_338 = arith.constant 0 : i32
    %dma_wait3A_339 = tpu.memref_slice %arg7[%dma_wait3A_333, %dma_wait3A_338] : memref<12x128xi32, #tpu.memory_space<vmem>> -> memref<1x128xi32, #tpu.memory_space<vmem>>
    %dma_wait3A_340 = tpu.memref_squeeze %dma_wait3A_339 : memref<1x128xi32, #tpu.memory_space<vmem>> -> memref<128xi32, #tpu.memory_space<vmem>>
    %dma_wait3A_341 = arith.constant 0 : i32
    %dma_wait3A_342 = tpu.memref_slice %arg4[%dma_wait3A_341] : memref<3000000xf32, #tpu.memory_space<hbm>> -> memref<3000000xf32, #tpu.memory_space<hbm>>
    tpu.wait_indirect_dma semaphore(%arg11 : memref<!tpu.dma_semaphore, #tpu.memory_space<semaphore_mem>>) src(%dma_wait3A_342 : memref<3000000xf32, #tpu.memory_space<hbm>>) dst(%dma_wait3A_337 : memref<128xf32, #tpu.memory_space<vmem>>)
    %dma_wait3A_343 = arith.constant 5 : i32
    %dma_wait3A_344 = arith.constant 8 : i32
    %dma_wait3A_345 = arith.constant 0 : i32
    %dma_wait3A_346 = tpu.memref_slice %arg8[%dma_wait3A_344, %dma_wait3A_345] : memref<24x128xf32, #tpu.memory_space<vmem>> -> memref<1x128xf32, #tpu.memory_space<vmem>>
    %dma_wait3A_347 = tpu.memref_squeeze %dma_wait3A_346 : memref<1x128xf32, #tpu.memory_space<vmem>> -> memref<128xf32, #tpu.memory_space<vmem>>
    %dma_wait3A_348 = arith.constant 0 : i32
    %dma_wait3A_349 = tpu.memref_slice %arg7[%dma_wait3A_343, %dma_wait3A_348] : memref<12x128xi32, #tpu.memory_space<vmem>> -> memref<1x128xi32, #tpu.memory_space<vmem>>
    %dma_wait3A_350 = tpu.memref_squeeze %dma_wait3A_349 : memref<1x128xi32, #tpu.memory_space<vmem>> -> memref<128xi32, #tpu.memory_space<vmem>>
    %dma_wait3A_351 = arith.constant 0 : i32
    %dma_wait3A_352 = tpu.memref_slice %arg3[%dma_wait3A_351] : memref<3000000xf32, #tpu.memory_space<hbm>> -> memref<3000000xf32, #tpu.memory_space<hbm>>
    tpu.wait_indirect_dma semaphore(%arg11 : memref<!tpu.dma_semaphore, #tpu.memory_space<semaphore_mem>>) src(%dma_wait3A_352 : memref<3000000xf32, #tpu.memory_space<hbm>>) dst(%dma_wait3A_347 : memref<128xf32, #tpu.memory_space<vmem>>)
    %dma_wait3A_353 = arith.constant 5 : i32
    %dma_wait3A_354 = arith.constant 11 : i32
    %dma_wait3A_355 = arith.constant 0 : i32
    %dma_wait3A_356 = tpu.memref_slice %arg8[%dma_wait3A_354, %dma_wait3A_355] : memref<24x128xf32, #tpu.memory_space<vmem>> -> memref<1x128xf32, #tpu.memory_space<vmem>>
    %dma_wait3A_357 = tpu.memref_squeeze %dma_wait3A_356 : memref<1x128xf32, #tpu.memory_space<vmem>> -> memref<128xf32, #tpu.memory_space<vmem>>
    %dma_wait3A_358 = arith.constant 0 : i32
    %dma_wait3A_359 = tpu.memref_slice %arg7[%dma_wait3A_353, %dma_wait3A_358] : memref<12x128xi32, #tpu.memory_space<vmem>> -> memref<1x128xi32, #tpu.memory_space<vmem>>
    %dma_wait3A_360 = tpu.memref_squeeze %dma_wait3A_359 : memref<1x128xi32, #tpu.memory_space<vmem>> -> memref<128xi32, #tpu.memory_space<vmem>>
    %dma_wait3A_361 = arith.constant 0 : i32
    %dma_wait3A_362 = tpu.memref_slice %arg4[%dma_wait3A_361] : memref<3000000xf32, #tpu.memory_space<hbm>> -> memref<3000000xf32, #tpu.memory_space<hbm>>
    tpu.wait_indirect_dma semaphore(%arg11 : memref<!tpu.dma_semaphore, #tpu.memory_space<semaphore_mem>>) src(%dma_wait3A_362 : memref<3000000xf32, #tpu.memory_space<hbm>>) dst(%dma_wait3A_357 : memref<128xf32, #tpu.memory_space<vmem>>)
    %dma_wait3A_363 = arith.constant 6 : i32
    %dma_wait3A_364 = arith.constant 12 : i32
    %dma_wait3A_365 = arith.constant 0 : i32
    %dma_wait3A_366 = tpu.memref_slice %arg8[%dma_wait3A_364, %dma_wait3A_365] : memref<24x128xf32, #tpu.memory_space<vmem>> -> memref<1x128xf32, #tpu.memory_space<vmem>>
    %dma_wait3A_367 = tpu.memref_squeeze %dma_wait3A_366 : memref<1x128xf32, #tpu.memory_space<vmem>> -> memref<128xf32, #tpu.memory_space<vmem>>
    %dma_wait3A_368 = arith.constant 0 : i32
    %dma_wait3A_369 = tpu.memref_slice %arg7[%dma_wait3A_363, %dma_wait3A_368] : memref<12x128xi32, #tpu.memory_space<vmem>> -> memref<1x128xi32, #tpu.memory_space<vmem>>
    %dma_wait3A_370 = tpu.memref_squeeze %dma_wait3A_369 : memref<1x128xi32, #tpu.memory_space<vmem>> -> memref<128xi32, #tpu.memory_space<vmem>>
    %dma_wait3A_371 = arith.constant 0 : i32
    %dma_wait3A_372 = tpu.memref_slice %arg3[%dma_wait3A_371] : memref<3000000xf32, #tpu.memory_space<hbm>> -> memref<3000000xf32, #tpu.memory_space<hbm>>
    tpu.wait_indirect_dma semaphore(%arg11 : memref<!tpu.dma_semaphore, #tpu.memory_space<semaphore_mem>>) src(%dma_wait3A_372 : memref<3000000xf32, #tpu.memory_space<hbm>>) dst(%dma_wait3A_367 : memref<128xf32, #tpu.memory_space<vmem>>)
    %dma_wait3A_373 = arith.constant 6 : i32
    %dma_wait3A_374 = arith.constant 15 : i32
    %dma_wait3A_375 = arith.constant 0 : i32
    %dma_wait3A_376 = tpu.memref_slice %arg8[%dma_wait3A_374, %dma_wait3A_375] : memref<24x128xf32, #tpu.memory_space<vmem>> -> memref<1x128xf32, #tpu.memory_space<vmem>>
    %dma_wait3A_377 = tpu.memref_squeeze %dma_wait3A_376 : memref<1x128xf32, #tpu.memory_space<vmem>> -> memref<128xf32, #tpu.memory_space<vmem>>
    %dma_wait3A_378 = arith.constant 0 : i32
    %dma_wait3A_379 = tpu.memref_slice %arg7[%dma_wait3A_373, %dma_wait3A_378] : memref<12x128xi32, #tpu.memory_space<vmem>> -> memref<1x128xi32, #tpu.memory_space<vmem>>
    %dma_wait3A_380 = tpu.memref_squeeze %dma_wait3A_379 : memref<1x128xi32, #tpu.memory_space<vmem>> -> memref<128xi32, #tpu.memory_space<vmem>>
    %dma_wait3A_381 = arith.constant 0 : i32
    %dma_wait3A_382 = tpu.memref_slice %arg4[%dma_wait3A_381] : memref<3000000xf32, #tpu.memory_space<hbm>> -> memref<3000000xf32, #tpu.memory_space<hbm>>
    tpu.wait_indirect_dma semaphore(%arg11 : memref<!tpu.dma_semaphore, #tpu.memory_space<semaphore_mem>>) src(%dma_wait3A_382 : memref<3000000xf32, #tpu.memory_space<hbm>>) dst(%dma_wait3A_377 : memref<128xf32, #tpu.memory_space<vmem>>)
    %dma_wait3A_383 = arith.constant 7 : i32
    %dma_wait3A_384 = arith.constant 13 : i32
    %dma_wait3A_385 = arith.constant 0 : i32
    %dma_wait3A_386 = tpu.memref_slice %arg8[%dma_wait3A_384, %dma_wait3A_385] : memref<24x128xf32, #tpu.memory_space<vmem>> -> memref<1x128xf32, #tpu.memory_space<vmem>>
    %dma_wait3A_387 = tpu.memref_squeeze %dma_wait3A_386 : memref<1x128xf32, #tpu.memory_space<vmem>> -> memref<128xf32, #tpu.memory_space<vmem>>
    %dma_wait3A_388 = arith.constant 0 : i32
    %dma_wait3A_389 = tpu.memref_slice %arg7[%dma_wait3A_383, %dma_wait3A_388] : memref<12x128xi32, #tpu.memory_space<vmem>> -> memref<1x128xi32, #tpu.memory_space<vmem>>
    %dma_wait3A_390 = tpu.memref_squeeze %dma_wait3A_389 : memref<1x128xi32, #tpu.memory_space<vmem>> -> memref<128xi32, #tpu.memory_space<vmem>>
    %dma_wait3A_391 = arith.constant 0 : i32
    %dma_wait3A_392 = tpu.memref_slice %arg3[%dma_wait3A_391] : memref<3000000xf32, #tpu.memory_space<hbm>> -> memref<3000000xf32, #tpu.memory_space<hbm>>
    tpu.wait_indirect_dma semaphore(%arg11 : memref<!tpu.dma_semaphore, #tpu.memory_space<semaphore_mem>>) src(%dma_wait3A_392 : memref<3000000xf32, #tpu.memory_space<hbm>>) dst(%dma_wait3A_387 : memref<128xf32, #tpu.memory_space<vmem>>)
    %dma_wait3A_393 = arith.constant 7 : i32
    %dma_wait3A_394 = arith.constant 16 : i32
    %dma_wait3A_395 = arith.constant 0 : i32
    %dma_wait3A_396 = tpu.memref_slice %arg8[%dma_wait3A_394, %dma_wait3A_395] : memref<24x128xf32, #tpu.memory_space<vmem>> -> memref<1x128xf32, #tpu.memory_space<vmem>>
    %dma_wait3A_397 = tpu.memref_squeeze %dma_wait3A_396 : memref<1x128xf32, #tpu.memory_space<vmem>> -> memref<128xf32, #tpu.memory_space<vmem>>
    %dma_wait3A_398 = arith.constant 0 : i32
    %dma_wait3A_399 = tpu.memref_slice %arg7[%dma_wait3A_393, %dma_wait3A_398] : memref<12x128xi32, #tpu.memory_space<vmem>> -> memref<1x128xi32, #tpu.memory_space<vmem>>
    %dma_wait3A_400 = tpu.memref_squeeze %dma_wait3A_399 : memref<1x128xi32, #tpu.memory_space<vmem>> -> memref<128xi32, #tpu.memory_space<vmem>>
    %dma_wait3A_401 = arith.constant 0 : i32
    %dma_wait3A_402 = tpu.memref_slice %arg4[%dma_wait3A_401] : memref<3000000xf32, #tpu.memory_space<hbm>> -> memref<3000000xf32, #tpu.memory_space<hbm>>
    tpu.wait_indirect_dma semaphore(%arg11 : memref<!tpu.dma_semaphore, #tpu.memory_space<semaphore_mem>>) src(%dma_wait3A_402 : memref<3000000xf32, #tpu.memory_space<hbm>>) dst(%dma_wait3A_397 : memref<128xf32, #tpu.memory_space<vmem>>)
    %dma_wait3A_403 = arith.constant 8 : i32
    %dma_wait3A_404 = arith.constant 14 : i32
    %dma_wait3A_405 = arith.constant 0 : i32
    %dma_wait3A_406 = tpu.memref_slice %arg8[%dma_wait3A_404, %dma_wait3A_405] : memref<24x128xf32, #tpu.memory_space<vmem>> -> memref<1x128xf32, #tpu.memory_space<vmem>>
    %dma_wait3A_407 = tpu.memref_squeeze %dma_wait3A_406 : memref<1x128xf32, #tpu.memory_space<vmem>> -> memref<128xf32, #tpu.memory_space<vmem>>
    %dma_wait3A_408 = arith.constant 0 : i32
    %dma_wait3A_409 = tpu.memref_slice %arg7[%dma_wait3A_403, %dma_wait3A_408] : memref<12x128xi32, #tpu.memory_space<vmem>> -> memref<1x128xi32, #tpu.memory_space<vmem>>
    %dma_wait3A_410 = tpu.memref_squeeze %dma_wait3A_409 : memref<1x128xi32, #tpu.memory_space<vmem>> -> memref<128xi32, #tpu.memory_space<vmem>>
    %dma_wait3A_411 = arith.constant 0 : i32
    %dma_wait3A_412 = tpu.memref_slice %arg3[%dma_wait3A_411] : memref<3000000xf32, #tpu.memory_space<hbm>> -> memref<3000000xf32, #tpu.memory_space<hbm>>
    tpu.wait_indirect_dma semaphore(%arg11 : memref<!tpu.dma_semaphore, #tpu.memory_space<semaphore_mem>>) src(%dma_wait3A_412 : memref<3000000xf32, #tpu.memory_space<hbm>>) dst(%dma_wait3A_407 : memref<128xf32, #tpu.memory_space<vmem>>)
    %dma_wait3A_413 = arith.constant 8 : i32
    %dma_wait3A_414 = arith.constant 17 : i32
    %dma_wait3A_415 = arith.constant 0 : i32
    %dma_wait3A_416 = tpu.memref_slice %arg8[%dma_wait3A_414, %dma_wait3A_415] : memref<24x128xf32, #tpu.memory_space<vmem>> -> memref<1x128xf32, #tpu.memory_space<vmem>>
    %dma_wait3A_417 = tpu.memref_squeeze %dma_wait3A_416 : memref<1x128xf32, #tpu.memory_space<vmem>> -> memref<128xf32, #tpu.memory_space<vmem>>
    %dma_wait3A_418 = arith.constant 0 : i32
    %dma_wait3A_419 = tpu.memref_slice %arg7[%dma_wait3A_413, %dma_wait3A_418] : memref<12x128xi32, #tpu.memory_space<vmem>> -> memref<1x128xi32, #tpu.memory_space<vmem>>
    %dma_wait3A_420 = tpu.memref_squeeze %dma_wait3A_419 : memref<1x128xi32, #tpu.memory_space<vmem>> -> memref<128xi32, #tpu.memory_space<vmem>>
    %dma_wait3A_421 = arith.constant 0 : i32
    %dma_wait3A_422 = tpu.memref_slice %arg4[%dma_wait3A_421] : memref<3000000xf32, #tpu.memory_space<hbm>> -> memref<3000000xf32, #tpu.memory_space<hbm>>
    tpu.wait_indirect_dma semaphore(%arg11 : memref<!tpu.dma_semaphore, #tpu.memory_space<semaphore_mem>>) src(%dma_wait3A_422 : memref<3000000xf32, #tpu.memory_space<hbm>>) dst(%dma_wait3A_417 : memref<128xf32, #tpu.memory_space<vmem>>)
    %dma_wait3A_423 = arith.constant 9 : i32
    %dma_wait3A_424 = arith.constant 18 : i32
    %dma_wait3A_425 = arith.constant 0 : i32
    %dma_wait3A_426 = tpu.memref_slice %arg8[%dma_wait3A_424, %dma_wait3A_425] : memref<24x128xf32, #tpu.memory_space<vmem>> -> memref<1x128xf32, #tpu.memory_space<vmem>>
    %dma_wait3A_427 = tpu.memref_squeeze %dma_wait3A_426 : memref<1x128xf32, #tpu.memory_space<vmem>> -> memref<128xf32, #tpu.memory_space<vmem>>
    %dma_wait3A_428 = arith.constant 0 : i32
    %dma_wait3A_429 = tpu.memref_slice %arg7[%dma_wait3A_423, %dma_wait3A_428] : memref<12x128xi32, #tpu.memory_space<vmem>> -> memref<1x128xi32, #tpu.memory_space<vmem>>
    %dma_wait3A_430 = tpu.memref_squeeze %dma_wait3A_429 : memref<1x128xi32, #tpu.memory_space<vmem>> -> memref<128xi32, #tpu.memory_space<vmem>>
    %dma_wait3A_431 = arith.constant 0 : i32
    %dma_wait3A_432 = tpu.memref_slice %arg3[%dma_wait3A_431] : memref<3000000xf32, #tpu.memory_space<hbm>> -> memref<3000000xf32, #tpu.memory_space<hbm>>
    tpu.wait_indirect_dma semaphore(%arg11 : memref<!tpu.dma_semaphore, #tpu.memory_space<semaphore_mem>>) src(%dma_wait3A_432 : memref<3000000xf32, #tpu.memory_space<hbm>>) dst(%dma_wait3A_427 : memref<128xf32, #tpu.memory_space<vmem>>)
    %dma_wait3A_433 = arith.constant 9 : i32
    %dma_wait3A_434 = arith.constant 21 : i32
    %dma_wait3A_435 = arith.constant 0 : i32
    %dma_wait3A_436 = tpu.memref_slice %arg8[%dma_wait3A_434, %dma_wait3A_435] : memref<24x128xf32, #tpu.memory_space<vmem>> -> memref<1x128xf32, #tpu.memory_space<vmem>>
    %dma_wait3A_437 = tpu.memref_squeeze %dma_wait3A_436 : memref<1x128xf32, #tpu.memory_space<vmem>> -> memref<128xf32, #tpu.memory_space<vmem>>
    %dma_wait3A_438 = arith.constant 0 : i32
    %dma_wait3A_439 = tpu.memref_slice %arg7[%dma_wait3A_433, %dma_wait3A_438] : memref<12x128xi32, #tpu.memory_space<vmem>> -> memref<1x128xi32, #tpu.memory_space<vmem>>
    %dma_wait3A_440 = tpu.memref_squeeze %dma_wait3A_439 : memref<1x128xi32, #tpu.memory_space<vmem>> -> memref<128xi32, #tpu.memory_space<vmem>>
    %dma_wait3A_441 = arith.constant 0 : i32
    %dma_wait3A_442 = tpu.memref_slice %arg4[%dma_wait3A_441] : memref<3000000xf32, #tpu.memory_space<hbm>> -> memref<3000000xf32, #tpu.memory_space<hbm>>
    tpu.wait_indirect_dma semaphore(%arg11 : memref<!tpu.dma_semaphore, #tpu.memory_space<semaphore_mem>>) src(%dma_wait3A_442 : memref<3000000xf32, #tpu.memory_space<hbm>>) dst(%dma_wait3A_437 : memref<128xf32, #tpu.memory_space<vmem>>)
    %dma_wait3A_443 = arith.constant 10 : i32
    %dma_wait3A_444 = arith.constant 19 : i32
    %dma_wait3A_445 = arith.constant 0 : i32
    %dma_wait3A_446 = tpu.memref_slice %arg8[%dma_wait3A_444, %dma_wait3A_445] : memref<24x128xf32, #tpu.memory_space<vmem>> -> memref<1x128xf32, #tpu.memory_space<vmem>>
    %dma_wait3A_447 = tpu.memref_squeeze %dma_wait3A_446 : memref<1x128xf32, #tpu.memory_space<vmem>> -> memref<128xf32, #tpu.memory_space<vmem>>
    %dma_wait3A_448 = arith.constant 0 : i32
    %dma_wait3A_449 = tpu.memref_slice %arg7[%dma_wait3A_443, %dma_wait3A_448] : memref<12x128xi32, #tpu.memory_space<vmem>> -> memref<1x128xi32, #tpu.memory_space<vmem>>
    %dma_wait3A_450 = tpu.memref_squeeze %dma_wait3A_449 : memref<1x128xi32, #tpu.memory_space<vmem>> -> memref<128xi32, #tpu.memory_space<vmem>>
    %dma_wait3A_451 = arith.constant 0 : i32
    %dma_wait3A_452 = tpu.memref_slice %arg3[%dma_wait3A_451] : memref<3000000xf32, #tpu.memory_space<hbm>> -> memref<3000000xf32, #tpu.memory_space<hbm>>
    tpu.wait_indirect_dma semaphore(%arg11 : memref<!tpu.dma_semaphore, #tpu.memory_space<semaphore_mem>>) src(%dma_wait3A_452 : memref<3000000xf32, #tpu.memory_space<hbm>>) dst(%dma_wait3A_447 : memref<128xf32, #tpu.memory_space<vmem>>)
    %dma_wait3A_453 = arith.constant 10 : i32
    %dma_wait3A_454 = arith.constant 22 : i32
    %dma_wait3A_455 = arith.constant 0 : i32
    %dma_wait3A_456 = tpu.memref_slice %arg8[%dma_wait3A_454, %dma_wait3A_455] : memref<24x128xf32, #tpu.memory_space<vmem>> -> memref<1x128xf32, #tpu.memory_space<vmem>>
    %dma_wait3A_457 = tpu.memref_squeeze %dma_wait3A_456 : memref<1x128xf32, #tpu.memory_space<vmem>> -> memref<128xf32, #tpu.memory_space<vmem>>
    %dma_wait3A_458 = arith.constant 0 : i32
    %dma_wait3A_459 = tpu.memref_slice %arg7[%dma_wait3A_453, %dma_wait3A_458] : memref<12x128xi32, #tpu.memory_space<vmem>> -> memref<1x128xi32, #tpu.memory_space<vmem>>
    %dma_wait3A_460 = tpu.memref_squeeze %dma_wait3A_459 : memref<1x128xi32, #tpu.memory_space<vmem>> -> memref<128xi32, #tpu.memory_space<vmem>>
    %dma_wait3A_461 = arith.constant 0 : i32
    %dma_wait3A_462 = tpu.memref_slice %arg4[%dma_wait3A_461] : memref<3000000xf32, #tpu.memory_space<hbm>> -> memref<3000000xf32, #tpu.memory_space<hbm>>
    tpu.wait_indirect_dma semaphore(%arg11 : memref<!tpu.dma_semaphore, #tpu.memory_space<semaphore_mem>>) src(%dma_wait3A_462 : memref<3000000xf32, #tpu.memory_space<hbm>>) dst(%dma_wait3A_457 : memref<128xf32, #tpu.memory_space<vmem>>)
    %dma_wait3A_463 = arith.constant 11 : i32
    %dma_wait3A_464 = arith.constant 20 : i32
    %dma_wait3A_465 = arith.constant 0 : i32
    %dma_wait3A_466 = tpu.memref_slice %arg8[%dma_wait3A_464, %dma_wait3A_465] : memref<24x128xf32, #tpu.memory_space<vmem>> -> memref<1x128xf32, #tpu.memory_space<vmem>>
    %dma_wait3A_467 = tpu.memref_squeeze %dma_wait3A_466 : memref<1x128xf32, #tpu.memory_space<vmem>> -> memref<128xf32, #tpu.memory_space<vmem>>
    %dma_wait3A_468 = arith.constant 0 : i32
    %dma_wait3A_469 = tpu.memref_slice %arg7[%dma_wait3A_463, %dma_wait3A_468] : memref<12x128xi32, #tpu.memory_space<vmem>> -> memref<1x128xi32, #tpu.memory_space<vmem>>
    %dma_wait3A_470 = tpu.memref_squeeze %dma_wait3A_469 : memref<1x128xi32, #tpu.memory_space<vmem>> -> memref<128xi32, #tpu.memory_space<vmem>>
    %dma_wait3A_471 = arith.constant 0 : i32
    %dma_wait3A_472 = tpu.memref_slice %arg3[%dma_wait3A_471] : memref<3000000xf32, #tpu.memory_space<hbm>> -> memref<3000000xf32, #tpu.memory_space<hbm>>
    tpu.wait_indirect_dma semaphore(%arg11 : memref<!tpu.dma_semaphore, #tpu.memory_space<semaphore_mem>>) src(%dma_wait3A_472 : memref<3000000xf32, #tpu.memory_space<hbm>>) dst(%dma_wait3A_467 : memref<128xf32, #tpu.memory_space<vmem>>)
    %dma_wait3A_473 = arith.constant 11 : i32
    %dma_wait3A_474 = arith.constant 23 : i32
    %dma_wait3A_475 = arith.constant 0 : i32
    %dma_wait3A_476 = tpu.memref_slice %arg8[%dma_wait3A_474, %dma_wait3A_475] : memref<24x128xf32, #tpu.memory_space<vmem>> -> memref<1x128xf32, #tpu.memory_space<vmem>>
    %dma_wait3A_477 = tpu.memref_squeeze %dma_wait3A_476 : memref<1x128xf32, #tpu.memory_space<vmem>> -> memref<128xf32, #tpu.memory_space<vmem>>
    %dma_wait3A_478 = arith.constant 0 : i32
    %dma_wait3A_479 = tpu.memref_slice %arg7[%dma_wait3A_473, %dma_wait3A_478] : memref<12x128xi32, #tpu.memory_space<vmem>> -> memref<1x128xi32, #tpu.memory_space<vmem>>
    %dma_wait3A_480 = tpu.memref_squeeze %dma_wait3A_479 : memref<1x128xi32, #tpu.memory_space<vmem>> -> memref<128xi32, #tpu.memory_space<vmem>>
    %dma_wait3A_481 = arith.constant 0 : i32
    %dma_wait3A_482 = tpu.memref_slice %arg4[%dma_wait3A_481] : memref<3000000xf32, #tpu.memory_space<hbm>> -> memref<3000000xf32, #tpu.memory_space<hbm>>
    tpu.wait_indirect_dma semaphore(%arg11 : memref<!tpu.dma_semaphore, #tpu.memory_space<semaphore_mem>>) src(%dma_wait3A_482 : memref<3000000xf32, #tpu.memory_space<hbm>>) dst(%dma_wait3A_477 : memref<128xf32, #tpu.memory_space<vmem>>)
    %get3A = arith.constant 0 : i32
    %get3A_483 = arith.index_cast %get3A : i32 to index
    %get3A_484 = arith.constant 0 : index
    %get3A_485 = tpu.vector_load %arg10[%get3A_483, %get3A_484] {strides = array<i32>} : memref<8x16xf32, #tpu.memory_space<vmem>>, vector<16xf32>,
    %get3A_486 = arith.constant 1 : i32
    %get3A_487 = arith.index_cast %get3A_486 : i32 to index
    %get3A_488 = arith.constant 0 : index
    %get3A_489 = tpu.vector_load %arg10[%get3A_487, %get3A_488] {strides = array<i32>} : memref<8x16xf32, #tpu.memory_space<vmem>>, vector<16xf32>,
    %get3A_490 = arith.constant 2 : i32
    %get3A_491 = arith.index_cast %get3A_490 : i32 to index
    %get3A_492 = arith.constant 0 : index
    %get3A_493 = tpu.vector_load %arg10[%get3A_491, %get3A_492] {strides = array<i32>} : memref<8x16xf32, #tpu.memory_space<vmem>>, vector<16xf32>,
    %mul3A_494 = arith.mulf %get3A_485, %get3A_485 : vector<16xf32>
    %mul3A_495 = arith.mulf %get3A_489, %get3A_489 : vector<16xf32>
    %add3A_496 = arith.addf %mul3A_494, %mul3A_495 : vector<16xf32>
    %mul3A_497 = arith.mulf %get3A_493, %get3A_493 : vector<16xf32>
    %add3A_498 = arith.addf %add3A_496, %mul3A_497 : vector<16xf32>
    %mul3A_499 = arith.constant 1.60590444E-10 : f32
    %mul3A_500 = vector.broadcast %mul3A_499 : f32 to vector<16xf32>
    %mul3A_501 = arith.mulf %mul3A_500, %add3A_498 : vector<16xf32>
    %add3A_502 = arith.constant -2.50521079E-8 : f32
    %add3A_503 = vector.broadcast %add3A_502 : f32 to vector<16xf32>
    %add3A_504 = arith.addf %mul3A_501, %add3A_503 : vector<16xf32>
    %mul3A_505 = arith.mulf %add3A_504, %add3A_498 : vector<16xf32>
    %add3A_506 = arith.constant 2.75573188E-6 : f32
    %add3A_507 = vector.broadcast %add3A_506 : f32 to vector<16xf32>
    %add3A_508 = arith.addf %mul3A_505, %add3A_507 : vector<16xf32>
    %mul3A_509 = arith.mulf %add3A_508, %add3A_498 : vector<16xf32>
    %add3A_510 = arith.constant -1.98412701E-4 : f32
    %add3A_511 = vector.broadcast %add3A_510 : f32 to vector<16xf32>
    %add3A_512 = arith.addf %mul3A_509, %add3A_511 : vector<16xf32>
    %mul3A_513 = arith.mulf %add3A_512, %add3A_498 : vector<16xf32>
    %add3A_514 = arith.constant 0.00833333377 : f32
    %add3A_515 = vector.broadcast %add3A_514 : f32 to vector<16xf32>
    %add3A_516 = arith.addf %mul3A_513, %add3A_515 : vector<16xf32>
    %mul3A_517 = arith.mulf %add3A_516, %add3A_498 : vector<16xf32>
    %add3A_518 = arith.constant -0.166666672 : f32
    %add3A_519 = vector.broadcast %add3A_518 : f32 to vector<16xf32>
    %add3A_520 = arith.addf %mul3A_517, %add3A_519 : vector<16xf32>
    %mul3A_521 = arith.mulf %add3A_520, %add3A_498 : vector<16xf32>
    %add3A_522 = arith.constant 1.000000e+00 : f32
    %add3A_523 = vector.broadcast %add3A_522 : f32 to vector<16xf32>
    %add3A_524 = arith.addf %mul3A_521, %add3A_523 : vector<16xf32>
    %mul3A_525 = arith.constant 1.14707454E-11 : f32
    %mul3A_526 = vector.broadcast %mul3A_525 : f32 to vector<16xf32>
    %mul3A_527 = arith.mulf %mul3A_526, %add3A_498 : vector<16xf32>
    %add3A_528 = arith.constant -2.08767559E-9 : f32
    %add3A_529 = vector.broadcast %add3A_528 : f32 to vector<16xf32>
    %add3A_530 = arith.addf %mul3A_527, %add3A_529 : vector<16xf32>
    %mul3A_531 = arith.mulf %add3A_530, %add3A_498 : vector<16xf32>
    %add3A_532 = arith.constant 2.755732E-7 : f32
    %add3A_533 = vector.broadcast %add3A_532 : f32 to vector<16xf32>
    %add3A_534 = arith.addf %mul3A_531, %add3A_533 : vector<16xf32>
    %mul3A_535 = arith.mulf %add3A_534, %add3A_498 : vector<16xf32>
    %add3A_536 = arith.constant -2.48015876E-5 : f32
    %add3A_537 = vector.broadcast %add3A_536 : f32 to vector<16xf32>
    %add3A_538 = arith.addf %mul3A_535, %add3A_537 : vector<16xf32>
    %mul3A_539 = arith.mulf %add3A_538, %add3A_498 : vector<16xf32>
    %add3A_540 = arith.constant 0.00138888892 : f32
    %add3A_541 = vector.broadcast %add3A_540 : f32 to vector<16xf32>
    %add3A_542 = arith.addf %mul3A_539, %add3A_541 : vector<16xf32>
    %mul3A_543 = arith.mulf %add3A_542, %add3A_498 : vector<16xf32>
    %add3A_544 = arith.constant -0.0416666679 : f32
    %add3A_545 = vector.broadcast %add3A_544 : f32 to vector<16xf32>
    %add3A_546 = arith.addf %mul3A_543, %add3A_545 : vector<16xf32>
    %mul3A_547 = arith.mulf %add3A_546, %add3A_498 : vector<16xf32>
    %add3A_548 = arith.constant 5.000000e-01 : f32
    %add3A_549 = vector.broadcast %add3A_548 : f32 to vector<16xf32>
    %add3A_550 = arith.addf %mul3A_547, %add3A_549 : vector<16xf32>
    %mul3A_551 = arith.mulf %add3A_498, %add3A_550 : vector<16xf32>
    %sub3A = arith.constant 1.000000e+00 : f32
    %sub3A_552 = vector.broadcast %sub3A : f32 to vector<16xf32>
    %sub3A_553 = arith.subf %sub3A_552, %mul3A_551 : vector<16xf32>
    %mul3A_554 = arith.mulf %add3A_550, %get3A_485 : vector<16xf32>
    %mul3A_555 = arith.mulf %mul3A_554, %get3A_485 : vector<16xf32>
    %mul3A_556 = arith.mulf %add3A_550, %get3A_489 : vector<16xf32>
    %mul3A_557 = arith.mulf %mul3A_556, %get3A_489 : vector<16xf32>
    %mul3A_558 = arith.mulf %add3A_550, %get3A_493 : vector<16xf32>
    %mul3A_559 = arith.mulf %mul3A_558, %get3A_493 : vector<16xf32>
    %mul3A_560 = arith.mulf %add3A_550, %get3A_485 : vector<16xf32>
    %mul3A_561 = arith.mulf %mul3A_560, %get3A_489 : vector<16xf32>
    %mul3A_562 = arith.mulf %add3A_550, %get3A_485 : vector<16xf32>
    %mul3A_563 = arith.mulf %mul3A_562, %get3A_493 : vector<16xf32>
    %mul3A_564 = arith.mulf %add3A_550, %get3A_489 : vector<16xf32>
    %mul3A_565 = arith.mulf %mul3A_564, %get3A_493 : vector<16xf32>
    %mul3A_566 = arith.mulf %add3A_524, %get3A_485 : vector<16xf32>
    %mul3A_567 = arith.mulf %add3A_524, %get3A_489 : vector<16xf32>
    %mul3A_568 = arith.mulf %add3A_524, %get3A_493 : vector<16xf32>
    %add3A_569 = arith.addf %sub3A_553, %mul3A_555 : vector<16xf32>
    %sub3A_570 = arith.subf %mul3A_561, %mul3A_568 : vector<16xf32>
    %add3A_571 = arith.addf %mul3A_563, %mul3A_567 : vector<16xf32>
    %add3A_572 = arith.addf %mul3A_561, %mul3A_568 : vector<16xf32>
    %add3A_573 = arith.addf %sub3A_553, %mul3A_557 : vector<16xf32>
    %sub3A_574 = arith.subf %mul3A_565, %mul3A_566 : vector<16xf32>
    %sub3A_575 = arith.subf %mul3A_563, %mul3A_567 : vector<16xf32>
    %add3A_576 = arith.addf %mul3A_565, %mul3A_566 : vector<16xf32>
    %add3A_577 = arith.addf %sub3A_553, %mul3A_559 : vector<16xf32>
    %get3A_578 = arith.constant 3 : i32
    %get3A_579 = arith.index_cast %get3A_578 : i32 to index
    %get3A_580 = arith.constant 0 : index
    %get3A_581 = tpu.vector_load %arg10[%get3A_579, %get3A_580] {strides = array<i32>} : memref<8x16xf32, #tpu.memory_space<vmem>>, vector<16xf32>,
    %mul3A_582 = arith.mulf %get3A_581, %add3A_569 : vector<16xf32>
    %mul3A_583 = arith.mulf %get3A_581, %sub3A_570 : vector<16xf32>
    %mul3A_584 = arith.mulf %get3A_581, %add3A_571 : vector<16xf32>
    %mul3A_585 = arith.mulf %get3A_581, %add3A_572 : vector<16xf32>
    %mul3A_586 = arith.mulf %get3A_581, %add3A_573 : vector<16xf32>
    %mul3A_587 = arith.mulf %get3A_581, %sub3A_574 : vector<16xf32>
    %mul3A_588 = arith.mulf %get3A_581, %sub3A_575 : vector<16xf32>
    %mul3A_589 = arith.mulf %get3A_581, %add3A_576 : vector<16xf32>
    %mul3A_590 = arith.mulf %get3A_581, %add3A_577 : vector<16xf32>
    %get3A_591 = arith.constant 4 : i32
    %get3A_592 = arith.index_cast %get3A_591 : i32 to index
    %get3A_593 = arith.constant 0 : index
    %get3A_594 = tpu.vector_load %arg10[%get3A_592, %get3A_593] {strides = array<i32>} : memref<8x16xf32, #tpu.memory_space<vmem>>, vector<16xf32>,
    %get3A_595 = arith.constant 5 : i32
    %get3A_596 = arith.index_cast %get3A_595 : i32 to index
    %get3A_597 = arith.constant 0 : index
    %get3A_598 = tpu.vector_load %arg10[%get3A_596, %get3A_597] {strides = array<i32>} : memref<8x16xf32, #tpu.memory_space<vmem>>, vector<16xf32>,
    %get3A_599 = arith.constant 6 : i32
    %get3A_600 = arith.index_cast %get3A_599 : i32 to index
    %get3A_601 = arith.constant 0 : index
    %get3A_602 = tpu.vector_load %arg10[%get3A_600, %get3A_601] {strides = array<i32>} : memref<8x16xf32, #tpu.memory_space<vmem>>, vector<16xf32>,
    %broadcast_in_dim3A = arith.constant 0.000000e+00 : f32
    %broadcast_in_dim3A_603 = vector.broadcast %broadcast_in_dim3A : f32 to vector<16xf32>
    %broadcast_in_dim3A_604 = arith.constant 1.000000e+00 : f32
    %broadcast_in_dim3A_605 = vector.broadcast %broadcast_in_dim3A_604 : f32 to vector<16xf32>
    %scan3A = arith.constant 0 : i32
    %scan3A_606 = arith.constant 0 : i32
    %scan3A_607 = arith.constant 8 : i32
    %scan3A_608 = arith.addi %scan3A_606, %scan3A_607 : i32
    %scan3A_609 = arith.constant 1 : i32
    scf.for %scan3A_656 = %scan3A_606 to %scan3A_608 step %scan3A_609  : i32 {
      %mul3A_657 = arith.constant 16 : i32
      %mul3A_658 = arith.muli %scan3A_656, %mul3A_657 : i32
      %get3A_659 = arith.constant 0 : i32
      %get3A_660 = arith.index_cast %get3A_659 : i32 to index
      %get3A_661 = arith.index_cast %mul3A_658 : i32 to index
      %get3A_662 = tpu.vector_load %arg8[%get3A_660, %get3A_661] {strides = array<i32>} : memref<24x128xf32, #tpu.memory_space<vmem>>, vector<16xf32>,
      %get3A_663 = arith.constant 1 : i32
      %get3A_664 = arith.index_cast %get3A_663 : i32 to index
      %get3A_665 = arith.index_cast %mul3A_658 : i32 to index
      %get3A_666 = tpu.vector_load %arg8[%get3A_664, %get3A_665] {strides = array<i32>} : memref<24x128xf32, #tpu.memory_space<vmem>>, vector<16xf32>,
      %get3A_667 = arith.constant 2 : i32
      %get3A_668 = arith.index_cast %get3A_667 : i32 to index
      %get3A_669 = arith.index_cast %mul3A_658 : i32 to index
      %get3A_670 = tpu.vector_load %arg8[%get3A_668, %get3A_669] {strides = array<i32>} : memref<24x128xf32, #tpu.memory_space<vmem>>, vector<16xf32>,
      %get3A_671 = arith.constant 3 : i32
      %get3A_672 = arith.index_cast %get3A_671 : i32 to index
      %get3A_673 = arith.index_cast %mul3A_658 : i32 to index
      %get3A_674 = tpu.vector_load %arg8[%get3A_672, %get3A_673] {strides = array<i32>} : memref<24x128xf32, #tpu.memory_space<vmem>>, vector<16xf32>,
      %get3A_675 = arith.constant 4 : i32
      %get3A_676 = arith.index_cast %get3A_675 : i32 to index
      %get3A_677 = arith.index_cast %mul3A_658 : i32 to index
      %get3A_678 = tpu.vector_load %arg8[%get3A_676, %get3A_677] {strides = array<i32>} : memref<24x128xf32, #tpu.memory_space<vmem>>, vector<16xf32>,
      %get3A_679 = arith.constant 5 : i32
      %get3A_680 = arith.index_cast %get3A_679 : i32 to index
      %get3A_681 = arith.index_cast %mul3A_658 : i32 to index
      %get3A_682 = tpu.vector_load %arg8[%get3A_680, %get3A_681] {strides = array<i32>} : memref<24x128xf32, #tpu.memory_space<vmem>>, vector<16xf32>,
      %mul3A_683 = arith.mulf %get3A_662, %get3A_662 : vector<16xf32>
      %mul3A_684 = arith.mulf %get3A_666, %get3A_666 : vector<16xf32>
      %add3A_685 = arith.addf %mul3A_683, %mul3A_684 : vector<16xf32>
      %mul3A_686 = arith.mulf %get3A_670, %get3A_670 : vector<16xf32>
      %add3A_687 = arith.addf %add3A_685, %mul3A_686 : vector<16xf32>
      %mul3A_688 = arith.constant 1.60590444E-10 : f32
      %mul3A_689 = vector.broadcast %mul3A_688 : f32 to vector<16xf32>
      %mul3A_690 = arith.mulf %mul3A_689, %add3A_687 : vector<16xf32>
      %add3A_691 = arith.constant -2.50521079E-8 : f32
      %add3A_692 = vector.broadcast %add3A_691 : f32 to vector<16xf32>
      %add3A_693 = arith.addf %mul3A_690, %add3A_692 : vector<16xf32>
      %mul3A_694 = arith.mulf %add3A_693, %add3A_687 : vector<16xf32>
      %add3A_695 = arith.constant 2.75573188E-6 : f32
      %add3A_696 = vector.broadcast %add3A_695 : f32 to vector<16xf32>
      %add3A_697 = arith.addf %mul3A_694, %add3A_696 : vector<16xf32>
      %mul3A_698 = arith.mulf %add3A_697, %add3A_687 : vector<16xf32>
      %add3A_699 = arith.constant -1.98412701E-4 : f32
      %add3A_700 = vector.broadcast %add3A_699 : f32 to vector<16xf32>
      %add3A_701 = arith.addf %mul3A_698, %add3A_700 : vector<16xf32>
      %mul3A_702 = arith.mulf %add3A_701, %add3A_687 : vector<16xf32>
      %add3A_703 = arith.constant 0.00833333377 : f32
      %add3A_704 = vector.broadcast %add3A_703 : f32 to vector<16xf32>
      %add3A_705 = arith.addf %mul3A_702, %add3A_704 : vector<16xf32>
      %mul3A_706 = arith.mulf %add3A_705, %add3A_687 : vector<16xf32>
      %add3A_707 = arith.constant -0.166666672 : f32
      %add3A_708 = vector.broadcast %add3A_707 : f32 to vector<16xf32>
      %add3A_709 = arith.addf %mul3A_706, %add3A_708 : vector<16xf32>
      %mul3A_710 = arith.mulf %add3A_709, %add3A_687 : vector<16xf32>
      %add3A_711 = arith.constant 1.000000e+00 : f32
      %add3A_712 = vector.broadcast %add3A_711 : f32 to vector<16xf32>
      %add3A_713 = arith.addf %mul3A_710, %add3A_712 : vector<16xf32>
      %mul3A_714 = arith.constant 1.14707454E-11 : f32
      %mul3A_715 = vector.broadcast %mul3A_714 : f32 to vector<16xf32>
      %mul3A_716 = arith.mulf %mul3A_715, %add3A_687 : vector<16xf32>
      %add3A_717 = arith.constant -2.08767559E-9 : f32
      %add3A_718 = vector.broadcast %add3A_717 : f32 to vector<16xf32>
      %add3A_719 = arith.addf %mul3A_716, %add3A_718 : vector<16xf32>
      %mul3A_720 = arith.mulf %add3A_719, %add3A_687 : vector<16xf32>
      %add3A_721 = arith.constant 2.755732E-7 : f32
      %add3A_722 = vector.broadcast %add3A_721 : f32 to vector<16xf32>
      %add3A_723 = arith.addf %mul3A_720, %add3A_722 : vector<16xf32>
      %mul3A_724 = arith.mulf %add3A_723, %add3A_687 : vector<16xf32>
      %add3A_725 = arith.constant -2.48015876E-5 : f32
      %add3A_726 = vector.broadcast %add3A_725 : f32 to vector<16xf32>
      %add3A_727 = arith.addf %mul3A_724, %add3A_726 : vector<16xf32>
      %mul3A_728 = arith.mulf %add3A_727, %add3A_687 : vector<16xf32>
      %add3A_729 = arith.constant 0.00138888892 : f32
      %add3A_730 = vector.broadcast %add3A_729 : f32 to vector<16xf32>
      %add3A_731 = arith.addf %mul3A_728, %add3A_730 : vector<16xf32>
      %mul3A_732 = arith.mulf %add3A_731, %add3A_687 : vector<16xf32>
      %add3A_733 = arith.constant -0.0416666679 : f32
      %add3A_734 = vector.broadcast %add3A_733 : f32 to vector<16xf32>
      %add3A_735 = arith.addf %mul3A_732, %add3A_734 : vector<16xf32>
      %mul3A_736 = arith.mulf %add3A_735, %add3A_687 : vector<16xf32>
      %add3A_737 = arith.constant 5.000000e-01 : f32
      %add3A_738 = vector.broadcast %add3A_737 : f32 to vector<16xf32>
      %add3A_739 = arith.addf %mul3A_736, %add3A_738 : vector<16xf32>
      %mul3A_740 = arith.mulf %add3A_687, %add3A_739 : vector<16xf32>
      %sub3A_741 = arith.constant 1.000000e+00 : f32
      %sub3A_742 = vector.broadcast %sub3A_741 : f32 to vector<16xf32>
      %sub3A_743 = arith.subf %sub3A_742, %mul3A_740 : vector<16xf32>
      %mul3A_744 = arith.mulf %add3A_739, %get3A_662 : vector<16xf32>
      %mul3A_745 = arith.mulf %mul3A_744, %get3A_662 : vector<16xf32>
      %mul3A_746 = arith.mulf %add3A_739, %get3A_666 : vector<16xf32>
      %mul3A_747 = arith.mulf %mul3A_746, %get3A_666 : vector<16xf32>
      %mul3A_748 = arith.mulf %add3A_739, %get3A_670 : vector<16xf32>
      %mul3A_749 = arith.mulf %mul3A_748, %get3A_670 : vector<16xf32>
      %mul3A_750 = arith.mulf %add3A_739, %get3A_662 : vector<16xf32>
      %mul3A_751 = arith.mulf %mul3A_750, %get3A_666 : vector<16xf32>
      %mul3A_752 = arith.mulf %add3A_739, %get3A_662 : vector<16xf32>
      %mul3A_753 = arith.mulf %mul3A_752, %get3A_670 : vector<16xf32>
      %mul3A_754 = arith.mulf %add3A_739, %get3A_666 : vector<16xf32>
      %mul3A_755 = arith.mulf %mul3A_754, %get3A_670 : vector<16xf32>
      %mul3A_756 = arith.mulf %add3A_713, %get3A_662 : vector<16xf32>
      %mul3A_757 = arith.mulf %add3A_713, %get3A_666 : vector<16xf32>
      %mul3A_758 = arith.mulf %add3A_713, %get3A_670 : vector<16xf32>
      %add3A_759 = arith.addf %sub3A_743, %mul3A_745 : vector<16xf32>
      %sub3A_760 = arith.subf %mul3A_751, %mul3A_758 : vector<16xf32>
      %add3A_761 = arith.addf %mul3A_753, %mul3A_757 : vector<16xf32>
      %add3A_762 = arith.addf %mul3A_751, %mul3A_758 : vector<16xf32>
      %add3A_763 = arith.addf %sub3A_743, %mul3A_747 : vector<16xf32>
      %sub3A_764 = arith.subf %mul3A_755, %mul3A_756 : vector<16xf32>
      %sub3A_765 = arith.subf %mul3A_753, %mul3A_757 : vector<16xf32>
      %add3A_766 = arith.addf %mul3A_755, %mul3A_756 : vector<16xf32>
      %add3A_767 = arith.addf %sub3A_743, %mul3A_749 : vector<16xf32>
      %mul3A_768 = arith.mulf %add3A_759, %mul3A_582 : vector<16xf32>
      %mul3A_769 = arith.mulf %sub3A_760, %mul3A_585 : vector<16xf32>
      %add3A_770 = arith.addf %mul3A_768, %mul3A_769 : vector<16xf32>
      %mul3A_771 = arith.mulf %add3A_761, %mul3A_588 : vector<16xf32>
      %add3A_772 = arith.addf %add3A_770, %mul3A_771 : vector<16xf32>
      %swap3A = arith.constant 0 : i32
      %swap3A_773 = arith.constant 0 : i32
      %swap3A_774 = arith.index_cast %swap3A : i32 to index
      %swap3A_775 = arith.index_cast %swap3A_773 : i32 to index
      %swap3A_776 = arith.index_cast %mul3A_658 : i32 to index
      %swap3A_777 = tpu.vector_load %arg9[%swap3A_774, %swap3A_775, %swap3A_776] {strides = array<i32>} : memref<4x16x128xf32, #tpu.memory_space<vmem>>, vector<16xf32>,
      tpu.vector_store %arg9[%swap3A_774, %swap3A_775, %swap3A_776], %add3A_772 {strides = array<i32>} : memref<4x16x128xf32, #tpu.memory_space<vmem>>, vector<16xf32>,
      %mul3A_778 = arith.mulf %add3A_759, %mul3A_583 : vector<16xf32>
      %mul3A_779 = arith.mulf %sub3A_760, %mul3A_586 : vector<16xf32>
      %add3A_780 = arith.addf %mul3A_778, %mul3A_779 : vector<16xf32>
      %mul3A_781 = arith.mulf %add3A_761, %mul3A_589 : vector<16xf32>
      %add3A_782 = arith.addf %add3A_780, %mul3A_781 : vector<16xf32>
      %swap3A_783 = arith.constant 0 : i32
      %swap3A_784 = arith.constant 1 : i32
      %swap3A_785 = arith.index_cast %swap3A_783 : i32 to index
      %swap3A_786 = arith.index_cast %swap3A_784 : i32 to index
      %swap3A_787 = arith.index_cast %mul3A_658 : i32 to index
      %swap3A_788 = tpu.vector_load %arg9[%swap3A_785, %swap3A_786, %swap3A_787] {strides = array<i32>} : memref<4x16x128xf32, #tpu.memory_space<vmem>>, vector<16xf32>,
      tpu.vector_store %arg9[%swap3A_785, %swap3A_786, %swap3A_787], %add3A_782 {strides = array<i32>} : memref<4x16x128xf32, #tpu.memory_space<vmem>>, vector<16xf32>,
      %mul3A_789 = arith.mulf %add3A_759, %mul3A_584 : vector<16xf32>
      %mul3A_790 = arith.mulf %sub3A_760, %mul3A_587 : vector<16xf32>
      %add3A_791 = arith.addf %mul3A_789, %mul3A_790 : vector<16xf32>
      %mul3A_792 = arith.mulf %add3A_761, %mul3A_590 : vector<16xf32>
      %add3A_793 = arith.addf %add3A_791, %mul3A_792 : vector<16xf32>
      %swap3A_794 = arith.constant 0 : i32
      %swap3A_795 = arith.constant 2 : i32
      %swap3A_796 = arith.index_cast %swap3A_794 : i32 to index
      %swap3A_797 = arith.index_cast %swap3A_795 : i32 to index
      %swap3A_798 = arith.index_cast %mul3A_658 : i32 to index
      %swap3A_799 = tpu.vector_load %arg9[%swap3A_796, %swap3A_797, %swap3A_798] {strides = array<i32>} : memref<4x16x128xf32, #tpu.memory_space<vmem>>, vector<16xf32>,
      tpu.vector_store %arg9[%swap3A_796, %swap3A_797, %swap3A_798], %add3A_793 {strides = array<i32>} : memref<4x16x128xf32, #tpu.memory_space<vmem>>, vector<16xf32>,
      %mul3A_800 = arith.mulf %add3A_759, %get3A_594 : vector<16xf32>
      %mul3A_801 = arith.mulf %sub3A_760, %get3A_598 : vector<16xf32>
      %add3A_802 = arith.addf %mul3A_800, %mul3A_801 : vector<16xf32>
      %mul3A_803 = arith.mulf %add3A_761, %get3A_602 : vector<16xf32>
      %add3A_804 = arith.addf %add3A_802, %mul3A_803 : vector<16xf32>
      %add3A_805 = arith.addf %add3A_804, %get3A_674 : vector<16xf32>
      %swap3A_806 = arith.constant 0 : i32
      %swap3A_807 = arith.constant 3 : i32
      %swap3A_808 = arith.index_cast %swap3A_806 : i32 to index
      %swap3A_809 = arith.index_cast %swap3A_807 : i32 to index
      %swap3A_810 = arith.index_cast %mul3A_658 : i32 to index
      %swap3A_811 = tpu.vector_load %arg9[%swap3A_808, %swap3A_809, %swap3A_810] {strides = array<i32>} : memref<4x16x128xf32, #tpu.memory_space<vmem>>, vector<16xf32>,
      tpu.vector_store %arg9[%swap3A_808, %swap3A_809, %swap3A_810], %add3A_805 {strides = array<i32>} : memref<4x16x128xf32, #tpu.memory_space<vmem>>, vector<16xf32>,
      %mul3A_812 = arith.mulf %add3A_762, %mul3A_582 : vector<16xf32>
      %mul3A_813 = arith.mulf %add3A_763, %mul3A_585 : vector<16xf32>
      %add3A_814 = arith.addf %mul3A_812, %mul3A_813 : vector<16xf32>
      %mul3A_815 = arith.mulf %sub3A_764, %mul3A_588 : vector<16xf32>
      %add3A_816 = arith.addf %add3A_814, %mul3A_815 : vector<16xf32>
      %swap3A_817 = arith.constant 1 : i32
      %swap3A_818 = arith.constant 0 : i32
      %swap3A_819 = arith.index_cast %swap3A_817 : i32 to index
      %swap3A_820 = arith.index_cast %swap3A_818 : i32 to index
      %swap3A_821 = arith.index_cast %mul3A_658 : i32 to index
      %swap3A_822 = tpu.vector_load %arg9[%swap3A_819, %swap3A_820, %swap3A_821] {strides = array<i32>} : memref<4x16x128xf32, #tpu.memory_space<vmem>>, vector<16xf32>,
      tpu.vector_store %arg9[%swap3A_819, %swap3A_820, %swap3A_821], %add3A_816 {strides = array<i32>} : memref<4x16x128xf32, #tpu.memory_space<vmem>>, vector<16xf32>,
      %mul3A_823 = arith.mulf %add3A_762, %mul3A_583 : vector<16xf32>
      %mul3A_824 = arith.mulf %add3A_763, %mul3A_586 : vector<16xf32>
      %add3A_825 = arith.addf %mul3A_823, %mul3A_824 : vector<16xf32>
      %mul3A_826 = arith.mulf %sub3A_764, %mul3A_589 : vector<16xf32>
      %add3A_827 = arith.addf %add3A_825, %mul3A_826 : vector<16xf32>
      %swap3A_828 = arith.constant 1 : i32
      %swap3A_829 = arith.constant 1 : i32
      %swap3A_830 = arith.index_cast %swap3A_828 : i32 to index
      %swap3A_831 = arith.index_cast %swap3A_829 : i32 to index
      %swap3A_832 = arith.index_cast %mul3A_658 : i32 to index
      %swap3A_833 = tpu.vector_load %arg9[%swap3A_830, %swap3A_831, %swap3A_832] {strides = array<i32>} : memref<4x16x128xf32, #tpu.memory_space<vmem>>, vector<16xf32>,
      tpu.vector_store %arg9[%swap3A_830, %swap3A_831, %swap3A_832], %add3A_827 {strides = array<i32>} : memref<4x16x128xf32, #tpu.memory_space<vmem>>, vector<16xf32>,
      %mul3A_834 = arith.mulf %add3A_762, %mul3A_584 : vector<16xf32>
      %mul3A_835 = arith.mulf %add3A_763, %mul3A_587 : vector<16xf32>
      %add3A_836 = arith.addf %mul3A_834, %mul3A_835 : vector<16xf32>
      %mul3A_837 = arith.mulf %sub3A_764, %mul3A_590 : vector<16xf32>
      %add3A_838 = arith.addf %add3A_836, %mul3A_837 : vector<16xf32>
      %swap3A_839 = arith.constant 1 : i32
      %swap3A_840 = arith.constant 2 : i32
      %swap3A_841 = arith.index_cast %swap3A_839 : i32 to index
      %swap3A_842 = arith.index_cast %swap3A_840 : i32 to index
      %swap3A_843 = arith.index_cast %mul3A_658 : i32 to index
      %swap3A_844 = tpu.vector_load %arg9[%swap3A_841, %swap3A_842, %swap3A_843] {strides = array<i32>} : memref<4x16x128xf32, #tpu.memory_space<vmem>>, vector<16xf32>,
      tpu.vector_store %arg9[%swap3A_841, %swap3A_842, %swap3A_843], %add3A_838 {strides = array<i32>} : memref<4x16x128xf32, #tpu.memory_space<vmem>>, vector<16xf32>,
      %mul3A_845 = arith.mulf %add3A_762, %get3A_594 : vector<16xf32>
      %mul3A_846 = arith.mulf %add3A_763, %get3A_598 : vector<16xf32>
      %add3A_847 = arith.addf %mul3A_845, %mul3A_846 : vector<16xf32>
      %mul3A_848 = arith.mulf %sub3A_764, %get3A_602 : vector<16xf32>
      %add3A_849 = arith.addf %add3A_847, %mul3A_848 : vector<16xf32>
      %add3A_850 = arith.addf %add3A_849, %get3A_678 : vector<16xf32>
      %swap3A_851 = arith.constant 1 : i32
      %swap3A_852 = arith.constant 3 : i32
      %swap3A_853 = arith.index_cast %swap3A_851 : i32 to index
      %swap3A_854 = arith.index_cast %swap3A_852 : i32 to index
      %swap3A_855 = arith.index_cast %mul3A_658 : i32 to index
      %swap3A_856 = tpu.vector_load %arg9[%swap3A_853, %swap3A_854, %swap3A_855] {strides = array<i32>} : memref<4x16x128xf32, #tpu.memory_space<vmem>>, vector<16xf32>,
      tpu.vector_store %arg9[%swap3A_853, %swap3A_854, %swap3A_855], %add3A_850 {strides = array<i32>} : memref<4x16x128xf32, #tpu.memory_space<vmem>>, vector<16xf32>,
      %mul3A_857 = arith.mulf %sub3A_765, %mul3A_582 : vector<16xf32>
      %mul3A_858 = arith.mulf %add3A_766, %mul3A_585 : vector<16xf32>
      %add3A_859 = arith.addf %mul3A_857, %mul3A_858 : vector<16xf32>
      %mul3A_860 = arith.mulf %add3A_767, %mul3A_588 : vector<16xf32>
      %add3A_861 = arith.addf %add3A_859, %mul3A_860 : vector<16xf32>
      %swap3A_862 = arith.constant 2 : i32
      %swap3A_863 = arith.constant 0 : i32
      %swap3A_864 = arith.index_cast %swap3A_862 : i32 to index
      %swap3A_865 = arith.index_cast %swap3A_863 : i32 to index
      %swap3A_866 = arith.index_cast %mul3A_658 : i32 to index
      %swap3A_867 = tpu.vector_load %arg9[%swap3A_864, %swap3A_865, %swap3A_866] {strides = array<i32>} : memref<4x16x128xf32, #tpu.memory_space<vmem>>, vector<16xf32>,
      tpu.vector_store %arg9[%swap3A_864, %swap3A_865, %swap3A_866], %add3A_861 {strides = array<i32>} : memref<4x16x128xf32, #tpu.memory_space<vmem>>, vector<16xf32>,
      %mul3A_868 = arith.mulf %sub3A_765, %mul3A_583 : vector<16xf32>
      %mul3A_869 = arith.mulf %add3A_766, %mul3A_586 : vector<16xf32>
      %add3A_870 = arith.addf %mul3A_868, %mul3A_869 : vector<16xf32>
      %mul3A_871 = arith.mulf %add3A_767, %mul3A_589 : vector<16xf32>
      %add3A_872 = arith.addf %add3A_870, %mul3A_871 : vector<16xf32>
      %swap3A_873 = arith.constant 2 : i32
      %swap3A_874 = arith.constant 1 : i32
      %swap3A_875 = arith.index_cast %swap3A_873 : i32 to index
      %swap3A_876 = arith.index_cast %swap3A_874 : i32 to index
      %swap3A_877 = arith.index_cast %mul3A_658 : i32 to index
      %swap3A_878 = tpu.vector_load %arg9[%swap3A_875, %swap3A_876, %swap3A_877] {strides = array<i32>} : memref<4x16x128xf32, #tpu.memory_space<vmem>>, vector<16xf32>,
      tpu.vector_store %arg9[%swap3A_875, %swap3A_876, %swap3A_877], %add3A_872 {strides = array<i32>} : memref<4x16x128xf32, #tpu.memory_space<vmem>>, vector<16xf32>,
      %mul3A_879 = arith.mulf %sub3A_765, %mul3A_584 : vector<16xf32>
      %mul3A_880 = arith.mulf %add3A_766, %mul3A_587 : vector<16xf32>
      %add3A_881 = arith.addf %mul3A_879, %mul3A_880 : vector<16xf32>
      %mul3A_882 = arith.mulf %add3A_767, %mul3A_590 : vector<16xf32>
      %add3A_883 = arith.addf %add3A_881, %mul3A_882 : vector<16xf32>
      %swap3A_884 = arith.constant 2 : i32
      %swap3A_885 = arith.constant 2 : i32
      %swap3A_886 = arith.index_cast %swap3A_884 : i32 to index
      %swap3A_887 = arith.index_cast %swap3A_885 : i32 to index
      %swap3A_888 = arith.index_cast %mul3A_658 : i32 to index
      %swap3A_889 = tpu.vector_load %arg9[%swap3A_886, %swap3A_887, %swap3A_888] {strides = array<i32>} : memref<4x16x128xf32, #tpu.memory_space<vmem>>, vector<16xf32>,
      tpu.vector_store %arg9[%swap3A_886, %swap3A_887, %swap3A_888], %add3A_883 {strides = array<i32>} : memref<4x16x128xf32, #tpu.memory_space<vmem>>, vector<16xf32>,
      %mul3A_890 = arith.mulf %sub3A_765, %get3A_594 : vector<16xf32>
      %mul3A_891 = arith.mulf %add3A_766, %get3A_598 : vector<16xf32>
      %add3A_892 = arith.addf %mul3A_890, %mul3A_891 : vector<16xf32>
      %mul3A_893 = arith.mulf %add3A_767, %get3A_602 : vector<16xf32>
      %add3A_894 = arith.addf %add3A_892, %mul3A_893 : vector<16xf32>
      %add3A_895 = arith.addf %add3A_894, %get3A_682 : vector<16xf32>
      %swap3A_896 = arith.constant 2 : i32
      %swap3A_897 = arith.constant 3 : i32
      %swap3A_898 = arith.index_cast %swap3A_896 : i32 to index
      %swap3A_899 = arith.index_cast %swap3A_897 : i32 to index
      %swap3A_900 = arith.index_cast %mul3A_658 : i32 to index
      %swap3A_901 = tpu.vector_load %arg9[%swap3A_898, %swap3A_899, %swap3A_900] {strides = array<i32>} : memref<4x16x128xf32, #tpu.memory_space<vmem>>, vector<16xf32>,
      tpu.vector_store %arg9[%swap3A_898, %swap3A_899, %swap3A_900], %add3A_895 {strides = array<i32>} : memref<4x16x128xf32, #tpu.memory_space<vmem>>, vector<16xf32>,
      %swap3A_902 = arith.constant 3 : i32
      %swap3A_903 = arith.constant 0 : i32
      %swap3A_904 = arith.index_cast %swap3A_902 : i32 to index
      %swap3A_905 = arith.index_cast %swap3A_903 : i32 to index
      %swap3A_906 = arith.index_cast %mul3A_658 : i32 to index
      %swap3A_907 = tpu.vector_load %arg9[%swap3A_904, %swap3A_905, %swap3A_906] {strides = array<i32>} : memref<4x16x128xf32, #tpu.memory_space<vmem>>, vector<16xf32>,
      tpu.vector_store %arg9[%swap3A_904, %swap3A_905, %swap3A_906], %broadcast_in_dim3A_603 {strides = array<i32>} : memref<4x16x128xf32, #tpu.memory_space<vmem>>, vector<16xf32>,
      %swap3A_908 = arith.constant 3 : i32
      %swap3A_909 = arith.constant 1 : i32
      %swap3A_910 = arith.index_cast %swap3A_908 : i32 to index
      %swap3A_911 = arith.index_cast %swap3A_909 : i32 to index
      %swap3A_912 = arith.index_cast %mul3A_658 : i32 to index
      %swap3A_913 = tpu.vector_load %arg9[%swap3A_910, %swap3A_911, %swap3A_912] {strides = array<i32>} : memref<4x16x128xf32, #tpu.memory_space<vmem>>, vector<16xf32>,
      tpu.vector_store %arg9[%swap3A_910, %swap3A_911, %swap3A_912], %broadcast_in_dim3A_603 {strides = array<i32>} : memref<4x16x128xf32, #tpu.memory_space<vmem>>, vector<16xf32>,
      %swap3A_914 = arith.constant 3 : i32
      %swap3A_915 = arith.constant 2 : i32
      %swap3A_916 = arith.index_cast %swap3A_914 : i32 to index
      %swap3A_917 = arith.index_cast %swap3A_915 : i32 to index
      %swap3A_918 = arith.index_cast %mul3A_658 : i32 to index
      %swap3A_919 = tpu.vector_load %arg9[%swap3A_916, %swap3A_917, %swap3A_918] {strides = array<i32>} : memref<4x16x128xf32, #tpu.memory_space<vmem>>, vector<16xf32>,
      tpu.vector_store %arg9[%swap3A_916, %swap3A_917, %swap3A_918], %broadcast_in_dim3A_603 {strides = array<i32>} : memref<4x16x128xf32, #tpu.memory_space<vmem>>, vector<16xf32>,
      %swap3A_920 = arith.constant 3 : i32
      %swap3A_921 = arith.constant 3 : i32
      %swap3A_922 = arith.index_cast %swap3A_920 : i32 to index
      %swap3A_923 = arith.index_cast %swap3A_921 : i32 to index
      %swap3A_924 = arith.index_cast %mul3A_658 : i32 to index
      %swap3A_925 = tpu.vector_load %arg9[%swap3A_922, %swap3A_923, %swap3A_924] {strides = array<i32>} : memref<4x16x128xf32, #tpu.memory_space<vmem>>, vector<16xf32>,
      tpu.vector_store %arg9[%swap3A_922, %swap3A_923, %swap3A_924], %broadcast_in_dim3A_605 {strides = array<i32>} : memref<4x16x128xf32, #tpu.memory_space<vmem>>, vector<16xf32>,
    }
    %scan3A_610 = arith.constant 8 : i32
    %scan3A_611 = arith.constant 0 : i32
    %scan3A_612 = arith.constant 0 : i32
    %scan3A_613 = arith.constant 8 : i32
    %scan3A_614 = arith.addi %scan3A_612, %scan3A_613 : i32
    %scan3A_615 = arith.constant 1 : i32
    scf.for %scan3A_656 = %scan3A_612 to %scan3A_614 step %scan3A_615  : i32 {
      %mul3A_657 = arith.constant 16 : i32
      %mul3A_658 = arith.muli %scan3A_656, %mul3A_657 : i32
      %get3A_659 = arith.constant 6 : i32
      %get3A_660 = arith.index_cast %get3A_659 : i32 to index
      %get3A_661 = arith.index_cast %mul3A_658 : i32 to index
      %get3A_662 = tpu.vector_load %arg8[%get3A_660, %get3A_661] {strides = array<i32>} : memref<24x128xf32, #tpu.memory_space<vmem>>, vector<16xf32>,
      %get3A_663 = arith.constant 7 : i32
      %get3A_664 = arith.index_cast %get3A_663 : i32 to index
      %get3A_665 = arith.index_cast %mul3A_658 : i32 to index
      %get3A_666 = tpu.vector_load %arg8[%get3A_664, %get3A_665] {strides = array<i32>} : memref<24x128xf32, #tpu.memory_space<vmem>>, vector<16xf32>,
      %get3A_667 = arith.constant 8 : i32
      %get3A_668 = arith.index_cast %get3A_667 : i32 to index
      %get3A_669 = arith.index_cast %mul3A_658 : i32 to index
      %get3A_670 = tpu.vector_load %arg8[%get3A_668, %get3A_669] {strides = array<i32>} : memref<24x128xf32, #tpu.memory_space<vmem>>, vector<16xf32>,
      %get3A_671 = arith.constant 9 : i32
      %get3A_672 = arith.index_cast %get3A_671 : i32 to index
      %get3A_673 = arith.index_cast %mul3A_658 : i32 to index
      %get3A_674 = tpu.vector_load %arg8[%get3A_672, %get3A_673] {strides = array<i32>} : memref<24x128xf32, #tpu.memory_space<vmem>>, vector<16xf32>,
      %get3A_675 = arith.constant 10 : i32
      %get3A_676 = arith.index_cast %get3A_675 : i32 to index
      %get3A_677 = arith.index_cast %mul3A_658 : i32 to index
      %get3A_678 = tpu.vector_load %arg8[%get3A_676, %get3A_677] {strides = array<i32>} : memref<24x128xf32, #tpu.memory_space<vmem>>, vector<16xf32>,
      %get3A_679 = arith.constant 11 : i32
      %get3A_680 = arith.index_cast %get3A_679 : i32 to index
      %get3A_681 = arith.index_cast %mul3A_658 : i32 to index
      %get3A_682 = tpu.vector_load %arg8[%get3A_680, %get3A_681] {strides = array<i32>} : memref<24x128xf32, #tpu.memory_space<vmem>>, vector<16xf32>,
      %mul3A_683 = arith.mulf %get3A_662, %get3A_662 : vector<16xf32>
      %mul3A_684 = arith.mulf %get3A_666, %get3A_666 : vector<16xf32>
      %add3A_685 = arith.addf %mul3A_683, %mul3A_684 : vector<16xf32>
      %mul3A_686 = arith.mulf %get3A_670, %get3A_670 : vector<16xf32>
      %add3A_687 = arith.addf %add3A_685, %mul3A_686 : vector<16xf32>
      %mul3A_688 = arith.constant 1.60590444E-10 : f32
      %mul3A_689 = vector.broadcast %mul3A_688 : f32 to vector<16xf32>
      %mul3A_690 = arith.mulf %mul3A_689, %add3A_687 : vector<16xf32>
      %add3A_691 = arith.constant -2.50521079E-8 : f32
      %add3A_692 = vector.broadcast %add3A_691 : f32 to vector<16xf32>
      %add3A_693 = arith.addf %mul3A_690, %add3A_692 : vector<16xf32>
      %mul3A_694 = arith.mulf %add3A_693, %add3A_687 : vector<16xf32>
      %add3A_695 = arith.constant 2.75573188E-6 : f32
      %add3A_696 = vector.broadcast %add3A_695 : f32 to vector<16xf32>
      %add3A_697 = arith.addf %mul3A_694, %add3A_696 : vector<16xf32>
      %mul3A_698 = arith.mulf %add3A_697, %add3A_687 : vector<16xf32>
      %add3A_699 = arith.constant -1.98412701E-4 : f32
      %add3A_700 = vector.broadcast %add3A_699 : f32 to vector<16xf32>
      %add3A_701 = arith.addf %mul3A_698, %add3A_700 : vector<16xf32>
      %mul3A_702 = arith.mulf %add3A_701, %add3A_687 : vector<16xf32>
      %add3A_703 = arith.constant 0.00833333377 : f32
      %add3A_704 = vector.broadcast %add3A_703 : f32 to vector<16xf32>
      %add3A_705 = arith.addf %mul3A_702, %add3A_704 : vector<16xf32>
      %mul3A_706 = arith.mulf %add3A_705, %add3A_687 : vector<16xf32>
      %add3A_707 = arith.constant -0.166666672 : f32
      %add3A_708 = vector.broadcast %add3A_707 : f32 to vector<16xf32>
      %add3A_709 = arith.addf %mul3A_706, %add3A_708 : vector<16xf32>
      %mul3A_710 = arith.mulf %add3A_709, %add3A_687 : vector<16xf32>
      %add3A_711 = arith.constant 1.000000e+00 : f32
      %add3A_712 = vector.broadcast %add3A_711 : f32 to vector<16xf32>
      %add3A_713 = arith.addf %mul3A_710, %add3A_712 : vector<16xf32>
      %mul3A_714 = arith.constant 1.14707454E-11 : f32
      %mul3A_715 = vector.broadcast %mul3A_714 : f32 to vector<16xf32>
      %mul3A_716 = arith.mulf %mul3A_715, %add3A_687 : vector<16xf32>
      %add3A_717 = arith.constant -2.08767559E-9 : f32
      %add3A_718 = vector.broadcast %add3A_717 : f32 to vector<16xf32>
      %add3A_719 = arith.addf %mul3A_716, %add3A_718 : vector<16xf32>
      %mul3A_720 = arith.mulf %add3A_719, %add3A_687 : vector<16xf32>
      %add3A_721 = arith.constant 2.755732E-7 : f32
      %add3A_722 = vector.broadcast %add3A_721 : f32 to vector<16xf32>
      %add3A_723 = arith.addf %mul3A_720, %add3A_722 : vector<16xf32>
      %mul3A_724 = arith.mulf %add3A_723, %add3A_687 : vector<16xf32>
      %add3A_725 = arith.constant -2.48015876E-5 : f32
      %add3A_726 = vector.broadcast %add3A_725 : f32 to vector<16xf32>
      %add3A_727 = arith.addf %mul3A_724, %add3A_726 : vector<16xf32>
      %mul3A_728 = arith.mulf %add3A_727, %add3A_687 : vector<16xf32>
      %add3A_729 = arith.constant 0.00138888892 : f32
      %add3A_730 = vector.broadcast %add3A_729 : f32 to vector<16xf32>
      %add3A_731 = arith.addf %mul3A_728, %add3A_730 : vector<16xf32>
      %mul3A_732 = arith.mulf %add3A_731, %add3A_687 : vector<16xf32>
      %add3A_733 = arith.constant -0.0416666679 : f32
      %add3A_734 = vector.broadcast %add3A_733 : f32 to vector<16xf32>
      %add3A_735 = arith.addf %mul3A_732, %add3A_734 : vector<16xf32>
      %mul3A_736 = arith.mulf %add3A_735, %add3A_687 : vector<16xf32>
      %add3A_737 = arith.constant 5.000000e-01 : f32
      %add3A_738 = vector.broadcast %add3A_737 : f32 to vector<16xf32>
      %add3A_739 = arith.addf %mul3A_736, %add3A_738 : vector<16xf32>
      %mul3A_740 = arith.mulf %add3A_687, %add3A_739 : vector<16xf32>
      %sub3A_741 = arith.constant 1.000000e+00 : f32
      %sub3A_742 = vector.broadcast %sub3A_741 : f32 to vector<16xf32>
      %sub3A_743 = arith.subf %sub3A_742, %mul3A_740 : vector<16xf32>
      %mul3A_744 = arith.mulf %add3A_739, %get3A_662 : vector<16xf32>
      %mul3A_745 = arith.mulf %mul3A_744, %get3A_662 : vector<16xf32>
      %mul3A_746 = arith.mulf %add3A_739, %get3A_666 : vector<16xf32>
      %mul3A_747 = arith.mulf %mul3A_746, %get3A_666 : vector<16xf32>
      %mul3A_748 = arith.mulf %add3A_739, %get3A_670 : vector<16xf32>
      %mul3A_749 = arith.mulf %mul3A_748, %get3A_670 : vector<16xf32>
      %mul3A_750 = arith.mulf %add3A_739, %get3A_662 : vector<16xf32>
      %mul3A_751 = arith.mulf %mul3A_750, %get3A_666 : vector<16xf32>
      %mul3A_752 = arith.mulf %add3A_739, %get3A_662 : vector<16xf32>
      %mul3A_753 = arith.mulf %mul3A_752, %get3A_670 : vector<16xf32>
      %mul3A_754 = arith.mulf %add3A_739, %get3A_666 : vector<16xf32>
      %mul3A_755 = arith.mulf %mul3A_754, %get3A_670 : vector<16xf32>
      %mul3A_756 = arith.mulf %add3A_713, %get3A_662 : vector<16xf32>
      %mul3A_757 = arith.mulf %add3A_713, %get3A_666 : vector<16xf32>
      %mul3A_758 = arith.mulf %add3A_713, %get3A_670 : vector<16xf32>
      %add3A_759 = arith.addf %sub3A_743, %mul3A_745 : vector<16xf32>
      %sub3A_760 = arith.subf %mul3A_751, %mul3A_758 : vector<16xf32>
      %add3A_761 = arith.addf %mul3A_753, %mul3A_757 : vector<16xf32>
      %add3A_762 = arith.addf %mul3A_751, %mul3A_758 : vector<16xf32>
      %add3A_763 = arith.addf %sub3A_743, %mul3A_747 : vector<16xf32>
      %sub3A_764 = arith.subf %mul3A_755, %mul3A_756 : vector<16xf32>
      %sub3A_765 = arith.subf %mul3A_753, %mul3A_757 : vector<16xf32>
      %add3A_766 = arith.addf %mul3A_755, %mul3A_756 : vector<16xf32>
      %add3A_767 = arith.addf %sub3A_743, %mul3A_749 : vector<16xf32>
      %mul3A_768 = arith.mulf %add3A_759, %mul3A_582 : vector<16xf32>
      %mul3A_769 = arith.mulf %sub3A_760, %mul3A_585 : vector<16xf32>
      %add3A_770 = arith.addf %mul3A_768, %mul3A_769 : vector<16xf32>
      %mul3A_771 = arith.mulf %add3A_761, %mul3A_588 : vector<16xf32>
      %add3A_772 = arith.addf %add3A_770, %mul3A_771 : vector<16xf32>
      %swap3A = arith.constant 0 : i32
      %swap3A_773 = arith.constant 4 : i32
      %swap3A_774 = arith.index_cast %swap3A : i32 to index
      %swap3A_775 = arith.index_cast %swap3A_773 : i32 to index
      %swap3A_776 = arith.index_cast %mul3A_658 : i32 to index
      %swap3A_777 = tpu.vector_load %arg9[%swap3A_774, %swap3A_775, %swap3A_776] {strides = array<i32>} : memref<4x16x128xf32, #tpu.memory_space<vmem>>, vector<16xf32>,
      tpu.vector_store %arg9[%swap3A_774, %swap3A_775, %swap3A_776], %add3A_772 {strides = array<i32>} : memref<4x16x128xf32, #tpu.memory_space<vmem>>, vector<16xf32>,
      %mul3A_778 = arith.mulf %add3A_759, %mul3A_583 : vector<16xf32>
      %mul3A_779 = arith.mulf %sub3A_760, %mul3A_586 : vector<16xf32>
      %add3A_780 = arith.addf %mul3A_778, %mul3A_779 : vector<16xf32>
      %mul3A_781 = arith.mulf %add3A_761, %mul3A_589 : vector<16xf32>
      %add3A_782 = arith.addf %add3A_780, %mul3A_781 : vector<16xf32>
      %swap3A_783 = arith.constant 0 : i32
      %swap3A_784 = arith.constant 5 : i32
      %swap3A_785 = arith.index_cast %swap3A_783 : i32 to index
      %swap3A_786 = arith.index_cast %swap3A_784 : i32 to index
      %swap3A_787 = arith.index_cast %mul3A_658 : i32 to index
      %swap3A_788 = tpu.vector_load %arg9[%swap3A_785, %swap3A_786, %swap3A_787] {strides = array<i32>} : memref<4x16x128xf32, #tpu.memory_space<vmem>>, vector<16xf32>,
      tpu.vector_store %arg9[%swap3A_785, %swap3A_786, %swap3A_787], %add3A_782 {strides = array<i32>} : memref<4x16x128xf32, #tpu.memory_space<vmem>>, vector<16xf32>,
      %mul3A_789 = arith.mulf %add3A_759, %mul3A_584 : vector<16xf32>
      %mul3A_790 = arith.mulf %sub3A_760, %mul3A_587 : vector<16xf32>
      %add3A_791 = arith.addf %mul3A_789, %mul3A_790 : vector<16xf32>
      %mul3A_792 = arith.mulf %add3A_761, %mul3A_590 : vector<16xf32>
      %add3A_793 = arith.addf %add3A_791, %mul3A_792 : vector<16xf32>
      %swap3A_794 = arith.constant 0 : i32
      %swap3A_795 = arith.constant 6 : i32
      %swap3A_796 = arith.index_cast %swap3A_794 : i32 to index
      %swap3A_797 = arith.index_cast %swap3A_795 : i32 to index
      %swap3A_798 = arith.index_cast %mul3A_658 : i32 to index
      %swap3A_799 = tpu.vector_load %arg9[%swap3A_796, %swap3A_797, %swap3A_798] {strides = array<i32>} : memref<4x16x128xf32, #tpu.memory_space<vmem>>, vector<16xf32>,
      tpu.vector_store %arg9[%swap3A_796, %swap3A_797, %swap3A_798], %add3A_793 {strides = array<i32>} : memref<4x16x128xf32, #tpu.memory_space<vmem>>, vector<16xf32>,
      %mul3A_800 = arith.mulf %add3A_759, %get3A_594 : vector<16xf32>
      %mul3A_801 = arith.mulf %sub3A_760, %get3A_598 : vector<16xf32>
      %add3A_802 = arith.addf %mul3A_800, %mul3A_801 : vector<16xf32>
      %mul3A_803 = arith.mulf %add3A_761, %get3A_602 : vector<16xf32>
      %add3A_804 = arith.addf %add3A_802, %mul3A_803 : vector<16xf32>
      %add3A_805 = arith.addf %add3A_804, %get3A_674 : vector<16xf32>
      %swap3A_806 = arith.constant 0 : i32
      %swap3A_807 = arith.constant 7 : i32
      %swap3A_808 = arith.index_cast %swap3A_806 : i32 to index
      %swap3A_809 = arith.index_cast %swap3A_807 : i32 to index
      %swap3A_810 = arith.index_cast %mul3A_658 : i32 to index
      %swap3A_811 = tpu.vector_load %arg9[%swap3A_808, %swap3A_809, %swap3A_810] {strides = array<i32>} : memref<4x16x128xf32, #tpu.memory_space<vmem>>, vector<16xf32>,
      tpu.vector_store %arg9[%swap3A_808, %swap3A_809, %swap3A_810], %add3A_805 {strides = array<i32>} : memref<4x16x128xf32, #tpu.memory_space<vmem>>, vector<16xf32>,
      %mul3A_812 = arith.mulf %add3A_762, %mul3A_582 : vector<16xf32>
      %mul3A_813 = arith.mulf %add3A_763, %mul3A_585 : vector<16xf32>
      %add3A_814 = arith.addf %mul3A_812, %mul3A_813 : vector<16xf32>
      %mul3A_815 = arith.mulf %sub3A_764, %mul3A_588 : vector<16xf32>
      %add3A_816 = arith.addf %add3A_814, %mul3A_815 : vector<16xf32>
      %swap3A_817 = arith.constant 1 : i32
      %swap3A_818 = arith.constant 4 : i32
      %swap3A_819 = arith.index_cast %swap3A_817 : i32 to index
      %swap3A_820 = arith.index_cast %swap3A_818 : i32 to index
      %swap3A_821 = arith.index_cast %mul3A_658 : i32 to index
      %swap3A_822 = tpu.vector_load %arg9[%swap3A_819, %swap3A_820, %swap3A_821] {strides = array<i32>} : memref<4x16x128xf32, #tpu.memory_space<vmem>>, vector<16xf32>,
      tpu.vector_store %arg9[%swap3A_819, %swap3A_820, %swap3A_821], %add3A_816 {strides = array<i32>} : memref<4x16x128xf32, #tpu.memory_space<vmem>>, vector<16xf32>,
      %mul3A_823 = arith.mulf %add3A_762, %mul3A_583 : vector<16xf32>
      %mul3A_824 = arith.mulf %add3A_763, %mul3A_586 : vector<16xf32>
      %add3A_825 = arith.addf %mul3A_823, %mul3A_824 : vector<16xf32>
      %mul3A_826 = arith.mulf %sub3A_764, %mul3A_589 : vector<16xf32>
      %add3A_827 = arith.addf %add3A_825, %mul3A_826 : vector<16xf32>
      %swap3A_828 = arith.constant 1 : i32
      %swap3A_829 = arith.constant 5 : i32
      %swap3A_830 = arith.index_cast %swap3A_828 : i32 to index
      %swap3A_831 = arith.index_cast %swap3A_829 : i32 to index
      %swap3A_832 = arith.index_cast %mul3A_658 : i32 to index
      %swap3A_833 = tpu.vector_load %arg9[%swap3A_830, %swap3A_831, %swap3A_832] {strides = array<i32>} : memref<4x16x128xf32, #tpu.memory_space<vmem>>, vector<16xf32>,
      tpu.vector_store %arg9[%swap3A_830, %swap3A_831, %swap3A_832], %add3A_827 {strides = array<i32>} : memref<4x16x128xf32, #tpu.memory_space<vmem>>, vector<16xf32>,
      %mul3A_834 = arith.mulf %add3A_762, %mul3A_584 : vector<16xf32>
      %mul3A_835 = arith.mulf %add3A_763, %mul3A_587 : vector<16xf32>
      %add3A_836 = arith.addf %mul3A_834, %mul3A_835 : vector<16xf32>
      %mul3A_837 = arith.mulf %sub3A_764, %mul3A_590 : vector<16xf32>
      %add3A_838 = arith.addf %add3A_836, %mul3A_837 : vector<16xf32>
      %swap3A_839 = arith.constant 1 : i32
      %swap3A_840 = arith.constant 6 : i32
      %swap3A_841 = arith.index_cast %swap3A_839 : i32 to index
      %swap3A_842 = arith.index_cast %swap3A_840 : i32 to index
      %swap3A_843 = arith.index_cast %mul3A_658 : i32 to index
      %swap3A_844 = tpu.vector_load %arg9[%swap3A_841, %swap3A_842, %swap3A_843] {strides = array<i32>} : memref<4x16x128xf32, #tpu.memory_space<vmem>>, vector<16xf32>,
      tpu.vector_store %arg9[%swap3A_841, %swap3A_842, %swap3A_843], %add3A_838 {strides = array<i32>} : memref<4x16x128xf32, #tpu.memory_space<vmem>>, vector<16xf32>,
      %mul3A_845 = arith.mulf %add3A_762, %get3A_594 : vector<16xf32>
      %mul3A_846 = arith.mulf %add3A_763, %get3A_598 : vector<16xf32>
      %add3A_847 = arith.addf %mul3A_845, %mul3A_846 : vector<16xf32>
      %mul3A_848 = arith.mulf %sub3A_764, %get3A_602 : vector<16xf32>
      %add3A_849 = arith.addf %add3A_847, %mul3A_848 : vector<16xf32>
      %add3A_850 = arith.addf %add3A_849, %get3A_678 : vector<16xf32>
      %swap3A_851 = arith.constant 1 : i32
      %swap3A_852 = arith.constant 7 : i32
      %swap3A_853 = arith.index_cast %swap3A_851 : i32 to index
      %swap3A_854 = arith.index_cast %swap3A_852 : i32 to index
      %swap3A_855 = arith.index_cast %mul3A_658 : i32 to index
      %swap3A_856 = tpu.vector_load %arg9[%swap3A_853, %swap3A_854, %swap3A_855] {strides = array<i32>} : memref<4x16x128xf32, #tpu.memory_space<vmem>>, vector<16xf32>,
      tpu.vector_store %arg9[%swap3A_853, %swap3A_854, %swap3A_855], %add3A_850 {strides = array<i32>} : memref<4x16x128xf32, #tpu.memory_space<vmem>>, vector<16xf32>,
      %mul3A_857 = arith.mulf %sub3A_765, %mul3A_582 : vector<16xf32>
      %mul3A_858 = arith.mulf %add3A_766, %mul3A_585 : vector<16xf32>
      %add3A_859 = arith.addf %mul3A_857, %mul3A_858 : vector<16xf32>
      %mul3A_860 = arith.mulf %add3A_767, %mul3A_588 : vector<16xf32>
      %add3A_861 = arith.addf %add3A_859, %mul3A_860 : vector<16xf32>
      %swap3A_862 = arith.constant 2 : i32
      %swap3A_863 = arith.constant 4 : i32
      %swap3A_864 = arith.index_cast %swap3A_862 : i32 to index
      %swap3A_865 = arith.index_cast %swap3A_863 : i32 to index
      %swap3A_866 = arith.index_cast %mul3A_658 : i32 to index
      %swap3A_867 = tpu.vector_load %arg9[%swap3A_864, %swap3A_865, %swap3A_866] {strides = array<i32>} : memref<4x16x128xf32, #tpu.memory_space<vmem>>, vector<16xf32>,
      tpu.vector_store %arg9[%swap3A_864, %swap3A_865, %swap3A_866], %add3A_861 {strides = array<i32>} : memref<4x16x128xf32, #tpu.memory_space<vmem>>, vector<16xf32>,
      %mul3A_868 = arith.mulf %sub3A_765, %mul3A_583 : vector<16xf32>
      %mul3A_869 = arith.mulf %add3A_766, %mul3A_586 : vector<16xf32>
      %add3A_870 = arith.addf %mul3A_868, %mul3A_869 : vector<16xf32>
      %mul3A_871 = arith.mulf %add3A_767, %mul3A_589 : vector<16xf32>
      %add3A_872 = arith.addf %add3A_870, %mul3A_871 : vector<16xf32>
      %swap3A_873 = arith.constant 2 : i32
      %swap3A_874 = arith.constant 5 : i32
      %swap3A_875 = arith.index_cast %swap3A_873 : i32 to index
      %swap3A_876 = arith.index_cast %swap3A_874 : i32 to index
      %swap3A_877 = arith.index_cast %mul3A_658 : i32 to index
      %swap3A_878 = tpu.vector_load %arg9[%swap3A_875, %swap3A_876, %swap3A_877] {strides = array<i32>} : memref<4x16x128xf32, #tpu.memory_space<vmem>>, vector<16xf32>,
      tpu.vector_store %arg9[%swap3A_875, %swap3A_876, %swap3A_877], %add3A_872 {strides = array<i32>} : memref<4x16x128xf32, #tpu.memory_space<vmem>>, vector<16xf32>,
      %mul3A_879 = arith.mulf %sub3A_765, %mul3A_584 : vector<16xf32>
      %mul3A_880 = arith.mulf %add3A_766, %mul3A_587 : vector<16xf32>
      %add3A_881 = arith.addf %mul3A_879, %mul3A_880 : vector<16xf32>
      %mul3A_882 = arith.mulf %add3A_767, %mul3A_590 : vector<16xf32>
      %add3A_883 = arith.addf %add3A_881, %mul3A_882 : vector<16xf32>
      %swap3A_884 = arith.constant 2 : i32
      %swap3A_885 = arith.constant 6 : i32
      %swap3A_886 = arith.index_cast %swap3A_884 : i32 to index
      %swap3A_887 = arith.index_cast %swap3A_885 : i32 to index
      %swap3A_888 = arith.index_cast %mul3A_658 : i32 to index
      %swap3A_889 = tpu.vector_load %arg9[%swap3A_886, %swap3A_887, %swap3A_888] {strides = array<i32>} : memref<4x16x128xf32, #tpu.memory_space<vmem>>, vector<16xf32>,
      tpu.vector_store %arg9[%swap3A_886, %swap3A_887, %swap3A_888], %add3A_883 {strides = array<i32>} : memref<4x16x128xf32, #tpu.memory_space<vmem>>, vector<16xf32>,
      %mul3A_890 = arith.mulf %sub3A_765, %get3A_594 : vector<16xf32>
      %mul3A_891 = arith.mulf %add3A_766, %get3A_598 : vector<16xf32>
      %add3A_892 = arith.addf %mul3A_890, %mul3A_891 : vector<16xf32>
      %mul3A_893 = arith.mulf %add3A_767, %get3A_602 : vector<16xf32>
      %add3A_894 = arith.addf %add3A_892, %mul3A_893 : vector<16xf32>
      %add3A_895 = arith.addf %add3A_894, %get3A_682 : vector<16xf32>
      %swap3A_896 = arith.constant 2 : i32
      %swap3A_897 = arith.constant 7 : i32
      %swap3A_898 = arith.index_cast %swap3A_896 : i32 to index
      %swap3A_899 = arith.index_cast %swap3A_897 : i32 to index
      %swap3A_900 = arith.index_cast %mul3A_658 : i32 to index
      %swap3A_901 = tpu.vector_load %arg9[%swap3A_898, %swap3A_899, %swap3A_900] {strides = array<i32>} : memref<4x16x128xf32, #tpu.memory_space<vmem>>, vector<16xf32>,
      tpu.vector_store %arg9[%swap3A_898, %swap3A_899, %swap3A_900], %add3A_895 {strides = array<i32>} : memref<4x16x128xf32, #tpu.memory_space<vmem>>, vector<16xf32>,
      %swap3A_902 = arith.constant 3 : i32
      %swap3A_903 = arith.constant 4 : i32
      %swap3A_904 = arith.index_cast %swap3A_902 : i32 to index
      %swap3A_905 = arith.index_cast %swap3A_903 : i32 to index
      %swap3A_906 = arith.index_cast %mul3A_658 : i32 to index
      %swap3A_907 = tpu.vector_load %arg9[%swap3A_904, %swap3A_905, %swap3A_906] {strides = array<i32>} : memref<4x16x128xf32, #tpu.memory_space<vmem>>, vector<16xf32>,
      tpu.vector_store %arg9[%swap3A_904, %swap3A_905, %swap3A_906], %broadcast_in_dim3A_603 {strides = array<i32>} : memref<4x16x128xf32, #tpu.memory_space<vmem>>, vector<16xf32>,
      %swap3A_908 = arith.constant 3 : i32
      %swap3A_909 = arith.constant 5 : i32
      %swap3A_910 = arith.index_cast %swap3A_908 : i32 to index
      %swap3A_911 = arith.index_cast %swap3A_909 : i32 to index
      %swap3A_912 = arith.index_cast %mul3A_658 : i32 to index
      %swap3A_913 = tpu.vector_load %arg9[%swap3A_910, %swap3A_911, %swap3A_912] {strides = array<i32>} : memref<4x16x128xf32, #tpu.memory_space<vmem>>, vector<16xf32>,
      tpu.vector_store %arg9[%swap3A_910, %swap3A_911, %swap3A_912], %broadcast_in_dim3A_603 {strides = array<i32>} : memref<4x16x128xf32, #tpu.memory_space<vmem>>, vector<16xf32>,
      %swap3A_914 = arith.constant 3 : i32
      %swap3A_915 = arith.constant 6 : i32
      %swap3A_916 = arith.index_cast %swap3A_914 : i32 to index
      %swap3A_917 = arith.index_cast %swap3A_915 : i32 to index
      %swap3A_918 = arith.index_cast %mul3A_658 : i32 to index
      %swap3A_919 = tpu.vector_load %arg9[%swap3A_916, %swap3A_917, %swap3A_918] {strides = array<i32>} : memref<4x16x128xf32, #tpu.memory_space<vmem>>, vector<16xf32>,
      tpu.vector_store %arg9[%swap3A_916, %swap3A_917, %swap3A_918], %broadcast_in_dim3A_603 {strides = array<i32>} : memref<4x16x128xf32, #tpu.memory_space<vmem>>, vector<16xf32>,
      %swap3A_920 = arith.constant 3 : i32
      %swap3A_921 = arith.constant 7 : i32
      %swap3A_922 = arith.index_cast %swap3A_920 : i32 to index
      %swap3A_923 = arith.index_cast %swap3A_921 : i32 to index
      %swap3A_924 = arith.index_cast %mul3A_658 : i32 to index
      %swap3A_925 = tpu.vector_load %arg9[%swap3A_922, %swap3A_923, %swap3A_924] {strides = array<i32>} : memref<4x16x128xf32, #tpu.memory_space<vmem>>, vector<16xf32>,
      tpu.vector_store %arg9[%swap3A_922, %swap3A_923, %swap3A_924], %broadcast_in_dim3A_605 {strides = array<i32>} : memref<4x16x128xf32, #tpu.memory_space<vmem>>, vector<16xf32>,
    }
    %scan3A_616 = arith.constant 8 : i32
    %scan3A_617 = arith.constant 0 : i32
    %scan3A_618 = arith.constant 0 : i32
    %scan3A_619 = arith.constant 8 : i32
    %scan3A_620 = arith.addi %scan3A_618, %scan3A_619 : i32
    %scan3A_621 = arith.constant 1 : i32
    scf.for %scan3A_656 = %scan3A_618 to %scan3A_620 step %scan3A_621  : i32 {
      %mul3A_657 = arith.constant 16 : i32
      %mul3A_658 = arith.muli %scan3A_656, %mul3A_657 : i32
      %get3A_659 = arith.constant 12 : i32
      %get3A_660 = arith.index_cast %get3A_659 : i32 to index
      %get3A_661 = arith.index_cast %mul3A_658 : i32 to index
      %get3A_662 = tpu.vector_load %arg8[%get3A_660, %get3A_661] {strides = array<i32>} : memref<24x128xf32, #tpu.memory_space<vmem>>, vector<16xf32>,
      %get3A_663 = arith.constant 13 : i32
      %get3A_664 = arith.index_cast %get3A_663 : i32 to index
      %get3A_665 = arith.index_cast %mul3A_658 : i32 to index
      %get3A_666 = tpu.vector_load %arg8[%get3A_664, %get3A_665] {strides = array<i32>} : memref<24x128xf32, #tpu.memory_space<vmem>>, vector<16xf32>,
      %get3A_667 = arith.constant 14 : i32
      %get3A_668 = arith.index_cast %get3A_667 : i32 to index
      %get3A_669 = arith.index_cast %mul3A_658 : i32 to index
      %get3A_670 = tpu.vector_load %arg8[%get3A_668, %get3A_669] {strides = array<i32>} : memref<24x128xf32, #tpu.memory_space<vmem>>, vector<16xf32>,
      %get3A_671 = arith.constant 15 : i32
      %get3A_672 = arith.index_cast %get3A_671 : i32 to index
      %get3A_673 = arith.index_cast %mul3A_658 : i32 to index
      %get3A_674 = tpu.vector_load %arg8[%get3A_672, %get3A_673] {strides = array<i32>} : memref<24x128xf32, #tpu.memory_space<vmem>>, vector<16xf32>,
      %get3A_675 = arith.constant 16 : i32
      %get3A_676 = arith.index_cast %get3A_675 : i32 to index
      %get3A_677 = arith.index_cast %mul3A_658 : i32 to index
      %get3A_678 = tpu.vector_load %arg8[%get3A_676, %get3A_677] {strides = array<i32>} : memref<24x128xf32, #tpu.memory_space<vmem>>, vector<16xf32>,
      %get3A_679 = arith.constant 17 : i32
      %get3A_680 = arith.index_cast %get3A_679 : i32 to index
      %get3A_681 = arith.index_cast %mul3A_658 : i32 to index
      %get3A_682 = tpu.vector_load %arg8[%get3A_680, %get3A_681] {strides = array<i32>} : memref<24x128xf32, #tpu.memory_space<vmem>>, vector<16xf32>,
      %mul3A_683 = arith.mulf %get3A_662, %get3A_662 : vector<16xf32>
      %mul3A_684 = arith.mulf %get3A_666, %get3A_666 : vector<16xf32>
      %add3A_685 = arith.addf %mul3A_683, %mul3A_684 : vector<16xf32>
      %mul3A_686 = arith.mulf %get3A_670, %get3A_670 : vector<16xf32>
      %add3A_687 = arith.addf %add3A_685, %mul3A_686 : vector<16xf32>
      %mul3A_688 = arith.constant 1.60590444E-10 : f32
      %mul3A_689 = vector.broadcast %mul3A_688 : f32 to vector<16xf32>
      %mul3A_690 = arith.mulf %mul3A_689, %add3A_687 : vector<16xf32>
      %add3A_691 = arith.constant -2.50521079E-8 : f32
      %add3A_692 = vector.broadcast %add3A_691 : f32 to vector<16xf32>
      %add3A_693 = arith.addf %mul3A_690, %add3A_692 : vector<16xf32>
      %mul3A_694 = arith.mulf %add3A_693, %add3A_687 : vector<16xf32>
      %add3A_695 = arith.constant 2.75573188E-6 : f32
      %add3A_696 = vector.broadcast %add3A_695 : f32 to vector<16xf32>
      %add3A_697 = arith.addf %mul3A_694, %add3A_696 : vector<16xf32>
      %mul3A_698 = arith.mulf %add3A_697, %add3A_687 : vector<16xf32>
      %add3A_699 = arith.constant -1.98412701E-4 : f32
      %add3A_700 = vector.broadcast %add3A_699 : f32 to vector<16xf32>
      %add3A_701 = arith.addf %mul3A_698, %add3A_700 : vector<16xf32>
      %mul3A_702 = arith.mulf %add3A_701, %add3A_687 : vector<16xf32>
      %add3A_703 = arith.constant 0.00833333377 : f32
      %add3A_704 = vector.broadcast %add3A_703 : f32 to vector<16xf32>
      %add3A_705 = arith.addf %mul3A_702, %add3A_704 : vector<16xf32>
      %mul3A_706 = arith.mulf %add3A_705, %add3A_687 : vector<16xf32>
      %add3A_707 = arith.constant -0.166666672 : f32
      %add3A_708 = vector.broadcast %add3A_707 : f32 to vector<16xf32>
      %add3A_709 = arith.addf %mul3A_706, %add3A_708 : vector<16xf32>
      %mul3A_710 = arith.mulf %add3A_709, %add3A_687 : vector<16xf32>
      %add3A_711 = arith.constant 1.000000e+00 : f32
      %add3A_712 = vector.broadcast %add3A_711 : f32 to vector<16xf32>
      %add3A_713 = arith.addf %mul3A_710, %add3A_712 : vector<16xf32>
      %mul3A_714 = arith.constant 1.14707454E-11 : f32
      %mul3A_715 = vector.broadcast %mul3A_714 : f32 to vector<16xf32>
      %mul3A_716 = arith.mulf %mul3A_715, %add3A_687 : vector<16xf32>
      %add3A_717 = arith.constant -2.08767559E-9 : f32
      %add3A_718 = vector.broadcast %add3A_717 : f32 to vector<16xf32>
      %add3A_719 = arith.addf %mul3A_716, %add3A_718 : vector<16xf32>
      %mul3A_720 = arith.mulf %add3A_719, %add3A_687 : vector<16xf32>
      %add3A_721 = arith.constant 2.755732E-7 : f32
      %add3A_722 = vector.broadcast %add3A_721 : f32 to vector<16xf32>
      %add3A_723 = arith.addf %mul3A_720, %add3A_722 : vector<16xf32>
      %mul3A_724 = arith.mulf %add3A_723, %add3A_687 : vector<16xf32>
      %add3A_725 = arith.constant -2.48015876E-5 : f32
      %add3A_726 = vector.broadcast %add3A_725 : f32 to vector<16xf32>
      %add3A_727 = arith.addf %mul3A_724, %add3A_726 : vector<16xf32>
      %mul3A_728 = arith.mulf %add3A_727, %add3A_687 : vector<16xf32>
      %add3A_729 = arith.constant 0.00138888892 : f32
      %add3A_730 = vector.broadcast %add3A_729 : f32 to vector<16xf32>
      %add3A_731 = arith.addf %mul3A_728, %add3A_730 : vector<16xf32>
      %mul3A_732 = arith.mulf %add3A_731, %add3A_687 : vector<16xf32>
      %add3A_733 = arith.constant -0.0416666679 : f32
      %add3A_734 = vector.broadcast %add3A_733 : f32 to vector<16xf32>
      %add3A_735 = arith.addf %mul3A_732, %add3A_734 : vector<16xf32>
      %mul3A_736 = arith.mulf %add3A_735, %add3A_687 : vector<16xf32>
      %add3A_737 = arith.constant 5.000000e-01 : f32
      %add3A_738 = vector.broadcast %add3A_737 : f32 to vector<16xf32>
      %add3A_739 = arith.addf %mul3A_736, %add3A_738 : vector<16xf32>
      %mul3A_740 = arith.mulf %add3A_687, %add3A_739 : vector<16xf32>
      %sub3A_741 = arith.constant 1.000000e+00 : f32
      %sub3A_742 = vector.broadcast %sub3A_741 : f32 to vector<16xf32>
      %sub3A_743 = arith.subf %sub3A_742, %mul3A_740 : vector<16xf32>
      %mul3A_744 = arith.mulf %add3A_739, %get3A_662 : vector<16xf32>
      %mul3A_745 = arith.mulf %mul3A_744, %get3A_662 : vector<16xf32>
      %mul3A_746 = arith.mulf %add3A_739, %get3A_666 : vector<16xf32>
      %mul3A_747 = arith.mulf %mul3A_746, %get3A_666 : vector<16xf32>
      %mul3A_748 = arith.mulf %add3A_739, %get3A_670 : vector<16xf32>
      %mul3A_749 = arith.mulf %mul3A_748, %get3A_670 : vector<16xf32>
      %mul3A_750 = arith.mulf %add3A_739, %get3A_662 : vector<16xf32>
      %mul3A_751 = arith.mulf %mul3A_750, %get3A_666 : vector<16xf32>
      %mul3A_752 = arith.mulf %add3A_739, %get3A_662 : vector<16xf32>
      %mul3A_753 = arith.mulf %mul3A_752, %get3A_670 : vector<16xf32>
      %mul3A_754 = arith.mulf %add3A_739, %get3A_666 : vector<16xf32>
      %mul3A_755 = arith.mulf %mul3A_754, %get3A_670 : vector<16xf32>
      %mul3A_756 = arith.mulf %add3A_713, %get3A_662 : vector<16xf32>
      %mul3A_757 = arith.mulf %add3A_713, %get3A_666 : vector<16xf32>
      %mul3A_758 = arith.mulf %add3A_713, %get3A_670 : vector<16xf32>
      %add3A_759 = arith.addf %sub3A_743, %mul3A_745 : vector<16xf32>
      %sub3A_760 = arith.subf %mul3A_751, %mul3A_758 : vector<16xf32>
      %add3A_761 = arith.addf %mul3A_753, %mul3A_757 : vector<16xf32>
      %add3A_762 = arith.addf %mul3A_751, %mul3A_758 : vector<16xf32>
      %add3A_763 = arith.addf %sub3A_743, %mul3A_747 : vector<16xf32>
      %sub3A_764 = arith.subf %mul3A_755, %mul3A_756 : vector<16xf32>
      %sub3A_765 = arith.subf %mul3A_753, %mul3A_757 : vector<16xf32>
      %add3A_766 = arith.addf %mul3A_755, %mul3A_756 : vector<16xf32>
      %add3A_767 = arith.addf %sub3A_743, %mul3A_749 : vector<16xf32>
      %mul3A_768 = arith.mulf %add3A_759, %mul3A_582 : vector<16xf32>
      %mul3A_769 = arith.mulf %sub3A_760, %mul3A_585 : vector<16xf32>
      %add3A_770 = arith.addf %mul3A_768, %mul3A_769 : vector<16xf32>
      %mul3A_771 = arith.mulf %add3A_761, %mul3A_588 : vector<16xf32>
      %add3A_772 = arith.addf %add3A_770, %mul3A_771 : vector<16xf32>
      %swap3A = arith.constant 0 : i32
      %swap3A_773 = arith.constant 8 : i32
      %swap3A_774 = arith.index_cast %swap3A : i32 to index
      %swap3A_775 = arith.index_cast %swap3A_773 : i32 to index
      %swap3A_776 = arith.index_cast %mul3A_658 : i32 to index
      %swap3A_777 = tpu.vector_load %arg9[%swap3A_774, %swap3A_775, %swap3A_776] {strides = array<i32>} : memref<4x16x128xf32, #tpu.memory_space<vmem>>, vector<16xf32>,
      tpu.vector_store %arg9[%swap3A_774, %swap3A_775, %swap3A_776], %add3A_772 {strides = array<i32>} : memref<4x16x128xf32, #tpu.memory_space<vmem>>, vector<16xf32>,
      %mul3A_778 = arith.mulf %add3A_759, %mul3A_583 : vector<16xf32>
      %mul3A_779 = arith.mulf %sub3A_760, %mul3A_586 : vector<16xf32>
      %add3A_780 = arith.addf %mul3A_778, %mul3A_779 : vector<16xf32>
      %mul3A_781 = arith.mulf %add3A_761, %mul3A_589 : vector<16xf32>
      %add3A_782 = arith.addf %add3A_780, %mul3A_781 : vector<16xf32>
      %swap3A_783 = arith.constant 0 : i32
      %swap3A_784 = arith.constant 9 : i32
      %swap3A_785 = arith.index_cast %swap3A_783 : i32 to index
      %swap3A_786 = arith.index_cast %swap3A_784 : i32 to index
      %swap3A_787 = arith.index_cast %mul3A_658 : i32 to index
      %swap3A_788 = tpu.vector_load %arg9[%swap3A_785, %swap3A_786, %swap3A_787] {strides = array<i32>} : memref<4x16x128xf32, #tpu.memory_space<vmem>>, vector<16xf32>,
      tpu.vector_store %arg9[%swap3A_785, %swap3A_786, %swap3A_787], %add3A_782 {strides = array<i32>} : memref<4x16x128xf32, #tpu.memory_space<vmem>>, vector<16xf32>,
      %mul3A_789 = arith.mulf %add3A_759, %mul3A_584 : vector<16xf32>
      %mul3A_790 = arith.mulf %sub3A_760, %mul3A_587 : vector<16xf32>
      %add3A_791 = arith.addf %mul3A_789, %mul3A_790 : vector<16xf32>
      %mul3A_792 = arith.mulf %add3A_761, %mul3A_590 : vector<16xf32>
      %add3A_793 = arith.addf %add3A_791, %mul3A_792 : vector<16xf32>
      %swap3A_794 = arith.constant 0 : i32
      %swap3A_795 = arith.constant 10 : i32
      %swap3A_796 = arith.index_cast %swap3A_794 : i32 to index
      %swap3A_797 = arith.index_cast %swap3A_795 : i32 to index
      %swap3A_798 = arith.index_cast %mul3A_658 : i32 to index
      %swap3A_799 = tpu.vector_load %arg9[%swap3A_796, %swap3A_797, %swap3A_798] {strides = array<i32>} : memref<4x16x128xf32, #tpu.memory_space<vmem>>, vector<16xf32>,
      tpu.vector_store %arg9[%swap3A_796, %swap3A_797, %swap3A_798], %add3A_793 {strides = array<i32>} : memref<4x16x128xf32, #tpu.memory_space<vmem>>, vector<16xf32>,
      %mul3A_800 = arith.mulf %add3A_759, %get3A_594 : vector<16xf32>
      %mul3A_801 = arith.mulf %sub3A_760, %get3A_598 : vector<16xf32>
      %add3A_802 = arith.addf %mul3A_800, %mul3A_801 : vector<16xf32>
      %mul3A_803 = arith.mulf %add3A_761, %get3A_602 : vector<16xf32>
      %add3A_804 = arith.addf %add3A_802, %mul3A_803 : vector<16xf32>
      %add3A_805 = arith.addf %add3A_804, %get3A_674 : vector<16xf32>
      %swap3A_806 = arith.constant 0 : i32
      %swap3A_807 = arith.constant 11 : i32
      %swap3A_808 = arith.index_cast %swap3A_806 : i32 to index
      %swap3A_809 = arith.index_cast %swap3A_807 : i32 to index
      %swap3A_810 = arith.index_cast %mul3A_658 : i32 to index
      %swap3A_811 = tpu.vector_load %arg9[%swap3A_808, %swap3A_809, %swap3A_810] {strides = array<i32>} : memref<4x16x128xf32, #tpu.memory_space<vmem>>, vector<16xf32>,
      tpu.vector_store %arg9[%swap3A_808, %swap3A_809, %swap3A_810], %add3A_805 {strides = array<i32>} : memref<4x16x128xf32, #tpu.memory_space<vmem>>, vector<16xf32>,
      %mul3A_812 = arith.mulf %add3A_762, %mul3A_582 : vector<16xf32>
      %mul3A_813 = arith.mulf %add3A_763, %mul3A_585 : vector<16xf32>
      %add3A_814 = arith.addf %mul3A_812, %mul3A_813 : vector<16xf32>
      %mul3A_815 = arith.mulf %sub3A_764, %mul3A_588 : vector<16xf32>
      %add3A_816 = arith.addf %add3A_814, %mul3A_815 : vector<16xf32>
      %swap3A_817 = arith.constant 1 : i32
      %swap3A_818 = arith.constant 8 : i32
      %swap3A_819 = arith.index_cast %swap3A_817 : i32 to index
      %swap3A_820 = arith.index_cast %swap3A_818 : i32 to index
      %swap3A_821 = arith.index_cast %mul3A_658 : i32 to index
      %swap3A_822 = tpu.vector_load %arg9[%swap3A_819, %swap3A_820, %swap3A_821] {strides = array<i32>} : memref<4x16x128xf32, #tpu.memory_space<vmem>>, vector<16xf32>,
      tpu.vector_store %arg9[%swap3A_819, %swap3A_820, %swap3A_821], %add3A_816 {strides = array<i32>} : memref<4x16x128xf32, #tpu.memory_space<vmem>>, vector<16xf32>,
      %mul3A_823 = arith.mulf %add3A_762, %mul3A_583 : vector<16xf32>
      %mul3A_824 = arith.mulf %add3A_763, %mul3A_586 : vector<16xf32>
      %add3A_825 = arith.addf %mul3A_823, %mul3A_824 : vector<16xf32>
      %mul3A_826 = arith.mulf %sub3A_764, %mul3A_589 : vector<16xf32>
      %add3A_827 = arith.addf %add3A_825, %mul3A_826 : vector<16xf32>
      %swap3A_828 = arith.constant 1 : i32
      %swap3A_829 = arith.constant 9 : i32
      %swap3A_830 = arith.index_cast %swap3A_828 : i32 to index
      %swap3A_831 = arith.index_cast %swap3A_829 : i32 to index
      %swap3A_832 = arith.index_cast %mul3A_658 : i32 to index
      %swap3A_833 = tpu.vector_load %arg9[%swap3A_830, %swap3A_831, %swap3A_832] {strides = array<i32>} : memref<4x16x128xf32, #tpu.memory_space<vmem>>, vector<16xf32>,
      tpu.vector_store %arg9[%swap3A_830, %swap3A_831, %swap3A_832], %add3A_827 {strides = array<i32>} : memref<4x16x128xf32, #tpu.memory_space<vmem>>, vector<16xf32>,
      %mul3A_834 = arith.mulf %add3A_762, %mul3A_584 : vector<16xf32>
      %mul3A_835 = arith.mulf %add3A_763, %mul3A_587 : vector<16xf32>
      %add3A_836 = arith.addf %mul3A_834, %mul3A_835 : vector<16xf32>
      %mul3A_837 = arith.mulf %sub3A_764, %mul3A_590 : vector<16xf32>
      %add3A_838 = arith.addf %add3A_836, %mul3A_837 : vector<16xf32>
      %swap3A_839 = arith.constant 1 : i32
      %swap3A_840 = arith.constant 10 : i32
      %swap3A_841 = arith.index_cast %swap3A_839 : i32 to index
      %swap3A_842 = arith.index_cast %swap3A_840 : i32 to index
      %swap3A_843 = arith.index_cast %mul3A_658 : i32 to index
      %swap3A_844 = tpu.vector_load %arg9[%swap3A_841, %swap3A_842, %swap3A_843] {strides = array<i32>} : memref<4x16x128xf32, #tpu.memory_space<vmem>>, vector<16xf32>,
      tpu.vector_store %arg9[%swap3A_841, %swap3A_842, %swap3A_843], %add3A_838 {strides = array<i32>} : memref<4x16x128xf32, #tpu.memory_space<vmem>>, vector<16xf32>,
      %mul3A_845 = arith.mulf %add3A_762, %get3A_594 : vector<16xf32>
      %mul3A_846 = arith.mulf %add3A_763, %get3A_598 : vector<16xf32>
      %add3A_847 = arith.addf %mul3A_845, %mul3A_846 : vector<16xf32>
      %mul3A_848 = arith.mulf %sub3A_764, %get3A_602 : vector<16xf32>
      %add3A_849 = arith.addf %add3A_847, %mul3A_848 : vector<16xf32>
      %add3A_850 = arith.addf %add3A_849, %get3A_678 : vector<16xf32>
      %swap3A_851 = arith.constant 1 : i32
      %swap3A_852 = arith.constant 11 : i32
      %swap3A_853 = arith.index_cast %swap3A_851 : i32 to index
      %swap3A_854 = arith.index_cast %swap3A_852 : i32 to index
      %swap3A_855 = arith.index_cast %mul3A_658 : i32 to index
      %swap3A_856 = tpu.vector_load %arg9[%swap3A_853, %swap3A_854, %swap3A_855] {strides = array<i32>} : memref<4x16x128xf32, #tpu.memory_space<vmem>>, vector<16xf32>,
      tpu.vector_store %arg9[%swap3A_853, %swap3A_854, %swap3A_855], %add3A_850 {strides = array<i32>} : memref<4x16x128xf32, #tpu.memory_space<vmem>>, vector<16xf32>,
      %mul3A_857 = arith.mulf %sub3A_765, %mul3A_582 : vector<16xf32>
      %mul3A_858 = arith.mulf %add3A_766, %mul3A_585 : vector<16xf32>
      %add3A_859 = arith.addf %mul3A_857, %mul3A_858 : vector<16xf32>
      %mul3A_860 = arith.mulf %add3A_767, %mul3A_588 : vector<16xf32>
      %add3A_861 = arith.addf %add3A_859, %mul3A_860 : vector<16xf32>
      %swap3A_862 = arith.constant 2 : i32
      %swap3A_863 = arith.constant 8 : i32
      %swap3A_864 = arith.index_cast %swap3A_862 : i32 to index
      %swap3A_865 = arith.index_cast %swap3A_863 : i32 to index
      %swap3A_866 = arith.index_cast %mul3A_658 : i32 to index
      %swap3A_867 = tpu.vector_load %arg9[%swap3A_864, %swap3A_865, %swap3A_866] {strides = array<i32>} : memref<4x16x128xf32, #tpu.memory_space<vmem>>, vector<16xf32>,
      tpu.vector_store %arg9[%swap3A_864, %swap3A_865, %swap3A_866], %add3A_861 {strides = array<i32>} : memref<4x16x128xf32, #tpu.memory_space<vmem>>, vector<16xf32>,
      %mul3A_868 = arith.mulf %sub3A_765, %mul3A_583 : vector<16xf32>
      %mul3A_869 = arith.mulf %add3A_766, %mul3A_586 : vector<16xf32>
      %add3A_870 = arith.addf %mul3A_868, %mul3A_869 : vector<16xf32>
      %mul3A_871 = arith.mulf %add3A_767, %mul3A_589 : vector<16xf32>
      %add3A_872 = arith.addf %add3A_870, %mul3A_871 : vector<16xf32>
      %swap3A_873 = arith.constant 2 : i32
      %swap3A_874 = arith.constant 9 : i32
      %swap3A_875 = arith.index_cast %swap3A_873 : i32 to index
      %swap3A_876 = arith.index_cast %swap3A_874 : i32 to index
      %swap3A_877 = arith.index_cast %mul3A_658 : i32 to index
      %swap3A_878 = tpu.vector_load %arg9[%swap3A_875, %swap3A_876, %swap3A_877] {strides = array<i32>} : memref<4x16x128xf32, #tpu.memory_space<vmem>>, vector<16xf32>,
      tpu.vector_store %arg9[%swap3A_875, %swap3A_876, %swap3A_877], %add3A_872 {strides = array<i32>} : memref<4x16x128xf32, #tpu.memory_space<vmem>>, vector<16xf32>,
      %mul3A_879 = arith.mulf %sub3A_765, %mul3A_584 : vector<16xf32>
      %mul3A_880 = arith.mulf %add3A_766, %mul3A_587 : vector<16xf32>
      %add3A_881 = arith.addf %mul3A_879, %mul3A_880 : vector<16xf32>
      %mul3A_882 = arith.mulf %add3A_767, %mul3A_590 : vector<16xf32>
      %add3A_883 = arith.addf %add3A_881, %mul3A_882 : vector<16xf32>
      %swap3A_884 = arith.constant 2 : i32
      %swap3A_885 = arith.constant 10 : i32
      %swap3A_886 = arith.index_cast %swap3A_884 : i32 to index
      %swap3A_887 = arith.index_cast %swap3A_885 : i32 to index
      %swap3A_888 = arith.index_cast %mul3A_658 : i32 to index
      %swap3A_889 = tpu.vector_load %arg9[%swap3A_886, %swap3A_887, %swap3A_888] {strides = array<i32>} : memref<4x16x128xf32, #tpu.memory_space<vmem>>, vector<16xf32>,
      tpu.vector_store %arg9[%swap3A_886, %swap3A_887, %swap3A_888], %add3A_883 {strides = array<i32>} : memref<4x16x128xf32, #tpu.memory_space<vmem>>, vector<16xf32>,
      %mul3A_890 = arith.mulf %sub3A_765, %get3A_594 : vector<16xf32>
      %mul3A_891 = arith.mulf %add3A_766, %get3A_598 : vector<16xf32>
      %add3A_892 = arith.addf %mul3A_890, %mul3A_891 : vector<16xf32>
      %mul3A_893 = arith.mulf %add3A_767, %get3A_602 : vector<16xf32>
      %add3A_894 = arith.addf %add3A_892, %mul3A_893 : vector<16xf32>
      %add3A_895 = arith.addf %add3A_894, %get3A_682 : vector<16xf32>
      %swap3A_896 = arith.constant 2 : i32
      %swap3A_897 = arith.constant 11 : i32
      %swap3A_898 = arith.index_cast %swap3A_896 : i32 to index
      %swap3A_899 = arith.index_cast %swap3A_897 : i32 to index
      %swap3A_900 = arith.index_cast %mul3A_658 : i32 to index
      %swap3A_901 = tpu.vector_load %arg9[%swap3A_898, %swap3A_899, %swap3A_900] {strides = array<i32>} : memref<4x16x128xf32, #tpu.memory_space<vmem>>, vector<16xf32>,
      tpu.vector_store %arg9[%swap3A_898, %swap3A_899, %swap3A_900], %add3A_895 {strides = array<i32>} : memref<4x16x128xf32, #tpu.memory_space<vmem>>, vector<16xf32>,
      %swap3A_902 = arith.constant 3 : i32
      %swap3A_903 = arith.constant 8 : i32
      %swap3A_904 = arith.index_cast %swap3A_902 : i32 to index
      %swap3A_905 = arith.index_cast %swap3A_903 : i32 to index
      %swap3A_906 = arith.index_cast %mul3A_658 : i32 to index
      %swap3A_907 = tpu.vector_load %arg9[%swap3A_904, %swap3A_905, %swap3A_906] {strides = array<i32>} : memref<4x16x128xf32, #tpu.memory_space<vmem>>, vector<16xf32>,
      tpu.vector_store %arg9[%swap3A_904, %swap3A_905, %swap3A_906], %broadcast_in_dim3A_603 {strides = array<i32>} : memref<4x16x128xf32, #tpu.memory_space<vmem>>, vector<16xf32>,
      %swap3A_908 = arith.constant 3 : i32
      %swap3A_909 = arith.constant 9 : i32
      %swap3A_910 = arith.index_cast %swap3A_908 : i32 to index
      %swap3A_911 = arith.index_cast %swap3A_909 : i32 to index
      %swap3A_912 = arith.index_cast %mul3A_658 : i32 to index
      %swap3A_913 = tpu.vector_load %arg9[%swap3A_910, %swap3A_911, %swap3A_912] {strides = array<i32>} : memref<4x16x128xf32, #tpu.memory_space<vmem>>, vector<16xf32>,
      tpu.vector_store %arg9[%swap3A_910, %swap3A_911, %swap3A_912], %broadcast_in_dim3A_603 {strides = array<i32>} : memref<4x16x128xf32, #tpu.memory_space<vmem>>, vector<16xf32>,
      %swap3A_914 = arith.constant 3 : i32
      %swap3A_915 = arith.constant 10 : i32
      %swap3A_916 = arith.index_cast %swap3A_914 : i32 to index
      %swap3A_917 = arith.index_cast %swap3A_915 : i32 to index
      %swap3A_918 = arith.index_cast %mul3A_658 : i32 to index
      %swap3A_919 = tpu.vector_load %arg9[%swap3A_916, %swap3A_917, %swap3A_918] {strides = array<i32>} : memref<4x16x128xf32, #tpu.memory_space<vmem>>, vector<16xf32>,
      tpu.vector_store %arg9[%swap3A_916, %swap3A_917, %swap3A_918], %broadcast_in_dim3A_603 {strides = array<i32>} : memref<4x16x128xf32, #tpu.memory_space<vmem>>, vector<16xf32>,
      %swap3A_920 = arith.constant 3 : i32
      %swap3A_921 = arith.constant 11 : i32
      %swap3A_922 = arith.index_cast %swap3A_920 : i32 to index
      %swap3A_923 = arith.index_cast %swap3A_921 : i32 to index
      %swap3A_924 = arith.index_cast %mul3A_658 : i32 to index
      %swap3A_925 = tpu.vector_load %arg9[%swap3A_922, %swap3A_923, %swap3A_924] {strides = array<i32>} : memref<4x16x128xf32, #tpu.memory_space<vmem>>, vector<16xf32>,
      tpu.vector_store %arg9[%swap3A_922, %swap3A_923, %swap3A_924], %broadcast_in_dim3A_605 {strides = array<i32>} : memref<4x16x128xf32, #tpu.memory_space<vmem>>, vector<16xf32>,
    }
    %scan3A_622 = arith.constant 8 : i32
    %scan3A_623 = arith.constant 0 : i32
    %scan3A_624 = arith.constant 0 : i32
    %scan3A_625 = arith.constant 8 : i32
    %scan3A_626 = arith.addi %scan3A_624, %scan3A_625 : i32
    %scan3A_627 = arith.constant 1 : i32
    scf.for %scan3A_656 = %scan3A_624 to %scan3A_626 step %scan3A_627  : i32 {
      %mul3A_657 = arith.constant 16 : i32
      %mul3A_658 = arith.muli %scan3A_656, %mul3A_657 : i32
      %get3A_659 = arith.constant 18 : i32
      %get3A_660 = arith.index_cast %get3A_659 : i32 to index
      %get3A_661 = arith.index_cast %mul3A_658 : i32 to index
      %get3A_662 = tpu.vector_load %arg8[%get3A_660, %get3A_661] {strides = array<i32>} : memref<24x128xf32, #tpu.memory_space<vmem>>, vector<16xf32>,
      %get3A_663 = arith.constant 19 : i32
      %get3A_664 = arith.index_cast %get3A_663 : i32 to index
      %get3A_665 = arith.index_cast %mul3A_658 : i32 to index
      %get3A_666 = tpu.vector_load %arg8[%get3A_664, %get3A_665] {strides = array<i32>} : memref<24x128xf32, #tpu.memory_space<vmem>>, vector<16xf32>,
      %get3A_667 = arith.constant 20 : i32
      %get3A_668 = arith.index_cast %get3A_667 : i32 to index
      %get3A_669 = arith.index_cast %mul3A_658 : i32 to index
      %get3A_670 = tpu.vector_load %arg8[%get3A_668, %get3A_669] {strides = array<i32>} : memref<24x128xf32, #tpu.memory_space<vmem>>, vector<16xf32>,
      %get3A_671 = arith.constant 21 : i32
      %get3A_672 = arith.index_cast %get3A_671 : i32 to index
      %get3A_673 = arith.index_cast %mul3A_658 : i32 to index
      %get3A_674 = tpu.vector_load %arg8[%get3A_672, %get3A_673] {strides = array<i32>} : memref<24x128xf32, #tpu.memory_space<vmem>>, vector<16xf32>,
      %get3A_675 = arith.constant 22 : i32
      %get3A_676 = arith.index_cast %get3A_675 : i32 to index
      %get3A_677 = arith.index_cast %mul3A_658 : i32 to index
      %get3A_678 = tpu.vector_load %arg8[%get3A_676, %get3A_677] {strides = array<i32>} : memref<24x128xf32, #tpu.memory_space<vmem>>, vector<16xf32>,
      %get3A_679 = arith.constant 23 : i32
      %get3A_680 = arith.index_cast %get3A_679 : i32 to index
      %get3A_681 = arith.index_cast %mul3A_658 : i32 to index
      %get3A_682 = tpu.vector_load %arg8[%get3A_680, %get3A_681] {strides = array<i32>} : memref<24x128xf32, #tpu.memory_space<vmem>>, vector<16xf32>,
      %mul3A_683 = arith.mulf %get3A_662, %get3A_662 : vector<16xf32>
      %mul3A_684 = arith.mulf %get3A_666, %get3A_666 : vector<16xf32>
      %add3A_685 = arith.addf %mul3A_683, %mul3A_684 : vector<16xf32>
      %mul3A_686 = arith.mulf %get3A_670, %get3A_670 : vector<16xf32>
      %add3A_687 = arith.addf %add3A_685, %mul3A_686 : vector<16xf32>
      %mul3A_688 = arith.constant 1.60590444E-10 : f32
      %mul3A_689 = vector.broadcast %mul3A_688 : f32 to vector<16xf32>
      %mul3A_690 = arith.mulf %mul3A_689, %add3A_687 : vector<16xf32>
      %add3A_691 = arith.constant -2.50521079E-8 : f32
      %add3A_692 = vector.broadcast %add3A_691 : f32 to vector<16xf32>
      %add3A_693 = arith.addf %mul3A_690, %add3A_692 : vector<16xf32>
      %mul3A_694 = arith.mulf %add3A_693, %add3A_687 : vector<16xf32>
      %add3A_695 = arith.constant 2.75573188E-6 : f32
      %add3A_696 = vector.broadcast %add3A_695 : f32 to vector<16xf32>
      %add3A_697 = arith.addf %mul3A_694, %add3A_696 : vector<16xf32>
      %mul3A_698 = arith.mulf %add3A_697, %add3A_687 : vector<16xf32>
      %add3A_699 = arith.constant -1.98412701E-4 : f32
      %add3A_700 = vector.broadcast %add3A_699 : f32 to vector<16xf32>
      %add3A_701 = arith.addf %mul3A_698, %add3A_700 : vector<16xf32>
      %mul3A_702 = arith.mulf %add3A_701, %add3A_687 : vector<16xf32>
      %add3A_703 = arith.constant 0.00833333377 : f32
      %add3A_704 = vector.broadcast %add3A_703 : f32 to vector<16xf32>
      %add3A_705 = arith.addf %mul3A_702, %add3A_704 : vector<16xf32>
      %mul3A_706 = arith.mulf %add3A_705, %add3A_687 : vector<16xf32>
      %add3A_707 = arith.constant -0.166666672 : f32
      %add3A_708 = vector.broadcast %add3A_707 : f32 to vector<16xf32>
      %add3A_709 = arith.addf %mul3A_706, %add3A_708 : vector<16xf32>
      %mul3A_710 = arith.mulf %add3A_709, %add3A_687 : vector<16xf32>
      %add3A_711 = arith.constant 1.000000e+00 : f32
      %add3A_712 = vector.broadcast %add3A_711 : f32 to vector<16xf32>
      %add3A_713 = arith.addf %mul3A_710, %add3A_712 : vector<16xf32>
      %mul3A_714 = arith.constant 1.14707454E-11 : f32
      %mul3A_715 = vector.broadcast %mul3A_714 : f32 to vector<16xf32>
      %mul3A_716 = arith.mulf %mul3A_715, %add3A_687 : vector<16xf32>
      %add3A_717 = arith.constant -2.08767559E-9 : f32
      %add3A_718 = vector.broadcast %add3A_717 : f32 to vector<16xf32>
      %add3A_719 = arith.addf %mul3A_716, %add3A_718 : vector<16xf32>
      %mul3A_720 = arith.mulf %add3A_719, %add3A_687 : vector<16xf32>
      %add3A_721 = arith.constant 2.755732E-7 : f32
      %add3A_722 = vector.broadcast %add3A_721 : f32 to vector<16xf32>
      %add3A_723 = arith.addf %mul3A_720, %add3A_722 : vector<16xf32>
      %mul3A_724 = arith.mulf %add3A_723, %add3A_687 : vector<16xf32>
      %add3A_725 = arith.constant -2.48015876E-5 : f32
      %add3A_726 = vector.broadcast %add3A_725 : f32 to vector<16xf32>
      %add3A_727 = arith.addf %mul3A_724, %add3A_726 : vector<16xf32>
      %mul3A_728 = arith.mulf %add3A_727, %add3A_687 : vector<16xf32>
      %add3A_729 = arith.constant 0.00138888892 : f32
      %add3A_730 = vector.broadcast %add3A_729 : f32 to vector<16xf32>
      %add3A_731 = arith.addf %mul3A_728, %add3A_730 : vector<16xf32>
      %mul3A_732 = arith.mulf %add3A_731, %add3A_687 : vector<16xf32>
      %add3A_733 = arith.constant -0.0416666679 : f32
      %add3A_734 = vector.broadcast %add3A_733 : f32 to vector<16xf32>
      %add3A_735 = arith.addf %mul3A_732, %add3A_734 : vector<16xf32>
      %mul3A_736 = arith.mulf %add3A_735, %add3A_687 : vector<16xf32>
      %add3A_737 = arith.constant 5.000000e-01 : f32
      %add3A_738 = vector.broadcast %add3A_737 : f32 to vector<16xf32>
      %add3A_739 = arith.addf %mul3A_736, %add3A_738 : vector<16xf32>
      %mul3A_740 = arith.mulf %add3A_687, %add3A_739 : vector<16xf32>
      %sub3A_741 = arith.constant 1.000000e+00 : f32
      %sub3A_742 = vector.broadcast %sub3A_741 : f32 to vector<16xf32>
      %sub3A_743 = arith.subf %sub3A_742, %mul3A_740 : vector<16xf32>
      %mul3A_744 = arith.mulf %add3A_739, %get3A_662 : vector<16xf32>
      %mul3A_745 = arith.mulf %mul3A_744, %get3A_662 : vector<16xf32>
      %mul3A_746 = arith.mulf %add3A_739, %get3A_666 : vector<16xf32>
      %mul3A_747 = arith.mulf %mul3A_746, %get3A_666 : vector<16xf32>
      %mul3A_748 = arith.mulf %add3A_739, %get3A_670 : vector<16xf32>
      %mul3A_749 = arith.mulf %mul3A_748, %get3A_670 : vector<16xf32>
      %mul3A_750 = arith.mulf %add3A_739, %get3A_662 : vector<16xf32>
      %mul3A_751 = arith.mulf %mul3A_750, %get3A_666 : vector<16xf32>
      %mul3A_752 = arith.mulf %add3A_739, %get3A_662 : vector<16xf32>
      %mul3A_753 = arith.mulf %mul3A_752, %get3A_670 : vector<16xf32>
      %mul3A_754 = arith.mulf %add3A_739, %get3A_666 : vector<16xf32>
      %mul3A_755 = arith.mulf %mul3A_754, %get3A_670 : vector<16xf32>
      %mul3A_756 = arith.mulf %add3A_713, %get3A_662 : vector<16xf32>
      %mul3A_757 = arith.mulf %add3A_713, %get3A_666 : vector<16xf32>
      %mul3A_758 = arith.mulf %add3A_713, %get3A_670 : vector<16xf32>
      %add3A_759 = arith.addf %sub3A_743, %mul3A_745 : vector<16xf32>
      %sub3A_760 = arith.subf %mul3A_751, %mul3A_758 : vector<16xf32>
      %add3A_761 = arith.addf %mul3A_753, %mul3A_757 : vector<16xf32>
      %add3A_762 = arith.addf %mul3A_751, %mul3A_758 : vector<16xf32>
      %add3A_763 = arith.addf %sub3A_743, %mul3A_747 : vector<16xf32>
      %sub3A_764 = arith.subf %mul3A_755, %mul3A_756 : vector<16xf32>
      %sub3A_765 = arith.subf %mul3A_753, %mul3A_757 : vector<16xf32>
      %add3A_766 = arith.addf %mul3A_755, %mul3A_756 : vector<16xf32>
      %add3A_767 = arith.addf %sub3A_743, %mul3A_749 : vector<16xf32>
      %mul3A_768 = arith.mulf %add3A_759, %mul3A_582 : vector<16xf32>
      %mul3A_769 = arith.mulf %sub3A_760, %mul3A_585 : vector<16xf32>
      %add3A_770 = arith.addf %mul3A_768, %mul3A_769 : vector<16xf32>
      %mul3A_771 = arith.mulf %add3A_761, %mul3A_588 : vector<16xf32>
      %add3A_772 = arith.addf %add3A_770, %mul3A_771 : vector<16xf32>
      %swap3A = arith.constant 0 : i32
      %swap3A_773 = arith.constant 12 : i32
      %swap3A_774 = arith.index_cast %swap3A : i32 to index
      %swap3A_775 = arith.index_cast %swap3A_773 : i32 to index
      %swap3A_776 = arith.index_cast %mul3A_658 : i32 to index
      %swap3A_777 = tpu.vector_load %arg9[%swap3A_774, %swap3A_775, %swap3A_776] {strides = array<i32>} : memref<4x16x128xf32, #tpu.memory_space<vmem>>, vector<16xf32>,
      tpu.vector_store %arg9[%swap3A_774, %swap3A_775, %swap3A_776], %add3A_772 {strides = array<i32>} : memref<4x16x128xf32, #tpu.memory_space<vmem>>, vector<16xf32>,
      %mul3A_778 = arith.mulf %add3A_759, %mul3A_583 : vector<16xf32>
      %mul3A_779 = arith.mulf %sub3A_760, %mul3A_586 : vector<16xf32>
      %add3A_780 = arith.addf %mul3A_778, %mul3A_779 : vector<16xf32>
      %mul3A_781 = arith.mulf %add3A_761, %mul3A_589 : vector<16xf32>
      %add3A_782 = arith.addf %add3A_780, %mul3A_781 : vector<16xf32>
      %swap3A_783 = arith.constant 0 : i32
      %swap3A_784 = arith.constant 13 : i32
      %swap3A_785 = arith.index_cast %swap3A_783 : i32 to index
      %swap3A_786 = arith.index_cast %swap3A_784 : i32 to index
      %swap3A_787 = arith.index_cast %mul3A_658 : i32 to index
      %swap3A_788 = tpu.vector_load %arg9[%swap3A_785, %swap3A_786, %swap3A_787] {strides = array<i32>} : memref<4x16x128xf32, #tpu.memory_space<vmem>>, vector<16xf32>,
      tpu.vector_store %arg9[%swap3A_785, %swap3A_786, %swap3A_787], %add3A_782 {strides = array<i32>} : memref<4x16x128xf32, #tpu.memory_space<vmem>>, vector<16xf32>,
      %mul3A_789 = arith.mulf %add3A_759, %mul3A_584 : vector<16xf32>
      %mul3A_790 = arith.mulf %sub3A_760, %mul3A_587 : vector<16xf32>
      %add3A_791 = arith.addf %mul3A_789, %mul3A_790 : vector<16xf32>
      %mul3A_792 = arith.mulf %add3A_761, %mul3A_590 : vector<16xf32>
      %add3A_793 = arith.addf %add3A_791, %mul3A_792 : vector<16xf32>
      %swap3A_794 = arith.constant 0 : i32
      %swap3A_795 = arith.constant 14 : i32
      %swap3A_796 = arith.index_cast %swap3A_794 : i32 to index
      %swap3A_797 = arith.index_cast %swap3A_795 : i32 to index
      %swap3A_798 = arith.index_cast %mul3A_658 : i32 to index
      %swap3A_799 = tpu.vector_load %arg9[%swap3A_796, %swap3A_797, %swap3A_798] {strides = array<i32>} : memref<4x16x128xf32, #tpu.memory_space<vmem>>, vector<16xf32>,
      tpu.vector_store %arg9[%swap3A_796, %swap3A_797, %swap3A_798], %add3A_793 {strides = array<i32>} : memref<4x16x128xf32, #tpu.memory_space<vmem>>, vector<16xf32>,
      %mul3A_800 = arith.mulf %add3A_759, %get3A_594 : vector<16xf32>
      %mul3A_801 = arith.mulf %sub3A_760, %get3A_598 : vector<16xf32>
      %add3A_802 = arith.addf %mul3A_800, %mul3A_801 : vector<16xf32>
      %mul3A_803 = arith.mulf %add3A_761, %get3A_602 : vector<16xf32>
      %add3A_804 = arith.addf %add3A_802, %mul3A_803 : vector<16xf32>
      %add3A_805 = arith.addf %add3A_804, %get3A_674 : vector<16xf32>
      %swap3A_806 = arith.constant 0 : i32
      %swap3A_807 = arith.constant 15 : i32
      %swap3A_808 = arith.index_cast %swap3A_806 : i32 to index
      %swap3A_809 = arith.index_cast %swap3A_807 : i32 to index
      %swap3A_810 = arith.index_cast %mul3A_658 : i32 to index
      %swap3A_811 = tpu.vector_load %arg9[%swap3A_808, %swap3A_809, %swap3A_810] {strides = array<i32>} : memref<4x16x128xf32, #tpu.memory_space<vmem>>, vector<16xf32>,
      tpu.vector_store %arg9[%swap3A_808, %swap3A_809, %swap3A_810], %add3A_805 {strides = array<i32>} : memref<4x16x128xf32, #tpu.memory_space<vmem>>, vector<16xf32>,
      %mul3A_812 = arith.mulf %add3A_762, %mul3A_582 : vector<16xf32>
      %mul3A_813 = arith.mulf %add3A_763, %mul3A_585 : vector<16xf32>
      %add3A_814 = arith.addf %mul3A_812, %mul3A_813 : vector<16xf32>
      %mul3A_815 = arith.mulf %sub3A_764, %mul3A_588 : vector<16xf32>
      %add3A_816 = arith.addf %add3A_814, %mul3A_815 : vector<16xf32>
      %swap3A_817 = arith.constant 1 : i32
      %swap3A_818 = arith.constant 12 : i32
      %swap3A_819 = arith.index_cast %swap3A_817 : i32 to index
      %swap3A_820 = arith.index_cast %swap3A_818 : i32 to index
      %swap3A_821 = arith.index_cast %mul3A_658 : i32 to index
      %swap3A_822 = tpu.vector_load %arg9[%swap3A_819, %swap3A_820, %swap3A_821] {strides = array<i32>} : memref<4x16x128xf32, #tpu.memory_space<vmem>>, vector<16xf32>,
      tpu.vector_store %arg9[%swap3A_819, %swap3A_820, %swap3A_821], %add3A_816 {strides = array<i32>} : memref<4x16x128xf32, #tpu.memory_space<vmem>>, vector<16xf32>,
      %mul3A_823 = arith.mulf %add3A_762, %mul3A_583 : vector<16xf32>
      %mul3A_824 = arith.mulf %add3A_763, %mul3A_586 : vector<16xf32>
      %add3A_825 = arith.addf %mul3A_823, %mul3A_824 : vector<16xf32>
      %mul3A_826 = arith.mulf %sub3A_764, %mul3A_589 : vector<16xf32>
      %add3A_827 = arith.addf %add3A_825, %mul3A_826 : vector<16xf32>
      %swap3A_828 = arith.constant 1 : i32
      %swap3A_829 = arith.constant 13 : i32
      %swap3A_830 = arith.index_cast %swap3A_828 : i32 to index
      %swap3A_831 = arith.index_cast %swap3A_829 : i32 to index
      %swap3A_832 = arith.index_cast %mul3A_658 : i32 to index
      %swap3A_833 = tpu.vector_load %arg9[%swap3A_830, %swap3A_831, %swap3A_832] {strides = array<i32>} : memref<4x16x128xf32, #tpu.memory_space<vmem>>, vector<16xf32>,
      tpu.vector_store %arg9[%swap3A_830, %swap3A_831, %swap3A_832], %add3A_827 {strides = array<i32>} : memref<4x16x128xf32, #tpu.memory_space<vmem>>, vector<16xf32>,
      %mul3A_834 = arith.mulf %add3A_762, %mul3A_584 : vector<16xf32>
      %mul3A_835 = arith.mulf %add3A_763, %mul3A_587 : vector<16xf32>
      %add3A_836 = arith.addf %mul3A_834, %mul3A_835 : vector<16xf32>
      %mul3A_837 = arith.mulf %sub3A_764, %mul3A_590 : vector<16xf32>
      %add3A_838 = arith.addf %add3A_836, %mul3A_837 : vector<16xf32>
      %swap3A_839 = arith.constant 1 : i32
      %swap3A_840 = arith.constant 14 : i32
      %swap3A_841 = arith.index_cast %swap3A_839 : i32 to index
      %swap3A_842 = arith.index_cast %swap3A_840 : i32 to index
      %swap3A_843 = arith.index_cast %mul3A_658 : i32 to index
      %swap3A_844 = tpu.vector_load %arg9[%swap3A_841, %swap3A_842, %swap3A_843] {strides = array<i32>} : memref<4x16x128xf32, #tpu.memory_space<vmem>>, vector<16xf32>,
      tpu.vector_store %arg9[%swap3A_841, %swap3A_842, %swap3A_843], %add3A_838 {strides = array<i32>} : memref<4x16x128xf32, #tpu.memory_space<vmem>>, vector<16xf32>,
      %mul3A_845 = arith.mulf %add3A_762, %get3A_594 : vector<16xf32>
      %mul3A_846 = arith.mulf %add3A_763, %get3A_598 : vector<16xf32>
      %add3A_847 = arith.addf %mul3A_845, %mul3A_846 : vector<16xf32>
      %mul3A_848 = arith.mulf %sub3A_764, %get3A_602 : vector<16xf32>
      %add3A_849 = arith.addf %add3A_847, %mul3A_848 : vector<16xf32>
      %add3A_850 = arith.addf %add3A_849, %get3A_678 : vector<16xf32>
      %swap3A_851 = arith.constant 1 : i32
      %swap3A_852 = arith.constant 15 : i32
      %swap3A_853 = arith.index_cast %swap3A_851 : i32 to index
      %swap3A_854 = arith.index_cast %swap3A_852 : i32 to index
      %swap3A_855 = arith.index_cast %mul3A_658 : i32 to index
      %swap3A_856 = tpu.vector_load %arg9[%swap3A_853, %swap3A_854, %swap3A_855] {strides = array<i32>} : memref<4x16x128xf32, #tpu.memory_space<vmem>>, vector<16xf32>,
      tpu.vector_store %arg9[%swap3A_853, %swap3A_854, %swap3A_855], %add3A_850 {strides = array<i32>} : memref<4x16x128xf32, #tpu.memory_space<vmem>>, vector<16xf32>,
      %mul3A_857 = arith.mulf %sub3A_765, %mul3A_582 : vector<16xf32>
      %mul3A_858 = arith.mulf %add3A_766, %mul3A_585 : vector<16xf32>
      %add3A_859 = arith.addf %mul3A_857, %mul3A_858 : vector<16xf32>
      %mul3A_860 = arith.mulf %add3A_767, %mul3A_588 : vector<16xf32>
      %add3A_861 = arith.addf %add3A_859, %mul3A_860 : vector<16xf32>
      %swap3A_862 = arith.constant 2 : i32
      %swap3A_863 = arith.constant 12 : i32
      %swap3A_864 = arith.index_cast %swap3A_862 : i32 to index
      %swap3A_865 = arith.index_cast %swap3A_863 : i32 to index
      %swap3A_866 = arith.index_cast %mul3A_658 : i32 to index
      %swap3A_867 = tpu.vector_load %arg9[%swap3A_864, %swap3A_865, %swap3A_866] {strides = array<i32>} : memref<4x16x128xf32, #tpu.memory_space<vmem>>, vector<16xf32>,
      tpu.vector_store %arg9[%swap3A_864, %swap3A_865, %swap3A_866], %add3A_861 {strides = array<i32>} : memref<4x16x128xf32, #tpu.memory_space<vmem>>, vector<16xf32>,
      %mul3A_868 = arith.mulf %sub3A_765, %mul3A_583 : vector<16xf32>
      %mul3A_869 = arith.mulf %add3A_766, %mul3A_586 : vector<16xf32>
      %add3A_870 = arith.addf %mul3A_868, %mul3A_869 : vector<16xf32>
      %mul3A_871 = arith.mulf %add3A_767, %mul3A_589 : vector<16xf32>
      %add3A_872 = arith.addf %add3A_870, %mul3A_871 : vector<16xf32>
      %swap3A_873 = arith.constant 2 : i32
      %swap3A_874 = arith.constant 13 : i32
      %swap3A_875 = arith.index_cast %swap3A_873 : i32 to index
      %swap3A_876 = arith.index_cast %swap3A_874 : i32 to index
      %swap3A_877 = arith.index_cast %mul3A_658 : i32 to index
      %swap3A_878 = tpu.vector_load %arg9[%swap3A_875, %swap3A_876, %swap3A_877] {strides = array<i32>} : memref<4x16x128xf32, #tpu.memory_space<vmem>>, vector<16xf32>,
      tpu.vector_store %arg9[%swap3A_875, %swap3A_876, %swap3A_877], %add3A_872 {strides = array<i32>} : memref<4x16x128xf32, #tpu.memory_space<vmem>>, vector<16xf32>,
      %mul3A_879 = arith.mulf %sub3A_765, %mul3A_584 : vector<16xf32>
      %mul3A_880 = arith.mulf %add3A_766, %mul3A_587 : vector<16xf32>
      %add3A_881 = arith.addf %mul3A_879, %mul3A_880 : vector<16xf32>
      %mul3A_882 = arith.mulf %add3A_767, %mul3A_590 : vector<16xf32>
      %add3A_883 = arith.addf %add3A_881, %mul3A_882 : vector<16xf32>
      %swap3A_884 = arith.constant 2 : i32
      %swap3A_885 = arith.constant 14 : i32
      %swap3A_886 = arith.index_cast %swap3A_884 : i32 to index
      %swap3A_887 = arith.index_cast %swap3A_885 : i32 to index
      %swap3A_888 = arith.index_cast %mul3A_658 : i32 to index
      %swap3A_889 = tpu.vector_load %arg9[%swap3A_886, %swap3A_887, %swap3A_888] {strides = array<i32>} : memref<4x16x128xf32, #tpu.memory_space<vmem>>, vector<16xf32>,
      tpu.vector_store %arg9[%swap3A_886, %swap3A_887, %swap3A_888], %add3A_883 {strides = array<i32>} : memref<4x16x128xf32, #tpu.memory_space<vmem>>, vector<16xf32>,
      %mul3A_890 = arith.mulf %sub3A_765, %get3A_594 : vector<16xf32>
      %mul3A_891 = arith.mulf %add3A_766, %get3A_598 : vector<16xf32>
      %add3A_892 = arith.addf %mul3A_890, %mul3A_891 : vector<16xf32>
      %mul3A_893 = arith.mulf %add3A_767, %get3A_602 : vector<16xf32>
      %add3A_894 = arith.addf %add3A_892, %mul3A_893 : vector<16xf32>
      %add3A_895 = arith.addf %add3A_894, %get3A_682 : vector<16xf32>
      %swap3A_896 = arith.constant 2 : i32
      %swap3A_897 = arith.constant 15 : i32
      %swap3A_898 = arith.index_cast %swap3A_896 : i32 to index
      %swap3A_899 = arith.index_cast %swap3A_897 : i32 to index
      %swap3A_900 = arith.index_cast %mul3A_658 : i32 to index
      %swap3A_901 = tpu.vector_load %arg9[%swap3A_898, %swap3A_899, %swap3A_900] {strides = array<i32>} : memref<4x16x128xf32, #tpu.memory_space<vmem>>, vector<16xf32>,
      tpu.vector_store %arg9[%swap3A_898, %swap3A_899, %swap3A_900], %add3A_895 {strides = array<i32>} : memref<4x16x128xf32, #tpu.memory_space<vmem>>, vector<16xf32>,
      %swap3A_902 = arith.constant 3 : i32
      %swap3A_903 = arith.constant 12 : i32
      %swap3A_904 = arith.index_cast %swap3A_902 : i32 to index
      %swap3A_905 = arith.index_cast %swap3A_903 : i32 to index
      %swap3A_906 = arith.index_cast %mul3A_658 : i32 to index
      %swap3A_907 = tpu.vector_load %arg9[%swap3A_904, %swap3A_905, %swap3A_906] {strides = array<i32>} : memref<4x16x128xf32, #tpu.memory_space<vmem>>, vector<16xf32>,
      tpu.vector_store %arg9[%swap3A_904, %swap3A_905, %swap3A_906], %broadcast_in_dim3A_603 {strides = array<i32>} : memref<4x16x128xf32, #tpu.memory_space<vmem>>, vector<16xf32>,
      %swap3A_908 = arith.constant 3 : i32
      %swap3A_909 = arith.constant 13 : i32
      %swap3A_910 = arith.index_cast %swap3A_908 : i32 to index
      %swap3A_911 = arith.index_cast %swap3A_909 : i32 to index
      %swap3A_912 = arith.index_cast %mul3A_658 : i32 to index
      %swap3A_913 = tpu.vector_load %arg9[%swap3A_910, %swap3A_911, %swap3A_912] {strides = array<i32>} : memref<4x16x128xf32, #tpu.memory_space<vmem>>, vector<16xf32>,
      tpu.vector_store %arg9[%swap3A_910, %swap3A_911, %swap3A_912], %broadcast_in_dim3A_603 {strides = array<i32>} : memref<4x16x128xf32, #tpu.memory_space<vmem>>, vector<16xf32>,
      %swap3A_914 = arith.constant 3 : i32
      %swap3A_915 = arith.constant 14 : i32
      %swap3A_916 = arith.index_cast %swap3A_914 : i32 to index
      %swap3A_917 = arith.index_cast %swap3A_915 : i32 to index
      %swap3A_918 = arith.index_cast %mul3A_658 : i32 to index
      %swap3A_919 = tpu.vector_load %arg9[%swap3A_916, %swap3A_917, %swap3A_918] {strides = array<i32>} : memref<4x16x128xf32, #tpu.memory_space<vmem>>, vector<16xf32>,
      tpu.vector_store %arg9[%swap3A_916, %swap3A_917, %swap3A_918], %broadcast_in_dim3A_603 {strides = array<i32>} : memref<4x16x128xf32, #tpu.memory_space<vmem>>, vector<16xf32>,
      %swap3A_920 = arith.constant 3 : i32
      %swap3A_921 = arith.constant 15 : i32
      %swap3A_922 = arith.index_cast %swap3A_920 : i32 to index
      %swap3A_923 = arith.index_cast %swap3A_921 : i32 to index
      %swap3A_924 = arith.index_cast %mul3A_658 : i32 to index
      %swap3A_925 = tpu.vector_load %arg9[%swap3A_922, %swap3A_923, %swap3A_924] {strides = array<i32>} : memref<4x16x128xf32, #tpu.memory_space<vmem>>, vector<16xf32>,
      tpu.vector_store %arg9[%swap3A_922, %swap3A_923, %swap3A_924], %broadcast_in_dim3A_605 {strides = array<i32>} : memref<4x16x128xf32, #tpu.memory_space<vmem>>, vector<16xf32>,
    }
    %scan3A_628 = arith.constant 8 : i32
    %add3A_629 = arith.constant 0 : i32
    %add3A_630 = arith.addi %add3A_629, %add3A : i32
    %mul3A_631 = arith.constant 4 : i32
    %mul3A_632 = arith.muli %add3A_630, %mul3A_631 : i32
    %mul3A_633 = arith.constant 4 : i32
    %mul3A_634 = arith.muli %mul3A_632, %mul3A_633 : i32
    %run_scoped3A = arith.constant 0 : i32
    "tpu.region"() ({
      %run_scoped3A_656 = tpu.sem_alloc : memref<!tpu.dma_semaphore, #tpu.memory_space<semaphore_mem>>
      %dma_start3A_657 = arith.constant 0 : i32
      %dma_start3A_658 = arith.constant 0 : i32
      %dma_start3A_659 = tpu.memref_slice %arg9[%run_scoped3A, %dma_start3A_657, %dma_start3A_658] : memref<4x16x128xf32, #tpu.memory_space<vmem>> -> memref<1x16x128xf32, #tpu.memory_space<vmem>>
      %dma_start3A_660 = tpu.memref_squeeze %dma_start3A_659 : memref<1x16x128xf32, #tpu.memory_space<vmem>> -> memref<16x128xf32, #tpu.memory_space<vmem>>
      %dma_start3A_661 = arith.constant 0 : i32
      %dma_start3A_662 = tpu.memref_slice %arg6[%mul3A_634, %dma_start3A_661] : memref<2048x128xf32, #tpu.memory_space<hbm>> -> memref<16x128xf32, #tpu.memory_space<hbm>>
      %dma_start3A_663 = arith.constant 0 : i32
      %dma_start3A_664 = tpu.memref_slice %arg6[%mul3A_634, %dma_start3A_663] : memref<2048x128xf32, #tpu.memory_space<hbm>> -> memref<16x128xf32, #tpu.memory_space<hbm>>
      %dma_start3A_665 = arith.constant 0 : i32
      %dma_start3A_666 = arith.constant 0 : i32
      %dma_start3A_667 = tpu.memref_slice %arg9[%run_scoped3A, %dma_start3A_665, %dma_start3A_666] : memref<4x16x128xf32, #tpu.memory_space<vmem>> -> memref<1x16x128xf32, #tpu.memory_space<vmem>>
      %dma_start3A_668 = tpu.memref_squeeze %dma_start3A_667 : memref<1x16x128xf32, #tpu.memory_space<vmem>> -> memref<16x128xf32, #tpu.memory_space<vmem>>
      tpu.enqueue_dma source(%dma_start3A_668 : memref<16x128xf32, #tpu.memory_space<vmem>>) target(%dma_start3A_664 : memref<16x128xf32, #tpu.memory_space<hbm>>) target_semaphore(%run_scoped3A_656 : memref<!tpu.dma_semaphore, #tpu.memory_space<semaphore_mem>>)
      %dma_wait3A_669 = arith.constant 0 : i32
      %dma_wait3A_670 = arith.constant 0 : i32
      %dma_wait3A_671 = tpu.memref_slice %arg9[%run_scoped3A, %dma_wait3A_669, %dma_wait3A_670] : memref<4x16x128xf32, #tpu.memory_space<vmem>> -> memref<1x16x128xf32, #tpu.memory_space<vmem>>
      %dma_wait3A_672 = tpu.memref_squeeze %dma_wait3A_671 : memref<1x16x128xf32, #tpu.memory_space<vmem>> -> memref<16x128xf32, #tpu.memory_space<vmem>>
      %dma_wait3A_673 = arith.constant 0 : i32
      %dma_wait3A_674 = tpu.memref_slice %arg6[%mul3A_634, %dma_wait3A_673] : memref<2048x128xf32, #tpu.memory_space<hbm>> -> memref<16x128xf32, #tpu.memory_space<hbm>>
      %dma_wait3A_675 = arith.constant 0 : i32
      %dma_wait3A_676 = tpu.memref_slice %arg6[%mul3A_634, %dma_wait3A_675] : memref<2048x128xf32, #tpu.memory_space<hbm>> -> memref<16x128xf32, #tpu.memory_space<hbm>>
      %dma_wait3A_677 = arith.constant 0 : i32
      %dma_wait3A_678 = arith.constant 0 : i32
      %dma_wait3A_679 = tpu.memref_slice %arg9[%run_scoped3A, %dma_wait3A_677, %dma_wait3A_678] : memref<4x16x128xf32, #tpu.memory_space<vmem>> -> memref<1x16x128xf32, #tpu.memory_space<vmem>>
      %dma_wait3A_680 = tpu.memref_squeeze %dma_wait3A_679 : memref<1x16x128xf32, #tpu.memory_space<vmem>> -> memref<16x128xf32, #tpu.memory_space<vmem>>
      tpu.wait_dma2 semaphore(%run_scoped3A_656 : memref<!tpu.dma_semaphore, #tpu.memory_space<semaphore_mem>>) src(%dma_wait3A_680 : memref<16x128xf32, #tpu.memory_space<vmem>>) dst(%dma_wait3A_676 : memref<16x128xf32, #tpu.memory_space<hbm>>)
      tpu.yield
    }) : () -> ()
    %add3A_635 = arith.constant 32 : i32
    %add3A_636 = arith.addi %add3A_635, %add3A : i32
    %mul3A_637 = arith.constant 4 : i32
    %mul3A_638 = arith.muli %add3A_636, %mul3A_637 : i32
    %mul3A_639 = arith.constant 4 : i32
    %mul3A_640 = arith.muli %mul3A_638, %mul3A_639 : i32
    %run_scoped3A_641 = arith.constant 1 : i32
    "tpu.region"() ({
      %run_scoped3A_656 = tpu.sem_alloc : memref<!tpu.dma_semaphore, #tpu.memory_space<semaphore_mem>>
      %dma_start3A_657 = arith.constant 0 : i32
      %dma_start3A_658 = arith.constant 0 : i32
      %dma_start3A_659 = tpu.memref_slice %arg9[%run_scoped3A_641, %dma_start3A_657, %dma_start3A_658] : memref<4x16x128xf32, #tpu.memory_space<vmem>> -> memref<1x16x128xf32, #tpu.memory_space<vmem>>
      %dma_start3A_660 = tpu.memref_squeeze %dma_start3A_659 : memref<1x16x128xf32, #tpu.memory_space<vmem>> -> memref<16x128xf32, #tpu.memory_space<vmem>>
      %dma_start3A_661 = arith.constant 0 : i32
      %dma_start3A_662 = tpu.memref_slice %arg6[%mul3A_640, %dma_start3A_661] : memref<2048x128xf32, #tpu.memory_space<hbm>> -> memref<16x128xf32, #tpu.memory_space<hbm>>
      %dma_start3A_663 = arith.constant 0 : i32
      %dma_start3A_664 = tpu.memref_slice %arg6[%mul3A_640, %dma_start3A_663] : memref<2048x128xf32, #tpu.memory_space<hbm>> -> memref<16x128xf32, #tpu.memory_space<hbm>>
      %dma_start3A_665 = arith.constant 0 : i32
      %dma_start3A_666 = arith.constant 0 : i32
      %dma_start3A_667 = tpu.memref_slice %arg9[%run_scoped3A_641, %dma_start3A_665, %dma_start3A_666] : memref<4x16x128xf32, #tpu.memory_space<vmem>> -> memref<1x16x128xf32, #tpu.memory_space<vmem>>
      %dma_start3A_668 = tpu.memref_squeeze %dma_start3A_667 : memref<1x16x128xf32, #tpu.memory_space<vmem>> -> memref<16x128xf32, #tpu.memory_space<vmem>>
      tpu.enqueue_dma source(%dma_start3A_668 : memref<16x128xf32, #tpu.memory_space<vmem>>) target(%dma_start3A_664 : memref<16x128xf32, #tpu.memory_space<hbm>>) target_semaphore(%run_scoped3A_656 : memref<!tpu.dma_semaphore, #tpu.memory_space<semaphore_mem>>)
      %dma_wait3A_669 = arith.constant 0 : i32
      %dma_wait3A_670 = arith.constant 0 : i32
      %dma_wait3A_671 = tpu.memref_slice %arg9[%run_scoped3A_641, %dma_wait3A_669, %dma_wait3A_670] : memref<4x16x128xf32, #tpu.memory_space<vmem>> -> memref<1x16x128xf32, #tpu.memory_space<vmem>>
      %dma_wait3A_672 = tpu.memref_squeeze %dma_wait3A_671 : memref<1x16x128xf32, #tpu.memory_space<vmem>> -> memref<16x128xf32, #tpu.memory_space<vmem>>
      %dma_wait3A_673 = arith.constant 0 : i32
      %dma_wait3A_674 = tpu.memref_slice %arg6[%mul3A_640, %dma_wait3A_673] : memref<2048x128xf32, #tpu.memory_space<hbm>> -> memref<16x128xf32, #tpu.memory_space<hbm>>
      %dma_wait3A_675 = arith.constant 0 : i32
      %dma_wait3A_676 = tpu.memref_slice %arg6[%mul3A_640, %dma_wait3A_675] : memref<2048x128xf32, #tpu.memory_space<hbm>> -> memref<16x128xf32, #tpu.memory_space<hbm>>
      %dma_wait3A_677 = arith.constant 0 : i32
      %dma_wait3A_678 = arith.constant 0 : i32
      %dma_wait3A_679 = tpu.memref_slice %arg9[%run_scoped3A_641, %dma_wait3A_677, %dma_wait3A_678] : memref<4x16x128xf32, #tpu.memory_space<vmem>> -> memref<1x16x128xf32, #tpu.memory_space<vmem>>
      %dma_wait3A_680 = tpu.memref_squeeze %dma_wait3A_679 : memref<1x16x128xf32, #tpu.memory_space<vmem>> -> memref<16x128xf32, #tpu.memory_space<vmem>>
      tpu.wait_dma2 semaphore(%run_scoped3A_656 : memref<!tpu.dma_semaphore, #tpu.memory_space<semaphore_mem>>) src(%dma_wait3A_680 : memref<16x128xf32, #tpu.memory_space<vmem>>) dst(%dma_wait3A_676 : memref<16x128xf32, #tpu.memory_space<hbm>>)
      tpu.yield
    }) : () -> ()
    %add3A_642 = arith.constant 64 : i32
    %add3A_643 = arith.addi %add3A_642, %add3A : i32
    %mul3A_644 = arith.constant 4 : i32
    %mul3A_645 = arith.muli %add3A_643, %mul3A_644 : i32
    %mul3A_646 = arith.constant 4 : i32
    %mul3A_647 = arith.muli %mul3A_645, %mul3A_646 : i32
    %run_scoped3A_648 = arith.constant 2 : i32
    "tpu.region"() ({
      %run_scoped3A_656 = tpu.sem_alloc : memref<!tpu.dma_semaphore, #tpu.memory_space<semaphore_mem>>
      %dma_start3A_657 = arith.constant 0 : i32
      %dma_start3A_658 = arith.constant 0 : i32
      %dma_start3A_659 = tpu.memref_slice %arg9[%run_scoped3A_648, %dma_start3A_657, %dma_start3A_658] : memref<4x16x128xf32, #tpu.memory_space<vmem>> -> memref<1x16x128xf32, #tpu.memory_space<vmem>>
      %dma_start3A_660 = tpu.memref_squeeze %dma_start3A_659 : memref<1x16x128xf32, #tpu.memory_space<vmem>> -> memref<16x128xf32, #tpu.memory_space<vmem>>
      %dma_start3A_661 = arith.constant 0 : i32
      %dma_start3A_662 = tpu.memref_slice %arg6[%mul3A_647, %dma_start3A_661] : memref<2048x128xf32, #tpu.memory_space<hbm>> -> memref<16x128xf32, #tpu.memory_space<hbm>>
      %dma_start3A_663 = arith.constant 0 : i32
      %dma_start3A_664 = tpu.memref_slice %arg6[%mul3A_647, %dma_start3A_663] : memref<2048x128xf32, #tpu.memory_space<hbm>> -> memref<16x128xf32, #tpu.memory_space<hbm>>
      %dma_start3A_665 = arith.constant 0 : i32
      %dma_start3A_666 = arith.constant 0 : i32
      %dma_start3A_667 = tpu.memref_slice %arg9[%run_scoped3A_648, %dma_start3A_665, %dma_start3A_666] : memref<4x16x128xf32, #tpu.memory_space<vmem>> -> memref<1x16x128xf32, #tpu.memory_space<vmem>>
      %dma_start3A_668 = tpu.memref_squeeze %dma_start3A_667 : memref<1x16x128xf32, #tpu.memory_space<vmem>> -> memref<16x128xf32, #tpu.memory_space<vmem>>
      tpu.enqueue_dma source(%dma_start3A_668 : memref<16x128xf32, #tpu.memory_space<vmem>>) target(%dma_start3A_664 : memref<16x128xf32, #tpu.memory_space<hbm>>) target_semaphore(%run_scoped3A_656 : memref<!tpu.dma_semaphore, #tpu.memory_space<semaphore_mem>>)
      %dma_wait3A_669 = arith.constant 0 : i32
      %dma_wait3A_670 = arith.constant 0 : i32
      %dma_wait3A_671 = tpu.memref_slice %arg9[%run_scoped3A_648, %dma_wait3A_669, %dma_wait3A_670] : memref<4x16x128xf32, #tpu.memory_space<vmem>> -> memref<1x16x128xf32, #tpu.memory_space<vmem>>
      %dma_wait3A_672 = tpu.memref_squeeze %dma_wait3A_671 : memref<1x16x128xf32, #tpu.memory_space<vmem>> -> memref<16x128xf32, #tpu.memory_space<vmem>>
      %dma_wait3A_673 = arith.constant 0 : i32
      %dma_wait3A_674 = tpu.memref_slice %arg6[%mul3A_647, %dma_wait3A_673] : memref<2048x128xf32, #tpu.memory_space<hbm>> -> memref<16x128xf32, #tpu.memory_space<hbm>>
      %dma_wait3A_675 = arith.constant 0 : i32
      %dma_wait3A_676 = tpu.memref_slice %arg6[%mul3A_647, %dma_wait3A_675] : memref<2048x128xf32, #tpu.memory_space<hbm>> -> memref<16x128xf32, #tpu.memory_space<hbm>>
      %dma_wait3A_677 = arith.constant 0 : i32
      %dma_wait3A_678 = arith.constant 0 : i32
      %dma_wait3A_679 = tpu.memref_slice %arg9[%run_scoped3A_648, %dma_wait3A_677, %dma_wait3A_678] : memref<4x16x128xf32, #tpu.memory_space<vmem>> -> memref<1x16x128xf32, #tpu.memory_space<vmem>>
      %dma_wait3A_680 = tpu.memref_squeeze %dma_wait3A_679 : memref<1x16x128xf32, #tpu.memory_space<vmem>> -> memref<16x128xf32, #tpu.memory_space<vmem>>
      tpu.wait_dma2 semaphore(%run_scoped3A_656 : memref<!tpu.dma_semaphore, #tpu.memory_space<semaphore_mem>>) src(%dma_wait3A_680 : memref<16x128xf32, #tpu.memory_space<vmem>>) dst(%dma_wait3A_676 : memref<16x128xf32, #tpu.memory_space<hbm>>)
      tpu.yield
    }) : () -> ()
    %add3A_649 = arith.constant 96 : i32
    %add3A_650 = arith.addi %add3A_649, %add3A : i32
    %mul3A_651 = arith.constant 4 : i32
    %mul3A_652 = arith.muli %add3A_650, %mul3A_651 : i32
    %mul3A_653 = arith.constant 4 : i32
    %mul3A_654 = arith.muli %mul3A_652, %mul3A_653 : i32
    %run_scoped3A_655 = arith.constant 3 : i32
    "tpu.region"() ({
      %run_scoped3A_656 = tpu.sem_alloc : memref<!tpu.dma_semaphore, #tpu.memory_space<semaphore_mem>>
      %dma_start3A_657 = arith.constant 0 : i32
      %dma_start3A_658 = arith.constant 0 : i32
      %dma_start3A_659 = tpu.memref_slice %arg9[%run_scoped3A_655, %dma_start3A_657, %dma_start3A_658] : memref<4x16x128xf32, #tpu.memory_space<vmem>> -> memref<1x16x128xf32, #tpu.memory_space<vmem>>
      %dma_start3A_660 = tpu.memref_squeeze %dma_start3A_659 : memref<1x16x128xf32, #tpu.memory_space<vmem>> -> memref<16x128xf32, #tpu.memory_space<vmem>>
      %dma_start3A_661 = arith.constant 0 : i32
      %dma_start3A_662 = tpu.memref_slice %arg6[%mul3A_654, %dma_start3A_661] : memref<2048x128xf32, #tpu.memory_space<hbm>> -> memref<16x128xf32, #tpu.memory_space<hbm>>
      %dma_start3A_663 = arith.constant 0 : i32
      %dma_start3A_664 = tpu.memref_slice %arg6[%mul3A_654, %dma_start3A_663] : memref<2048x128xf32, #tpu.memory_space<hbm>> -> memref<16x128xf32, #tpu.memory_space<hbm>>
      %dma_start3A_665 = arith.constant 0 : i32
      %dma_start3A_666 = arith.constant 0 : i32
      %dma_start3A_667 = tpu.memref_slice %arg9[%run_scoped3A_655, %dma_start3A_665, %dma_start3A_666] : memref<4x16x128xf32, #tpu.memory_space<vmem>> -> memref<1x16x128xf32, #tpu.memory_space<vmem>>
      %dma_start3A_668 = tpu.memref_squeeze %dma_start3A_667 : memref<1x16x128xf32, #tpu.memory_space<vmem>> -> memref<16x128xf32, #tpu.memory_space<vmem>>
      tpu.enqueue_dma source(%dma_start3A_668 : memref<16x128xf32, #tpu.memory_space<vmem>>) target(%dma_start3A_664 : memref<16x128xf32, #tpu.memory_space<hbm>>) target_semaphore(%run_scoped3A_656 : memref<!tpu.dma_semaphore, #tpu.memory_space<semaphore_mem>>)
      %dma_wait3A_669 = arith.constant 0 : i32
      %dma_wait3A_670 = arith.constant 0 : i32
      %dma_wait3A_671 = tpu.memref_slice %arg9[%run_scoped3A_655, %dma_wait3A_669, %dma_wait3A_670] : memref<4x16x128xf32, #tpu.memory_space<vmem>> -> memref<1x16x128xf32, #tpu.memory_space<vmem>>
      %dma_wait3A_672 = tpu.memref_squeeze %dma_wait3A_671 : memref<1x16x128xf32, #tpu.memory_space<vmem>> -> memref<16x128xf32, #tpu.memory_space<vmem>>
      %dma_wait3A_673 = arith.constant 0 : i32
      %dma_wait3A_674 = tpu.memref_slice %arg6[%mul3A_654, %dma_wait3A_673] : memref<2048x128xf32, #tpu.memory_space<hbm>> -> memref<16x128xf32, #tpu.memory_space<hbm>>
      %dma_wait3A_675 = arith.constant 0 : i32
      %dma_wait3A_676 = tpu.memref_slice %arg6[%mul3A_654, %dma_wait3A_675] : memref<2048x128xf32, #tpu.memory_space<hbm>> -> memref<16x128xf32, #tpu.memory_space<hbm>>
      %dma_wait3A_677 = arith.constant 0 : i32
      %dma_wait3A_678 = arith.constant 0 : i32
      %dma_wait3A_679 = tpu.memref_slice %arg9[%run_scoped3A_655, %dma_wait3A_677, %dma_wait3A_678] : memref<4x16x128xf32, #tpu.memory_space<vmem>> -> memref<1x16x128xf32, #tpu.memory_space<vmem>>
      %dma_wait3A_680 = tpu.memref_squeeze %dma_wait3A_679 : memref<1x16x128xf32, #tpu.memory_space<vmem>> -> memref<16x128xf32, #tpu.memory_space<vmem>>
      tpu.wait_dma2 semaphore(%run_scoped3A_656 : memref<!tpu.dma_semaphore, #tpu.memory_space<semaphore_mem>>) src(%dma_wait3A_680 : memref<16x128xf32, #tpu.memory_space<vmem>>) dst(%dma_wait3A_676 : memref<16x128xf32, #tpu.memory_space<hbm>>)
      tpu.yield
    }) : () -> ()
    return
  }
}

</mosaic_0001>

<sc_bundles>
// kernel: kernel.3.cloned.1.call-start
scs
__scs_entry_jumppad:
0x0: {  	(pc) =	sbr.rel $0x88, $3  }
0x1: {  	(tag) =	ssettag $0x0;
	lr =	simm.s32 $0x1  }
0x2: {  	[smem:$0x3F9B] =	sst lr;
	_ =	strace $0xD0000000  }
0x3: {  	_ = 	snop  }
0x4: {  	_ = 	snop  }
0x5: {  	_ = 	snop  }
0x6: {  	_ = 	snop  }
0x7: {  	_ = 	snop  }
__scs_overlays_trampoline_lowered:
0x8: {  	[smem:$0x3FAA] =	sst s0  }
0x9: {  	[smem:$0x3FAB] =	sst s1  }
0xa: {  	[smem:$0x3FAC] =	sst s2  }
0xb: {  	[smem:$0x3FAD] =	sst s3  }
0xc: {  	[smem:$0x3FAE] =	sst s4  }
0xd: {  	[smem:$0x3FAF] =	sst s5  }
0xe: {  	[smem:$0x3FB0] =	sst s6  }
0xf: {  	[smem:$0x3FB1] =	sst s7  }
0x10: {  	[smem:$0x3FB2] =	sst s8  }
0x11: {  	[smem:$0x3FB3] =	sst s9;
	s0 =	simm.s32 @!p0 $0x0  }
0x12: {  	s1 =	sld [smem:$0x3F99];
	s0 =	simm.s32 @p0 $0x1  }
0x13: {  	[smem:$0x3FB4] =	sst s0;
	s0 =	simm.s32 @!p1 $0x0  }
0x14: {  	s2 =	sld [smem:$0x3F98];
	s0 =	simm.s32 @p1 $0x1  }
0x15: {  	[smem:$0x3FB5] =	sst s0;
	s0 =	simm.s32 @!p2 $0x0  }
0x16: {  	s3 =	sld [smem:$0x3FDB];
	s0 =	simm.s32 @p2 $0x1  }
0x17: {  	s4 =	simm.s32 $0x1BF5;
	[smem:$0x3FB7] =	sst s0  }
0x18: {  	s0 =	sld [smem:$0x3F9A];
	_ =	swait.ge [sflag:s4], $0x0  }
0x19: {  	s7 =	sld [smem:$0x3F9B]  }
0x1a: {  	s8 =	sadd.s32 $0xFFFFE003, lr  }
0x1b: {  	s9 =	sadd.s32 $0xFFFFFEF7, lr;
	s5 =	simm.s32 $0xFFFFFFFF;
	p2 =	slt.u32 s8, $0xFFFFF086  }
0x1c: {  	p1 =	slt.u32 s9, $0xF7A;
	s5 =	simm.s32 @!p2 $0x0  }
0x1d: {  	s5 =	simm.s32 @p1 $0x1;
	p0 =	seq.s32 s7, s2  }
0x1e: {  	s7 =	smul.u32 @!p0 $0xF7A, s2;
	p2 =	seq.s32 @!p0 s5, $0x0  }
0x1f: {  	s9 =	smul.u32 $0xF7A, s1;
	s8 =	simm.s32 @!p0 $0x1BF5;
	p2 =	por !p2, p0  }
0x20: {  	[sflag:s8] =	ssyncset.s32 @!p0 $0xFFFFF086;
	s6 =	sadd.s32 @!p0 s3, s7;
	s7 =	simm.s32 @!p0 $0x108  }
0x21: {  	s3 =	sadd.s32 s3, s9;
	s6 =	sadd.s32 @!p0 $0x88, s6;
	s7 =	simm.s32 @p2 $0x1082  }
0x22: {  	[simem:s7], [sflag:s8] =	dma.local @!p0 [hbm:s6], $0xF7A  }
0x23: {  	s9 =	sor.u32 $0xD0000000, s2;
	s6 =	simm.s32 $0x108;
	_ =	swait.ge @!p0 [sflag:s8], $0x0  }
0x24: {  	s3 =	sadd.s32 $0x88, s3;
	s6 =	simm.s32 @!p1 $0x1082;
	[sflag:s4] =	ssyncset.s32 $0xFFFFF086  }
0x25: {  	[simem:s6], [sflag:s4] =	dma.local [hbm:s3], $0xF7A  }
0x26: {  	[smem:$0x3F9B] =	sst s1;
	(tag) =	ssettag s2;
	_ =	strace s9  }
0x27: {  	s1 =	sld [smem:$0x3FAB]  }
0x28: {  	s2 =	sld [smem:$0x3FAC]  }
0x29: {  	s4 =	sld [smem:$0x3FAE]  }
0x2a: {  	p0 =	seq.s32 s5, $0x0;
	s5 =	sld [smem:$0x3FAF]  }
0x2b: {  	s6 =	sld [smem:$0x3FB0]  }
0x2c: {  	s7 =	sld [smem:$0x3FB1]  }
0x2d: {  	s3 =	simm.s32 $0x108;
	s8 =	sld [smem:$0x3FB2]  }
0x2e: {  	s3 =	simm.s32 @!p0 $0x1082;
	s9 =	sld [smem:$0x3FB3]  }
0x2f: {  	lr =	sadd.s32 s0, s3;
	s0 =	sld [smem:$0x3FAA]  }
0x30: {  	s3 =	sld [smem:$0x3FAD]  }
0x31: {  	[smem:$0x3FB6] =	sst s10  }
0x32: {  	s10 =	sld [smem:$0x3FB4];
	_ =	sdelay $0x3  }
0x33: {  	p0 =	seq.s32 s10, $0x1;
	s10 =	sld [smem:$0x3FB6];
	_ =	sdelay $0x3  }
0x34: {  	[smem:$0x3FB6] =	sst s10  }
0x35: {  	s10 =	sld [smem:$0x3FB5];
	_ =	sdelay $0x3  }
0x36: {  	p1 =	seq.s32 s10, $0x1;
	s10 =	sld [smem:$0x3FB6];
	_ =	sdelay $0x3  }
0x37: {  	[smem:$0x3FB6] =	sst s10  }
0x38: {  	s10 =	sld [smem:$0x3FB7]  }
0x39: {  	_ = 	snop;
	(pc) =	sbr.ind lr, $3  }
0x3a: {  	_ = 	snop  }
0x3b: {  	_ = 	snop  }
0x3c: {  	p2 =	seq.s32 s10, $0x1;
	s10 =	sld [smem:$0x3FB6]  }
0x3d: {  	_ =	shalt  }
0x3e: {  	_ =	shalt  }
0x3f: {  	_ =	shalt  }
0x40: {  	_ =	shalt  }
0x41: {  	_ =	shalt  }
0x42: {  	_ =	shalt  }
0x43: {  	_ =	shalt  }
0x44: {  	_ =	shalt  }
0x45: {  	_ =	shalt  }
0x46: {  	_ =	shalt  }
0x47: {  	_ =	shalt  }
0x48: {  	_ =	shalt  }
0x49: {  	_ =	shalt  }
0x4a: {  	_ =	shalt  }
0x4b: {  	_ =	shalt  }
0x4c: {  	_ =	shalt  }
0x4d: {  	_ =	shalt  }
0x4e: {  	_ =	shalt  }
0x4f: {  	_ =	shalt  }
0x50: {  	_ =	shalt  }
0x51: {  	_ =	shalt  }
0x52: {  	_ =	shalt  }
0x53: {  	_ =	shalt  }
0x54: {  	_ =	shalt  }
0x55: {  	_ =	shalt  }
0x56: {  	_ =	shalt  }
0x57: {  	_ =	shalt  }
0x58: {  	_ =	shalt  }
0x59: {  	_ =	shalt  }
0x5a: {  	_ =	shalt  }
0x5b: {  	_ =	shalt  }
0x5c: {  	_ =	shalt  }
0x5d: {  	_ =	shalt  }
0x5e: {  	_ =	shalt  }
0x5f: {  	_ =	shalt  }
0x60: {  	_ =	shalt  }
0x61: {  	_ =	shalt  }
0x62: {  	_ =	shalt  }
0x63: {  	_ =	shalt  }
0x64: {  	_ =	shalt  }
0x65: {  	_ =	shalt  }
0x66: {  	_ =	shalt  }
0x67: {  	_ =	shalt  }
0x68: {  	_ =	shalt  }
0x69: {  	_ =	shalt  }
0x6a: {  	_ =	shalt  }
0x6b: {  	_ =	shalt  }
0x6c: {  	_ =	shalt  }
0x6d: {  	_ =	shalt  }
0x6e: {  	_ =	shalt  }
0x6f: {  	_ =	shalt  }
0x70: {  	_ =	shalt  }
0x71: {  	_ =	shalt  }
0x72: {  	_ =	shalt  }
0x73: {  	_ =	shalt  }
0x74: {  	_ =	shalt  }
0x75: {  	_ =	shalt  }
0x76: {  	_ =	shalt  }
0x77: {  	_ =	shalt  }
0x78: {  	_ =	shalt  }
0x79: {  	_ =	shalt  }
0x7a: {  	_ =	shalt  }
0x7b: {  	_ =	shalt  }
0x7c: {  	_ =	shalt  }
0x7d: {  	_ =	shalt  }
0x7e: {  	_ =	shalt  }
0x7f: {  	_ =	shalt  }
0x80: {  	_ =	shalt  }
0x81: {  	_ =	shalt  }
0x82: {  	_ =	shalt  }
0x83: {  	_ =	shalt  }
0x84: {  	_ =	shalt  }
0x85: {  	_ =	shalt  }
0x86: {  	_ =	shalt  }
0x87: {  	_ =	shalt  }
.Lfunc_end0:
.L_simem_size_0:
called_computation_lowered:
.L_overlay_start_0:
0x88: {  	s2 =	sld [smem:$0x3FD9]  }
0x89: {  	s3 =	sld [smem:$0x3FFE];
	_ =	sdelay $0x1  }
0x8a: {  	s1 =	srdreg.scid  }
0x8b: {  	s0 =	sand.u32 $0x1, s1  }
0x8c: {  	s17 =	sshll.u32 s0, $0xA;
	s2 =	sadd.s32 s3, s2  }
0x8d: {  	s2 =	sadd.s32 s2, s17  }
0x8e: {  	[smem:$0x3FC2] =	sst s2  }
0x8f: {  	_ = 	snop  }
0x90: {  	s2 =	sld [smem:$0x3FD0];
	(tm) =	ssettm $0x1  }
0x91: {  	s18 =	sld [smem:$0x3FFB];
	_ =	sdelay $0x3  }
0x92: {  	_ =	strace s18  }
0x93: {  	s3 =	sld [smem:$0x3FFC];
	_ =	sdelay $0x3  }
0x94: {  	_ =	strace s3  }
0x95: {  	s3 =	sld [smem:$0x3FFD];
	_ =	sdelay $0x3  }
0x96: {  	_ =	strace s3  }
0x97: {  	_ =	strace $0x8FFFFFFF  }
0x98: {  	s19 =	sld [smem:$0x3FDB];
	_ =	sdelay $0x1  }
0x99: {  	s4 =	simm.s32 $_scs_section_size  }
0x9a: {  	s5 =	simm.s32 $_size__tile_overlayer_lowered;
	s6 =	simm.s32 $_tile_overlayer_lowered  }
0x9b: {  	s22 =	simm.s32 $0x1BFF;
	s21 =	sshll.u32 s6, $0x1;
	s3 =	sadd.s32 s4, s19  }
0x9c: {  	s7 =	simm.s32 $0x0;
	s20 =	sshll.u32 s5, $0x1;
	s5 =	sadd.s32 s21, s3  }
0x9d: {  	[timem:s7], [sflag:s22] =	dma.local [hbm:s5], s20  }
0x9e: {  	_ =	swait.ge [sflag:s22], s20  }
0x9f: {  	s4 =	ssub.s32 $0x0, s20;
	[sflag:s22] =	ssyncset.done $0x0  }
0xa0: {  	[sflag:s22] =	ssyncadd.s32 s4;
	_ =	sdelay $0x1  }
0xa1: {  	s23 =	simm.s32 $0x1B8B  }
0xa2: {  	_ =	swait.ge [sflag:s23], $0x1  }
0xa3: {  	[sflag:s23] =	ssyncset.done $0x0  }
0xa4: {  	s25 =	simm.s32 $0x1B8E;
	s24 =	sld [smem:$0x3FFE];
	[sflag:s23] =	ssyncadd.s32 $0xFFFFFFFF  }
0xa5: {  	s26 =	simm.s32 $execute0_lowered;
	[smem:$0x3FD2] =	sst s25  }
0xa6: {  	s5 =	sshll.u32 s26, $0x1;
	_ =	strace $0x80000046;
	[dreg:$0x1] =	wrdreg $0xFFFFFFFF  }
0xa7: {  	s28 =	simm.s32 $_size_execute0_lowered;
	s3 =	sadd.s32 s3, s5;
	[dreg:$0x0] =	wrdreg $0x0  }
0xa8: {  	s5 =	sshll.u32 s28, $0x1;
	[dreg:$0x2] =	wrdreg s3  }
0xa9: {  	[dreg:$0x3] =	wrdreg s5  }
0xaa: {  	[dreg:$0x4] =	wrdreg $0xC0  }
0xab: {  	_ =	task [dreg:s7], $0x5FFFF  }
0xac: {  	[dreg:$0x1] =	wrdreg $0xFFFFFFFF  }
0xad: {  	[dreg:$0x0] =	wrdreg $0x60  }
0xae: {  	[dreg:$0x2] =	wrdreg s24  }
0xaf: {  	[dreg:$0x3] =	wrdreg s2  }
0xb0: {  	[dreg:$0x4] =	wrdreg $0x9  }
0xb1: {  	_ =	task.clear_ibuf [dreg:s7], $0x5FFFF;
	_ =	strace $0x90000046  }
0xb2: {  	s29 =	simm.s32 $0x9;
	_ =	strace $0x80000048  }
0xb3: {  	_ =	swait.ge [sflag:s29], $0x1  }
0xb4: {  	[sflag:s29] =	ssyncadd.s32 $0xFFFFFFFF  }
0xb5: {  	_ =	strace $0x90000048  }
0xb6: {  	_ =	sfence  }
0xb7: {  	s30 =	sld [smem:$0x0];
	_ =	sdelay $0x2  }
0xb8: {  	s31 =	sshll.u32 s1, $0xD;
	s1 =	sshrl.u32 s1, $0x2  }
0xb9: {  	s3 =	sand.u32 $0x4000, s31;
	s1 =	sadd.s32 s1, s30  }
0xba: {  	s0 =	sor.u32 s3, s0;
	s1 =	sshll.u32 s1, $0x11  }
0xbb: {  	s0 =	sor.u32 s1, s0  }
0xbc: {  	s0 =	sadd.s32 $0x8F2B, s0  }
0xbd: {  	[sflag:s0] =	ssyncadd.remote.s32 $0x1  }
0xbe: {  	_ =	sfence.sel $0xFFFF  }
0xbf: {  	[dreg:$0x0] =	wrdreg $0xFFFFFFFF;
	(pc) =	sbr.abs _section_cstart, $3  }
0xc0: {  	[dreg:$0x1] =	wrdreg $0xFFFFFFFF  }
0xc1: {  	_ =	task.clear_ibuf [dreg:s7], $0x2FFFF;
	_ =	strace $0x9FFFFFFF  }
0xc2: {  	(tm) =	ssettm $0x7FFFFFFF  }
0xc3: {  	_ =	shalt  }
tec
execute0_lowered:
.L_overlay_start_1:
0x0: {  	(tag) =	ssettag $0x1  }
0x1: {  	s0 =	rddreg [dreg:$0x0];
	s1 =	srdreg.scid  }
0x2: {  	s2 =	stileid.u32;
	s6 =	rddreg [dreg:$0x1];
	s12 =	simm.s32 $0x2  }
0x3: {  	s13 =	simm.s32 $0x80;
	s18 =	simm.s32 $0x100;
	s21 =	simm.s32 $0x180  }
0x4: {  	s24 =	simm.s32 $0x200;
	s28 =	simm.s32 $0x280;
	s31 =	simm.s32 $0x300  }
0x5: {  	s14 =	simm.s32 $0x380;
	s17 =	simm.s32 $0x400;
	s22 =	simm.s32 $0x480  }
0x6: {  	s19 =	simm.s32 $0x1;
	s25 =	simm.s32 $0x2200;
	s29 =	simm.s32 $0x2A00  }
0x7: {  	s30 =	simm.s32 $0x0;
	s1 =	sand.u32 $0x1, s1;
	s3 =	sshll.u32 s2, $0x1  }
0x8: {  	s2 =	simm.s32 $0x0;
	s4 =	sadd.s32 $0x5D000, s0;
	s5 =	sor.u32 s1, s3  }
0x9: {  	[smem:$0x7FF] =	sst s2;
	s1 =	ssub.s32 $0x2, s1;
	s3 =	smul.u32 $0xC0, s5  }
0xa: {  	_ =	strace $0x80000047;
	s8 =	sshrl.u32 s1, $0x1;
	s9 =	sshll.u32 s5, $0x8  }
0xb: {  	s5 =	sadd.s32 $0x1400, s0;
	s26 =	ssub.s32 s1, s8;
	s6 =	sadd.s32 s6, s9  }
0xc: {  	s1 =	simm.s32 $0x580;
	s7 =	sadd.s32 s3, s0;
	s3 =	sadd.s32 $0x1600, s0  }
0xd: {  	s8 =	sadd.s32 $0x2000, s6;
	s9 =	sadd.s32 $0x4000, s6;
	s10 =	sadd.s32 $0x6000, s6  }
0xe: {  	v0 =	vimm.f32 $1.000000000e+00;
	v1 =	vimm.f32 $0.0e+00;
	s11 =	smax.u32 s26, $0x1;
	s26 =	simm.s32 $0x500;
	s7 =	sadd.s32 $0xB8A00, s7  }
.LBB2_1:
0xf: {  	[tilespmem:s2], [sflag:$0x2] =	stream.linear.gather [hbm4b:s7+s2], $0x600, $0x38;
	[tilespmem:$0x3280] =	vst v63  }
0x10: {  	_ =	swait.ge [sflag:s12], $0x600  }
0x11: {  	[sflag:s12] =	ssyncset.done $0x0  }
0x12: {  	s0 =	simm.s32 $0x600;
	[sflag:s12] =	ssyncadd.s32 $0xFFFFFA00  }
0x13: {  	[tilespmem:s0], [sflag:$0x1] =	stream.indirect.gather [hbm4b:s3+s13], $0x1, s2, s13, $0xb8;
	[tilespmem:$0x3280] =	vst v63  }
0x14: {  	s15 =	simm.s32 $0x780  }
0x15: {  	[tilespmem:s15], [sflag:$0x1] =	stream.indirect.gather [hbm4b:s4+s13], $0x1, s2, s13, $0xb8;
	[tilespmem:$0x3280] =	vst v63  }
0x16: {  	s16 =	simm.s32 $0x680  }
0x17: {  	[tilespmem:s16], [sflag:$0x1] =	stream.indirect.gather [hbm4b:s3+s13], $0x1, s13, s13, $0xb8;
	[tilespmem:$0x3280] =	vst v63  }
0x18: {  	s20 =	simm.s32 $0x800  }
0x19: {  	[tilespmem:s20], [sflag:$0x1] =	stream.indirect.gather [hbm4b:s4+s13], $0x1, s13, s13, $0xb8;
	[tilespmem:$0x3280] =	vst v63  }
0x1a: {  	s23 =	simm.s32 $0x700  }
0x1b: {  	[tilespmem:s23], [sflag:$0x1] =	stream.indirect.gather [hbm4b:s3+s13], $0x1, s18, s13, $0xb8;
	[tilespmem:$0x3280] =	vst v63  }
0x1c: {  	s15 =	simm.s32 $0x880  }
0x1d: {  	[tilespmem:s15], [sflag:$0x1] =	stream.indirect.gather [hbm4b:s4+s13], $0x1, s18, s13, $0xb8;
	[tilespmem:$0x3280] =	vst v63  }
0x1e: {  	s16 =	simm.s32 $0x900  }
0x1f: {  	[tilespmem:s16], [sflag:$0x1] =	stream.indirect.gather [hbm4b:s3+s13], $0x1, s21, s13, $0xb8;
	[tilespmem:$0x3280] =	vst v63  }
0x20: {  	s20 =	simm.s32 $0xA80  }
0x21: {  	[tilespmem:s20], [sflag:$0x1] =	stream.indirect.gather [hbm4b:s4+s13], $0x1, s21, s13, $0xb8;
	[tilespmem:$0x3280] =	vst v63  }
0x22: {  	s23 =	simm.s32 $0x980  }
0x23: {  	[tilespmem:s23], [sflag:$0x1] =	stream.indirect.gather [hbm4b:s3+s13], $0x1, s24, s13, $0xb8;
	[tilespmem:$0x3280] =	vst v63  }
0x24: {  	s15 =	simm.s32 $0xB00  }
0x25: {  	[tilespmem:s15], [sflag:$0x1] =	stream.indirect.gather [hbm4b:s4+s13], $0x1, s24, s13, $0xb8;
	[tilespmem:$0x3280] =	vst v63  }
0x26: {  	s16 =	simm.s32 $0xA00  }
0x27: {  	[tilespmem:s16], [sflag:$0x1] =	stream.indirect.gather [hbm4b:s3+s13], $0x1, s28, s13, $0xb8;
	[tilespmem:$0x3280] =	vst v63  }
0x28: {  	s20 =	simm.s32 $0xB80  }
0x29: {  	[tilespmem:s20], [sflag:$0x1] =	stream.indirect.gather [hbm4b:s4+s13], $0x1, s28, s13, $0xb8;
	[tilespmem:$0x3280] =	vst v63  }
0x2a: {  	s23 =	simm.s32 $0xC00  }
0x2b: {  	[tilespmem:s23], [sflag:$0x1] =	stream.indirect.gather [hbm4b:s3+s13], $0x1, s31, s13, $0xb8;
	[tilespmem:$0x3280] =	vst v63  }
0x2c: {  	s15 =	simm.s32 $0xD80  }
0x2d: {  	[tilespmem:s15], [sflag:$0x1] =	stream.indirect.gather [hbm4b:s4+s13], $0x1, s31, s13, $0xb8;
	[tilespmem:$0x3280] =	vst v63  }
0x2e: {  	s16 =	simm.s32 $0xC80  }
0x2f: {  	[tilespmem:s16], [sflag:$0x1] =	stream.indirect.gather [hbm4b:s3+s13], $0x1, s14, s13, $0xb8;
	[tilespmem:$0x3280] =	vst v63  }
0x30: {  	s20 =	simm.s32 $0xE00  }
0x31: {  	[tilespmem:s20], [sflag:$0x1] =	stream.indirect.gather [hbm4b:s4+s13], $0x1, s14, s13, $0xb8;
	[tilespmem:$0x3280] =	vst v63  }
0x32: {  	s23 =	simm.s32 $0xD00  }
0x33: {  	[tilespmem:s23], [sflag:$0x1] =	stream.indirect.gather [hbm4b:s3+s13], $0x1, s17, s13, $0xb8;
	[tilespmem:$0x3280] =	vst v63  }
0x34: {  	s15 =	simm.s32 $0xE80  }
0x35: {  	[tilespmem:s15], [sflag:$0x1] =	stream.indirect.gather [hbm4b:s4+s13], $0x1, s17, s13, $0xb8;
	[tilespmem:$0x3280] =	vst v63  }
0x36: {  	s16 =	simm.s32 $0xF00  }
0x37: {  	[tilespmem:s16], [sflag:$0x1] =	stream.indirect.gather [hbm4b:s3+s13], $0x1, s22, s13, $0xb8;
	[tilespmem:$0x3280] =	vst v63  }
0x38: {  	s20 =	simm.s32 $0x1080  }
0x39: {  	[tilespmem:s20], [sflag:$0x1] =	stream.indirect.gather [hbm4b:s4+s13], $0x1, s22, s13, $0xb8;
	[tilespmem:$0x3280] =	vst v63  }
0x3a: {  	s23 =	simm.s32 $0xF80  }
0x3b: {  	[tilespmem:s23], [sflag:$0x1] =	stream.indirect.gather [hbm4b:s3+s13], $0x1, s26, s13, $0xb8;
	[tilespmem:$0x3280] =	vst v63  }
0x3c: {  	s15 =	simm.s32 $0x1100  }
0x3d: {  	[tilespmem:s15], [sflag:$0x1] =	stream.indirect.gather [hbm4b:s4+s13], $0x1, s26, s13, $0xb8;
	[tilespmem:$0x3280] =	vst v63  }
0x3e: {  	s16 =	simm.s32 $0x1000  }
0x3f: {  	[tilespmem:s16], [sflag:$0x1] =	stream.indirect.gather [hbm4b:s3+s13], $0x1, s1, s13, $0xb8;
	[tilespmem:$0x3280] =	vst v63  }
0x40: {  	s20 =	simm.s32 $0x1180  }
0x41: {  	[tilespmem:s20], [sflag:$0x1] =	stream.indirect.gather [hbm4b:s4+s13], $0x1, s1, s13, $0xb8;
	[tilespmem:$0x3280] =	vst v63  }
0x42: {  	s23 =	simm.s32 $0x3200  }
0x43: {  	[tilespmem:s23], [sflag:$0x2] =	stream.linear.gather [hbm4b:s5+s2], $0x80, $0x38;
	[tilespmem:$0x3280] =	vst v63  }
0x44: {  	_ =	swait.ge [sflag:s12], $0x80  }
0x45: {  	[sflag:s12] =	ssyncset.done $0x0  }
0x46: {  	[sflag:s12] =	ssyncadd.s32 $0xFFFFFF80  }
0x47: {  	_ =	swait.ge [sflag:s19], $0x80  }
0x48: {  	[sflag:s19] =	ssyncset.done $0x0  }
0x49: {  	[sflag:s19] =	ssyncadd.s32 $0xFFFFFF80  }
0x4a: {  	_ =	swait.ge [sflag:s19], $0x80  }
0x4b: {  	[sflag:s19] =	ssyncset.done $0x0  }
0x4c: {  	[sflag:s19] =	ssyncadd.s32 $0xFFFFFF80  }
0x4d: {  	_ =	swait.ge [sflag:s19], $0x80  }
0x4e: {  	[sflag:s19] =	ssyncset.done $0x0  }
0x4f: {  	[sflag:s19] =	ssyncadd.s32 $0xFFFFFF80  }
0x50: {  	_ =	swait.ge [sflag:s19], $0x80  }
0x51: {  	[sflag:s19] =	ssyncset.done $0x0  }
0x52: {  	[sflag:s19] =	ssyncadd.s32 $0xFFFFFF80  }
0x53: {  	_ =	swait.ge [sflag:s19], $0x80  }
0x54: {  	[sflag:s19] =	ssyncset.done $0x0  }
0x55: {  	[sflag:s19] =	ssyncadd.s32 $0xFFFFFF80  }
0x56: {  	_ =	swait.ge [sflag:s19], $0x80  }
0x57: {  	[sflag:s19] =	ssyncset.done $0x0  }
0x58: {  	[sflag:s19] =	ssyncadd.s32 $0xFFFFFF80  }
0x59: {  	_ =	swait.ge [sflag:s19], $0x80  }
0x5a: {  	[sflag:s19] =	ssyncset.done $0x0  }
0x5b: {  	[sflag:s19] =	ssyncadd.s32 $0xFFFFFF80  }
0x5c: {  	_ =	swait.ge [sflag:s19], $0x80  }
0x5d: {  	[sflag:s19] =	ssyncset.done $0x0  }
0x5e: {  	[sflag:s19] =	ssyncadd.s32 $0xFFFFFF80  }
0x5f: {  	_ =	swait.ge [sflag:s19], $0x80  }
0x60: {  	[sflag:s19] =	ssyncset.done $0x0  }
0x61: {  	[sflag:s19] =	ssyncadd.s32 $0xFFFFFF80  }
0x62: {  	_ =	swait.ge [sflag:s19], $0x80  }
0x63: {  	[sflag:s19] =	ssyncset.done $0x0  }
0x64: {  	[sflag:s19] =	ssyncadd.s32 $0xFFFFFF80  }
0x65: {  	_ =	swait.ge [sflag:s19], $0x80  }
0x66: {  	[sflag:s19] =	ssyncset.done $0x0  }
0x67: {  	[sflag:s19] =	ssyncadd.s32 $0xFFFFFF80  }
0x68: {  	_ =	swait.ge [sflag:s19], $0x80  }
0x69: {  	[sflag:s19] =	ssyncset.done $0x0  }
0x6a: {  	[sflag:s19] =	ssyncadd.s32 $0xFFFFFF80  }
0x6b: {  	_ =	swait.ge [sflag:s19], $0x80  }
0x6c: {  	[sflag:s19] =	ssyncset.done $0x0  }
0x6d: {  	[sflag:s19] =	ssyncadd.s32 $0xFFFFFF80  }
0x6e: {  	_ =	swait.ge [sflag:s19], $0x80  }
0x6f: {  	[sflag:s19] =	ssyncset.done $0x0  }
0x70: {  	[sflag:s19] =	ssyncadd.s32 $0xFFFFFF80  }
0x71: {  	_ =	swait.ge [sflag:s19], $0x80  }
0x72: {  	[sflag:s19] =	ssyncset.done $0x0  }
0x73: {  	[sflag:s19] =	ssyncadd.s32 $0xFFFFFF80  }
0x74: {  	_ =	swait.ge [sflag:s19], $0x80  }
0x75: {  	[sflag:s19] =	ssyncset.done $0x0  }
0x76: {  	[sflag:s19] =	ssyncadd.s32 $0xFFFFFF80  }
0x77: {  	_ =	swait.ge [sflag:s19], $0x80  }
0x78: {  	[sflag:s19] =	ssyncset.done $0x0  }
0x79: {  	[sflag:s19] =	ssyncadd.s32 $0xFFFFFF80  }
0x7a: {  	_ =	swait.ge [sflag:s19], $0x80  }
0x7b: {  	[sflag:s19] =	ssyncset.done $0x0  }
0x7c: {  	[sflag:s19] =	ssyncadd.s32 $0xFFFFFF80  }
0x7d: {  	_ =	swait.ge [sflag:s19], $0x80  }
0x7e: {  	[sflag:s19] =	ssyncset.done $0x0  }
0x7f: {  	[sflag:s19] =	ssyncadd.s32 $0xFFFFFF80  }
0x80: {  	_ =	swait.ge [sflag:s19], $0x80  }
0x81: {  	[sflag:s19] =	ssyncset.done $0x0  }
0x82: {  	[sflag:s19] =	ssyncadd.s32 $0xFFFFFF80  }
0x83: {  	_ =	swait.ge [sflag:s19], $0x80  }
0x84: {  	[sflag:s19] =	ssyncset.done $0x0  }
0x85: {  	[sflag:s19] =	ssyncadd.s32 $0xFFFFFF80  }
0x86: {  	_ =	swait.ge [sflag:s19], $0x80  }
0x87: {  	[sflag:s19] =	ssyncset.done $0x0  }
0x88: {  	[sflag:s19] =	ssyncadd.s32 $0xFFFFFF80  }
0x89: {  	_ =	swait.ge [sflag:s19], $0x80  }
0x8a: {  	[sflag:s19] =	ssyncset.done $0x0  }
0x8b: {  	[sflag:s19] =	ssyncadd.s32 $0xFFFFFF80  }
0x8c: {  	_ =	swait.ge [sflag:s19], $0x80  }
0x8d: {  	[sflag:s19] =	ssyncset.done $0x0  }
0x8e: {  	[sflag:s19] =	ssyncadd.s32 $0xFFFFFF80  }
0x8f: {  	v2 =	vld [tilespmem:$0x3200]  }
0x90: {  	v3 =	vld [tilespmem:$0x3210];
	_ =	sdelay $0x1  }
0x91: {  	v4 =	vld [tilespmem:$0x3220];
	_ =	sdelay $0x2  }
0x92: {  	s0 =	simm.s32 $0xFFFFFF80;
	v5 =	vmul.f32 v2, v2;
	v6 =	vmul.f32 v3, v3  }
0x93: {  	v14 =	vld [tilespmem:s0+$0x680]  }
0x94: {  	v15 =	vld [tilespmem:s0+$0x700];
	v5 =	vadd.f32 v6, v5;
	v6 =	vmul.f32 v4, v4;
	_ =	sdelay $0x1  }
0x95: {  	v18 =	vld [tilespmem:s0+$0x780];
	v5 =	vadd.f32 v6, v5;
	_ =	sdelay $0x1  }
0x96: {  	v6 =	vmul.f32 $1.147074540e-11, v5  }
0x97: {  	v8 =	vmul.f32 v14, v14;
	v9 =	vmul.f32 v15, v15  }
0x98: {  	v7 =	vmul.f32 $1.605904440e-10, v5;
	v6 =	vadd.f32 $-2.087675590e-09, v6  }
0x99: {  	v8 =	vadd.f32 v9, v8;
	v9 =	vmul.f32 v18, v18  }
0x9a: {  	v7 =	vadd.f32 $-2.505210790e-08, v7;
	v6 =	vmul.f32 v6, v5  }
0x9b: {  	v16 =	vadd.f32 v9, v8  }
0x9c: {  	v7 =	vmul.f32 v7, v5;
	v6 =	vadd.f32 $2.755732000e-07, v6  }
0x9d: {  	v8 =	vmul.f32 $1.605904440e-10, v16  }
0x9e: {  	v7 =	vadd.f32 $2.755731880e-06, v7;
	v6 =	vmul.f32 v6, v5  }
0x9f: {  	v8 =	vadd.f32 $-2.505210790e-08, v8  }
0xa0: {  	v7 =	vmul.f32 v7, v5;
	v6 =	vadd.f32 $-2.480158760e-05, v6  }
0xa1: {  	v9 =	vmul.f32 $1.147074540e-11, v16;
	v8 =	vmul.f32 v8, v16  }
0xa2: {  	v7 =	vadd.f32 $-1.984127010e-04, v7;
	v6 =	vmul.f32 v6, v5  }
0xa3: {  	v9 =	vadd.f32 $-2.087675590e-09, v9;
	v8 =	vadd.f32 $2.755731880e-06, v8  }
0xa4: {  	v7 =	vmul.f32 v7, v5;
	v6 =	vadd.f32 $1.388888920e-03, v6  }
0xa5: {  	v9 =	vmul.f32 v9, v16;
	v8 =	vmul.f32 v8, v16  }
0xa6: {  	v7 =	vadd.f32 $8.333333770e-03, v7;
	v6 =	vmul.f32 v6, v5  }
0xa7: {  	v9 =	vadd.f32 $2.755732000e-07, v9;
	v8 =	vadd.f32 $-1.984127010e-04, v8  }
0xa8: {  	v7 =	vmul.f32 v7, v5;
	v6 =	vadd.f32 $-4.166666790e-02, v6  }
0xa9: {  	v9 =	vmul.f32 v9, v16;
	v8 =	vmul.f32 v8, v16  }
0xaa: {  	v7 =	vadd.f32 $-1.666666720e-01, v7;
	v6 =	vmul.f32 v6, v5  }
0xab: {  	v9 =	vadd.f32 $-2.480158760e-05, v9;
	v8 =	vadd.f32 $8.333333770e-03, v8  }
0xac: {  	v7 =	vmul.f32 v7, v5;
	v6 =	vadd.f32 $5.000000000e-01, v6  }
0xad: {  	v9 =	vmul.f32 v9, v16;
	v8 =	vmul.f32 v8, v16  }
0xae: {  	v7 =	vadd.f32 $1.000000000e+00, v7;
	v5 =	vmul.f32 v6, v5;
	v10 =	vmul.f32 v6, v2  }
0xaf: {  	v11 =	vmul.f32 v6, v3;
	v6 =	vmul.f32 v6, v4  }
0xb0: {  	v9 =	vadd.f32 $1.388888920e-03, v9;
	v20 =	vmul.f32 v7, v4;
	v12 =	vmul.f32 v10, v2  }
0xb1: {  	v13 =	vmul.f32 v11, v3;
	v5 =	vsub.f32 $1.000000000e+00, v5;
	v17 =	vmul.f32 v10, v3  }
0xb2: {  	v19 =	vld [tilespmem:$0x3230];
	v8 =	vadd.f32 $-1.666666720e-01, v8;
	v10 =	vmul.f32 v10, v4;
	v3 =	vmul.f32 v7, v3  }
0xb3: {  	v22 =	vmul.f32 v7, v2;
	v6 =	vmul.f32 v6, v4;
	v21 =	vadd.f32 v12, v5  }
0xb4: {  	v4 =	vmul.f32 v11, v4;
	v11 =	vld [tilespmem:$0x3260];
	v2 =	vsub.f32 v17, v20;
	v23 =	vadd.f32 v10, v3  }
0xb5: {  	v17 =	vadd.f32 v17, v20;
	v12 =	vld [tilespmem:$0x3240];
	v20 =	vmul.f32 v9, v16;
	v24 =	vadd.f32 v13, v5  }
0xb6: {  	v25 =	vsub.f32 v4, v22;
	v13 =	vld [tilespmem:$0x3250];
	v3 =	vsub.f32 v10, v3;
	[tilespmem:s0+$0x2A80] =	vst v1  }
0xb7: {  	[tilespmem:s0+$0x2B00] =	vst v1;
	v9 =	vmul.f32 v21, v19;
	v7 =	vmul.f32 v2, v19;
	v20 =	vadd.f32 $-4.166666790e-02, v20  }
0xb8: {  	[tilespmem:s0+$0x2B80] =	vst v1;
	v10 =	vmul.f32 v17, v19;
	v17 =	vadd.f32 v4, v22;
	v22 =	vmul.f32 v8, v16  }
0xb9: {  	s15 =	simm.s32 $0xFFFFFF90;
	v26 =	vadd.f32 v6, v5;
	[tilespmem:s0+$0x2C00] =	vst v0;
	v2 =	vmul.f32 v23, v19;
	v20 =	vmul.f32 v20, v16  }
0xba: {  	v8 =	vmul.f32 v24, v19;
	v24 =	vadd.f32 $1.000000000e+00, v22;
	v6 =	vmul.f32 v17, v19;
	v17 =	vld [tilespmem:s15+$0x700]  }
0xbb: {  	v4 =	vmul.f32 v25, v19;
	v5 =	vmul.f32 v3, v19;
	v20 =	vadd.f32 $5.000000000e-01, v20  }
0xbc: {  	v3 =	vmul.f32 v26, v19;
	v25 =	vmul.f32 v24, v14  }
0xbd: {  	v19 =	vmul.f32 v20, v18;
	v26 =	vmul.f32 v20, v14  }
0xbe: {  	v27 =	vmul.f32 v20, v15;
	v16 =	vmul.f32 v20, v16  }
0xbf: {  	v22 =	vld [tilespmem:s15+$0x680];
	v20 =	vmul.f32 v24, v15;
	v34 =	vmul.f32 v17, v17  }
0xc0: {  	v28 =	vmul.f32 v26, v18;
	v29 =	vmul.f32 v27, v18  }
0xc1: {  	v31 =	vmul.f32 v26, v14;
	v27 =	vmul.f32 v27, v15  }
0xc2: {  	v30 =	vsub.f32 $1.000000000e+00, v16;
	v19 =	vmul.f32 v19, v18;
	v26 =	vmul.f32 v26, v15  }
0xc3: {  	v18 =	vmul.f32 v24, v18;
	v32 =	vsub.f32 v28, v20;
	v33 =	vadd.f32 v29, v25  }
0xc4: {  	v16 =	vld [tilespmem:s15+$0x780];
	v24 =	vadd.f32 v31, v30;
	v19 =	vadd.f32 v19, v30;
	v31 =	vmul.f32 v22, v22  }
0xc5: {  	v37 =	vsub.f32 v26, v18;
	v18 =	vadd.f32 v26, v18;
	v35 =	vmul.f32 v32, v12  }
0xc6: {  	v27 =	vadd.f32 v27, v30;
	v36 =	vmul.f32 v33, v13;
	v60 =	vmul.f32 v19, v11  }
0xc7: {  	v30 =	vmul.f32 v24, v12;
	v61 =	vmul.f32 v37, v13  }
0xc8: {  	v20 =	vadd.f32 v28, v20;
	v62 =	vmul.f32 v18, v12;
	v63 =	vmul.f32 v27, v13  }
0xc9: {  	v26 =	vadd.f32 v34, v31;
	v28 =	vmul.f32 v24, v9;
	v31 =	vmul.f32 v16, v16  }
0xca: {  	v44 =	vmul.f32 v37, v10;
	v46 =	vmul.f32 v24, v7  }
0xcb: {  	v40 =	vmul.f32 v37, v8;
	v24 =	vmul.f32 v24, v2;
	v26 =	vadd.f32 v31, v26  }
0xcc: {  	v37 =	vmul.f32 v37, v4;
	v49 =	vmul.f32 v20, v11  }
0xcd: {  	v25 =	vsub.f32 v29, v25;
	v39 =	vmul.f32 $1.605904440e-10, v26;
	v29 =	vmul.f32 $1.147074540e-11, v26  }
0xce: {  	v50 =	vmul.f32 v18, v9;
	v51 =	vmul.f32 v27, v10  }
0xcf: {  	v52 =	vmul.f32 v18, v7;
	v45 =	vadd.f32 $-2.505210790e-08, v39;
	v29 =	vadd.f32 $-2.087675590e-09, v29  }
0xd0: {  	v53 =	vmul.f32 v27, v8;
	v18 =	vmul.f32 v18, v2  }
0xd1: {  	v47 =	vmul.f32 v45, v26;
	v29 =	vmul.f32 v29, v26  }
0xd2: {  	v27 =	vmul.f32 v27, v4;
	v54 =	vmul.f32 v25, v11;
	v59 =	vadd.f32 v36, v35  }
0xd3: {  	v55 =	vmul.f32 v32, v9;
	v35 =	vadd.f32 $2.755731880e-06, v47;
	v29 =	vadd.f32 $2.755732000e-07, v29  }
0xd4: {  	v21 =	vld [tilespmem:s0+$0x800];
	v56 =	vmul.f32 v33, v10;
	v30 =	vadd.f32 v61, v30;
	v34 =	vadd.f32 v63, v62  }
0xd5: {  	v23 =	vld [tilespmem:s0+$0x880];
	[tilespmem:s15+$0x2A80] =	vst v1;
	v28 =	vadd.f32 v44, v28;
	v35 =	vmul.f32 v35, v26;
	v29 =	vmul.f32 v29, v26  }
0xd6: {  	[tilespmem:s15+$0x2B00] =	vst v1;
	v41 =	vmul.f32 v32, v7;
	v48 =	vadd.f32 v40, v46;
	v24 =	vadd.f32 v37, v24  }
0xd7: {  	v38 =	vld [tilespmem:s0+$0x900];
	v57 =	vmul.f32 v33, v8;
	v35 =	vadd.f32 $-1.984127010e-04, v35;
	v29 =	vadd.f32 $-2.480158760e-05, v29  }
0xd8: {  	v32 =	vmul.f32 v32, v2;
	v37 =	vadd.f32 v53, v52;
	v27 =	vadd.f32 v27, v18  }
0xd9: {  	v31 =	vadd.f32 v59, v60;
	v35 =	vmul.f32 v35, v26;
	v29 =	vmul.f32 v29, v26  }
0xda: {  	v33 =	vmul.f32 v33, v4;
	v30 =	vadd.f32 v30, v49;
	v34 =	vadd.f32 v34, v54  }
0xdb: {  	v58 =	vmul.f32 v20, v5;
	v18 =	vadd.f32 $8.333333770e-03, v35;
	v29 =	vadd.f32 $1.388888920e-03, v29  }
0xdc: {  	v59 =	vmul.f32 v20, v6;
	v20 =	vmul.f32 v20, v3;
	v31 =	vadd.f32 v31, v38  }
0xdd: {  	v38 =	vadd.f32 v56, v55;
	v18 =	vmul.f32 v18, v26;
	v29 =	vmul.f32 v29, v26  }
0xde: {  	v60 =	vmul.f32 v25, v3;
	v21 =	vadd.f32 v30, v21;
	v23 =	vadd.f32 v34, v23  }
0xdf: {  	[tilespmem:s15+$0x2B80] =	vst v1;
	v61 =	vmul.f32 v19, v5;
	v18 =	vadd.f32 $-1.666666720e-01, v18;
	v29 =	vadd.f32 $-4.166666790e-02, v29  }
0xe0: {  	[tilespmem:s15+$0x2C00] =	vst v0;
	v14 =	vld [tilespmem:s15+$0x800];
	v30 =	vmul.f32 v25, v5;
	v20 =	vadd.f32 v24, v20;
	v63 =	vadd.f32 v27, v60  }
0xe1: {  	v15 =	vld [tilespmem:s15+$0x880];
	v39 =	vadd.f32 v51, v50;
	[tilespmem:s0+$0x2400] =	vst v31;
	v18 =	vmul.f32 v18, v26;
	v29 =	vmul.f32 v29, v26  }
0xe2: {  	[tilespmem:s0+$0x1400] =	vst v21;
	v21 =	vadd.f32 v28, v58;
	v28 =	vmul.f32 v25, v6;
	v31 =	vadd.f32 v48, v59  }
0xe3: {  	v62 =	vmul.f32 v19, v6;
	[tilespmem:s0+$0x1C00] =	vst v23;
	v25 =	vadd.f32 $1.000000000e+00, v18;
	v29 =	vadd.f32 $5.000000000e-01, v29  }
0xe4: {  	v30 =	vadd.f32 v39, v30;
	[tilespmem:s0+$0x1280] =	vst v21;
	v21 =	vmul.f32 v19, v3;
	v19 =	vadd.f32 v37, v28  }
0xe5: {  	[tilespmem:s0+$0x1300] =	vst v31;
	v35 =	vadd.f32 v57, v41;
	v24 =	vmul.f32 v29, v16;
	v23 =	vmul.f32 v25, v22  }
0xe6: {  	[tilespmem:s0+$0x1A80] =	vst v30;
	v18 =	vadd.f32 v33, v32;
	v31 =	vmul.f32 v29, v22;
	v30 =	vmul.f32 v29, v17  }
0xe7: {  	s16 =	simm.s32 $0xFFFFFFA0;
	[tilespmem:s0+$0x1380] =	vst v20;
	v33 =	vadd.f32 v38, v61;
	v29 =	vmul.f32 v29, v26;
	v27 =	vmul.f32 v25, v17  }
0xe8: {  	v20 =	vld [tilespmem:s16+$0x680];
	[tilespmem:s0+$0x1B00] =	vst v19;
	v32 =	vadd.f32 v35, v62;
	v28 =	vmul.f32 v31, v16;
	v26 =	vmul.f32 v30, v16  }
0xe9: {  	s20 =	simm.s32 $0xFFFFFEC0;
	v19 =	vld [tilespmem:s16+$0x700];
	[tilespmem:s0+$0x1B80] =	vst v63;
	v29 =	vsub.f32 $1.000000000e+00, v29;
	v34 =	vmul.f32 v31, v22;
	v30 =	vmul.f32 v30, v17  }
.LBB2_2:
0xea: {  	p0 =	sne.s32 s20, $0xFFFFFFC0;
	v35 =	vld [tilespmem:s16+$0x800];
	v22 =	vmul.f32 v24, v16;
	v36 =	vsub.f32 v28, v27;
	v37 =	vadd.f32 v26, v23;
	[tilespmem:s0+$0x2280] =	vst v33  }
0xeb: {  	v17 =	vmul.f32 v31, v17;
	v31 =	vmul.f32 v25, v16;
	v16 =	vld [tilespmem:s16+$0x780];
	v33 =	vadd.f32 v34, v29;
	[tilespmem:s0+$0x2300] =	vst v32  }
0xec: {  	v25 =	vld [tilespmem:s16+$0x880];
	[tilespmem:s16+$0x2A80] =	vst v1;
	v24 =	vadd.f32 v22, v29;
	v22 =	vmul.f32 v36, v12;
	v32 =	vmul.f32 v37, v13  }
0xed: {  	v39 =	vsub.f32 v17, v31;
	v31 =	vadd.f32 v17, v31;
	v34 =	vmul.f32 v20, v20;
	[tilespmem:s16+$0x2B00] =	vst v1;
	v38 =	vld [tilespmem:s15+$0x900]  }
0xee: {  	v43 =	vmul.f32 v19, v19;
	[tilespmem:s16+$0x2B80] =	vst v1;
	v42 =	vadd.f32 v32, v22;
	v32 =	vmul.f32 v24, v11  }
0xef: {  	v29 =	vadd.f32 v30, v29;
	v30 =	vmul.f32 v33, v12;
	v40 =	vmul.f32 v39, v13;
	[tilespmem:s16+$0x2C00] =	vst v0  }
0xf0: {  	v34 =	vadd.f32 v43, v34;
	v41 =	vmul.f32 v16, v16;
	v32 =	vadd.f32 v42, v32;
	v22 =	vmovc v20  }
0xf1: {  	v17 =	vmovc v19;
	v20 =	vadd.f32 v28, v27;
	v27 =	vmul.f32 v31, v12;
	v28 =	vmul.f32 v29, v13  }
0xf2: {  	v19 =	vadd.f32 v41, v34;
	v34 =	vmul.f32 v33, v9;
	v32 =	vadd.f32 v32, v38  }
0xf3: {  	v23 =	vsub.f32 v26, v23;
	v26 =	vmul.f32 v39, v10;
	v30 =	vadd.f32 v40, v30  }
0xf4: {  	v27 =	vadd.f32 v28, v27;
	v38 =	vmul.f32 $1.605904440e-10, v19;
	v40 =	vmul.f32 $1.147074540e-11, v19;
	[tilespmem:s15+$0x2400] =	vst v32  }
0xf5: {  	v28 =	vmul.f32 v33, v7;
	v26 =	vadd.f32 v26, v34;
	v32 =	vmul.f32 v39, v8  }
0xf6: {  	v33 =	vmul.f32 v33, v2;
	v34 =	vadd.f32 $-2.505210790e-08, v38;
	v38 =	vadd.f32 $-2.087675590e-09, v40  }
0xf7: {  	v28 =	vadd.f32 v32, v28;
	v32 =	vmul.f32 v39, v4;
	v39 =	vmul.f32 v20, v11  }
0xf8: {  	v18 =	vadd.f32 v18, v21;
	v34 =	vmul.f32 v34, v19;
	v38 =	vmul.f32 v38, v19  }
0xf9: {  	v21 =	vadd.f32 v30, v39;
	v30 =	vmul.f32 v31, v9;
	v39 =	vmul.f32 v29, v10  }
0xfa: {  	v40 =	vmul.f32 v31, v7;
	v34 =	vadd.f32 $2.755731880e-06, v34;
	v38 =	vadd.f32 $2.755732000e-07, v38;
	[tilespmem:s0+$0x2380] =	vst v18;
	s0 =	smov.u32 s15;
	s15 =	smov.u32 s16  }
0xfb: {  	v32 =	vadd.f32 v32, v33;
	v31 =	vmul.f32 v31, v2;
	v18 =	vmul.f32 v29, v8  }
0xfc: {  	v30 =	vadd.f32 v39, v30;
	v33 =	vmul.f32 v34, v19;
	v34 =	vmul.f32 v38, v19  }
0xfd: {  	v38 =	vadd.f32 v18, v40;
	v18 =	vmul.f32 v29, v4;
	v29 =	vmul.f32 v23, v11  }
0xfe: {  	v39 =	vmul.f32 v36, v9;
	v33 =	vadd.f32 $-1.984127010e-04, v33;
	v34 =	vadd.f32 $-2.480158760e-05, v34  }
0xff: {  	v40 =	vmul.f32 v36, v7;
	v27 =	vadd.f32 v27, v29;
	v29 =	vmul.f32 v37, v10  }
0x100: {  	v41 =	vadd.f32 v18, v31;
	v33 =	vmul.f32 v33, v19;
	v34 =	vmul.f32 v34, v19  }
0x101: {  	v18 =	vmul.f32 v37, v8;
	v31 =	vmul.f32 v36, v2;
	v29 =	vadd.f32 v29, v39  }
0x102: {  	v36 =	vmul.f32 v37, v4;
	v33 =	vadd.f32 $8.333333770e-03, v33;
	v34 =	vadd.f32 $1.388888920e-03, v34  }
0x103: {  	v37 =	vmul.f32 v20, v5;
	v39 =	vmul.f32 v20, v6;
	v40 =	vadd.f32 v18, v40  }
0x104: {  	v18 =	vadd.f32 v36, v31;
	v33 =	vmul.f32 v33, v19;
	v34 =	vmul.f32 v34, v19  }
0x105: {  	v21 =	vadd.f32 v21, v14;
	v14 =	vmovc v35;
	v20 =	vmul.f32 v20, v3;
	v31 =	vmul.f32 v23, v5  }
0x106: {  	v35 =	vmul.f32 v23, v6;
	v33 =	vadd.f32 $-1.666666720e-01, v33;
	v34 =	vadd.f32 $-4.166666790e-02, v34  }
0x107: {  	v42 =	vmul.f32 v24, v5;
	v36 =	vmul.f32 v23, v3;
	[tilespmem:s0+$0x1400] =	vst v21;
	v21 =	vadd.f32 v27, v15  }
0x108: {  	v26 =	vadd.f32 v26, v37;
	v15 =	vmovc v25;
	v23 =	vmul.f32 v33, v19;
	v27 =	vmul.f32 v34, v19  }
0x109: {  	v28 =	vadd.f32 v28, v39;
	v34 =	vmul.f32 v24, v6;
	[tilespmem:s0+$0x1C00] =	vst v21;
	v21 =	vmul.f32 v24, v3  }
0x10a: {  	v25 =	vadd.f32 $1.000000000e+00, v23;
	v27 =	vadd.f32 $5.000000000e-01, v27;
	[tilespmem:s0+$0x1280] =	vst v26  }
0x10b: {  	v20 =	vadd.f32 v32, v20;
	v26 =	vadd.f32 v30, v31;
	[tilespmem:s0+$0x1300] =	vst v28  }
.Ltmp0:
0x10c: {  	v30 =	vadd.f32 v38, v35;
	v24 =	vmul.f32 v27, v16;
	v23 =	vmul.f32 v25, v22;
	(pc) =	sbr.rel @p0 .LBB2_2-.Ltmp0, $4  }
0x10d: {  	v36 =	vadd.f32 v41, v36;
	v31 =	vmul.f32 v27, v22;
	v35 =	vmul.f32 v27, v17;
	[tilespmem:s0+$0x1380] =	vst v20  }
0x10e: {  	s16 =	sshra.s32 s20, $0x2;
	v33 =	vadd.f32 v29, v42;
	v37 =	vmul.f32 v27, v19;
	v27 =	vmul.f32 v25, v17;
	[tilespmem:s0+$0x1A80] =	vst v26  }
0x10f: {  	v32 =	vadd.f32 v40, v34;
	v28 =	vmul.f32 v31, v16;
	v26 =	vmul.f32 v35, v16;
	v20 =	vld [tilespmem:s16+$0x680];
	[tilespmem:s0+$0x1B00] =	vst v30  }
0x110: {  	s20 =	sadd.s32 $0x40, s20;
	v29 =	vsub.f32 $1.000000000e+00, v37;
	v34 =	vmul.f32 v31, v22;
	v30 =	vmul.f32 v35, v17;
	v19 =	vld [tilespmem:s16+$0x700];
	[tilespmem:s0+$0x1B80] =	vst v36  }
0x111: {  	v22 =	vld [tilespmem:s16+$0x800];
	[tilespmem:s0+$0x2280] =	vst v33  }
0x112: {  	v49 =	vmul.f32 v24, v16;
	v35 =	vsub.f32 v28, v27;
	v24 =	vld [tilespmem:s16+$0x780]  }
0x113: {  	v36 =	vadd.f32 v26, v23;
	v31 =	vmul.f32 v31, v17  }
0x114: {  	v25 =	vmul.f32 v25, v16;
	v27 =	vadd.f32 v28, v27;
	v51 =	vmul.f32 v35, v12  }
0x115: {  	v50 =	vadd.f32 v34, v29;
	v52 =	vmul.f32 v20, v20;
	v38 =	vmul.f32 v19, v19  }
0x116: {  	v56 =	vadd.f32 v30, v29;
	v37 =	vmul.f32 v36, v13;
	v47 =	vmul.f32 v27, v11  }
0x117: {  	v44 =	vmul.f32 v36, v8;
	v33 =	vadd.f32 v38, v52;
	v54 =	vmul.f32 v24, v24  }
0x118: {  	v17 =	vadd.f32 v49, v29;
	v57 =	vmul.f32 v50, v12;
	v58 =	vmul.f32 v56, v13  }
0x119: {  	v59 =	vmul.f32 v50, v9;
	v62 =	vmul.f32 v50, v7;
	v33 =	vadd.f32 v54, v33  }
0x11a: {  	[tilespmem:s0+$0x2300] =	vst v32;
	v39 =	vsub.f32 v31, v25;
	v32 =	vmul.f32 v50, v2;
	v49 =	vmul.f32 v56, v10  }
0x11b: {  	v25 =	vadd.f32 v31, v25;
	v29 =	vmul.f32 v56, v4;
	v42 =	vmul.f32 $1.147074540e-11, v33  }
0x11c: {  	v23 =	vsub.f32 v26, v23;
	v55 =	vmul.f32 v17, v11;
	v60 =	vmul.f32 $1.605904440e-10, v33  }
0x11d: {  	v40 =	vmul.f32 v39, v13;
	v41 =	vmul.f32 v25, v12;
	v42 =	vadd.f32 $-2.087675590e-09, v42  }
0x11e: {  	v61 =	vmul.f32 v39, v10;
	v63 =	vmul.f32 v39, v8;
	v28 =	vadd.f32 $-2.505210790e-08, v60  }
0x11f: {  	v18 =	vadd.f32 v18, v21;
	v46 =	vmul.f32 v39, v4;
	v45 =	vmul.f32 v42, v33  }
0x120: {  	v34 =	vadd.f32 v37, v51;
	v48 =	vmul.f32 v25, v9;
	v28 =	vmul.f32 v28, v33  }
0x121: {  	v43 =	vmul.f32 v25, v7;
	v37 =	vadd.f32 v58, v41;
	v41 =	vadd.f32 $2.755732000e-07, v45  }
0x122: {  	[tilespmem:s16+$0x2A80] =	vst v1;
	v25 =	vmul.f32 v25, v2;
	v34 =	vadd.f32 v34, v55;
	v28 =	vadd.f32 $2.755731880e-06, v28  }
0x123: {  	[tilespmem:s16+$0x2B00] =	vst v1;
	v30 =	vadd.f32 v40, v57;
	v26 =	vadd.f32 v61, v59;
	v51 =	vmul.f32 v41, v33  }
0x124: {  	v53 =	vld [tilespmem:s15+$0x900];
	v52 =	vmul.f32 v56, v8;
	v32 =	vadd.f32 v46, v32;
	v50 =	vmul.f32 v28, v33  }
0x125: {  	v55 =	vmul.f32 v36, v10;
	v56 =	vmul.f32 v35, v7;
	v28 =	vadd.f32 $-2.480158760e-05, v51  }
0x126: {  	v36 =	vmul.f32 v36, v4;
	v58 =	vmul.f32 v27, v5;
	v21 =	vadd.f32 $-1.984127010e-04, v50  }
0x127: {  	v40 =	vadd.f32 v49, v48;
	v59 =	vmul.f32 v27, v6;
	v28 =	vmul.f32 v28, v33  }
0x128: {  	v25 =	vadd.f32 v29, v25;
	v27 =	vmul.f32 v27, v3;
	v21 =	vmul.f32 v21, v33  }
0x129: {  	v61 =	vmul.f32 v23, v5;
	v31 =	vadd.f32 v34, v53;
	v28 =	vadd.f32 $1.388888920e-03, v28  }
0x12a: {  	v34 =	vadd.f32 v63, v62;
	v53 =	vmul.f32 v23, v11;
	v21 =	vadd.f32 $8.333333770e-03, v21  }
0x12b: {  	v30 =	vadd.f32 v30, v47;
	v54 =	vmul.f32 v35, v9;
	v28 =	vmul.f32 v28, v33  }
0x12c: {  	v39 =	vadd.f32 v52, v43;
	v27 =	vadd.f32 v32, v27;
	v21 =	vmul.f32 v21, v33  }
0x12d: {  	[tilespmem:s16+$0x2B80] =	vst v1;
	v62 =	vmul.f32 v23, v6;
	v37 =	vadd.f32 v37, v53;
	v28 =	vadd.f32 $-4.166666790e-02, v28  }
0x12e: {  	[tilespmem:s16+$0x2C00] =	vst v0;
	v63 =	vmul.f32 v23, v3;
	v57 =	vadd.f32 v55, v54;
	v21 =	vadd.f32 $-1.666666720e-01, v21  }
0x12f: {  	v16 =	vld [tilespmem:s16+$0x880];
	[tilespmem:s15+$0x2400] =	vst v31;
	v14 =	vadd.f32 v30, v14;
	v48 =	vadd.f32 v39, v62;
	v28 =	vmul.f32 v28, v33  }
0x130: {  	[tilespmem:s0+$0x2380] =	vst v18;
	v18 =	vadd.f32 v25, v63;
	v15 =	vadd.f32 v37, v15;
	v21 =	vmul.f32 v21, v33  }
0x131: {  	v35 =	vmul.f32 v35, v2;
	v60 =	vadd.f32 v44, v56;
	[tilespmem:s15+$0x1400] =	vst v14;
	v38 =	vadd.f32 $5.000000000e-01, v28  }
0x132: {  	v14 =	vmul.f32 v17, v5;
	[tilespmem:s15+$0x1C00] =	vst v15;
	v15 =	vmul.f32 v17, v6;
	v21 =	vadd.f32 $1.000000000e+00, v21  }
0x133: {  	v37 =	vadd.f32 v26, v58;
	v17 =	vmul.f32 v17, v3;
	v46 =	vmul.f32 v38, v24  }
0x134: {  	v14 =	vadd.f32 v57, v14;
	v47 =	vmul.f32 v21, v20;
	v49 =	vmul.f32 v38, v20  }
0x135: {  	v45 =	vadd.f32 v40, v61;
	v50 =	vmul.f32 v38, v19;
	v51 =	vmul.f32 v38, v33  }
0x136: {  	v15 =	vadd.f32 v60, v15;
	v52 =	vmul.f32 v21, v19;
	v21 =	vmul.f32 v21, v24  }
0x137: {  	v41 =	vadd.f32 v34, v59;
	v53 =	vmul.f32 v49, v24;
	v54 =	vmul.f32 v50, v24  }
0x138: {  	v25 =	vsub.f32 $1.000000000e+00, v51;
	v20 =	vmul.f32 v49, v20;
	v55 =	vmul.f32 v46, v24  }
0x139: {  	[tilespmem:s15+$0x2280] =	vst v14;
	v14 =	vmul.f32 v49, v19;
	v28 =	vsub.f32 v53, v52;
	v29 =	vadd.f32 v54, v47  }
0x13a: {  	[tilespmem:s15+$0x2300] =	vst v15;
	v59 =	vmul.f32 v50, v19;
	v15 =	vadd.f32 v55, v25;
	v20 =	vadd.f32 v20, v25  }
0x13b: {  	v61 =	vsub.f32 v14, v21;
	v14 =	vadd.f32 v14, v21;
	v56 =	vmul.f32 v28, v12  }
0x13c: {  	v19 =	vadd.f32 v59, v25;
	v57 =	vmul.f32 v29, v13;
	v62 =	vmul.f32 v15, v11  }
0x13d: {  	[tilespmem:s15+$0x1380] =	vst v27;
	v58 =	vadd.f32 v36, v35;
	v63 =	vmul.f32 v20, v12;
	v36 =	vmul.f32 v61, v13  }
0x13e: {  	[tilespmem:s15+$0x1280] =	vst v37;
	v37 =	vmul.f32 v14, v12;
	v38 =	vmul.f32 v19, v13  }
0x13f: {  	[tilespmem:s15+$0x1B00] =	vst v48;
	v39 =	vmul.f32 v20, v9;
	v40 =	vmul.f32 v61, v10  }
0x140: {  	[tilespmem:s15+$0x1300] =	vst v41;
	v23 =	vadd.f32 v53, v52;
	v41 =	vmul.f32 v20, v7;
	v42 =	vmul.f32 v61, v8  }
0x141: {  	[tilespmem:s15+$0x1B80] =	vst v18;
	v20 =	vmul.f32 v20, v2;
	v43 =	vmul.f32 v61, v4  }
0x142: {  	[tilespmem:s15+$0x1A80] =	vst v45;
	v27 =	vsub.f32 v54, v47;
	v44 =	vmul.f32 v23, v11;
	v45 =	vmul.f32 v14, v9  }
0x143: {  	v60 =	vld [tilespmem:s16+$0x900];
	v46 =	vmul.f32 v19, v10;
	v47 =	vmul.f32 v14, v7  }
0x144: {  	v48 =	vmul.f32 v19, v8;
	v49 =	vmul.f32 v27, v11;
	v18 =	vadd.f32 v57, v56  }
0x145: {  	v17 =	vadd.f32 v58, v17;
	v14 =	vmul.f32 v14, v2;
	v19 =	vmul.f32 v19, v4  }
0x146: {  	v50 =	vmul.f32 v28, v9;
	v21 =	vadd.f32 v36, v63;
	v18 =	vadd.f32 v18, v62  }
0x147: {  	v51 =	vmul.f32 v29, v10;
	v52 =	vmul.f32 v23, v5;
	v24 =	vadd.f32 v38, v37  }
0x148: {  	v53 =	vmul.f32 v23, v6;
	v21 =	vadd.f32 v21, v44;
	v18 =	vadd.f32 v18, v60  }
0x149: {  	v54 =	vmul.f32 v23, v3;
	v31 =	vadd.f32 v40, v39;
	v24 =	vadd.f32 v24, v49  }
0x14a: {  	v58 =	vmul.f32 v28, v2;
	v25 =	vadd.f32 v42, v41;
	v21 =	vadd.f32 v21, v22;
	[tilespmem:s16+$0x2400] =	vst v18  }
0x14b: {  	v59 =	vmul.f32 v27, v3;
	v20 =	vadd.f32 v43, v20;
	v16 =	vadd.f32 v24, v16;
	[tilespmem:s15+$0x2380] =	vst v17  }
0x14c: {  	v61 =	vmul.f32 v29, v4;
	v26 =	vadd.f32 v46, v45;
	v55 =	vadd.f32 v31, v52;
	[tilespmem:s16+$0x1400] =	vst v21  }
0x14d: {  	v30 =	vadd.f32 v48, v47;
	v56 =	vmul.f32 v27, v5;
	v22 =	vadd.f32 v25, v53;
	[tilespmem:s16+$0x1C00] =	vst v16  }
0x14e: {  	v14 =	vadd.f32 v19, v14;
	v57 =	vmul.f32 v27, v6;
	v19 =	vadd.f32 v20, v54;
	[tilespmem:s16+$0x1280] =	vst v55  }
0x14f: {  	v60 =	vadd.f32 v26, v56;
	v17 =	vmul.f32 v28, v7;
	v16 =	vmul.f32 v29, v8;
	[tilespmem:s16+$0x1300] =	vst v22  }
0x150: {  	v62 =	vmul.f32 v15, v5;
	v24 =	vadd.f32 v30, v57;
	v18 =	vadd.f32 v51, v50;
	[tilespmem:s16+$0x1380] =	vst v19  }
0x151: {  	v14 =	vadd.f32 v14, v59;
	[tilespmem:s16+$0x1A80] =	vst v60;
	v16 =	vadd.f32 v16, v17;
	v17 =	vmul.f32 v15, v6  }
0x152: {  	v63 =	vadd.f32 v61, v58;
	v18 =	vadd.f32 v18, v62;
	[tilespmem:s16+$0x1B00] =	vst v24;
	v15 =	vmul.f32 v15, v3  }
0x153: {  	p1 =	por $0x1, $0x1;
	[tilespmem:s16+$0x1B80] =	vst v14;
	v16 =	vadd.f32 v16, v17  }
.Ltmp1:
0x154: {  	[tilespmem:s16+$0x2280] =	vst v18;
	v14 =	vadd.f32 v63, v15;
	(pc) =	sbr.rel @!p1 .LBB2_4-.Ltmp1, $4  }
0x155: {  	[tilespmem:s16+$0x2300] =	vst v16  }
0x156: {  	s0 =	simm.s32 $0x0;
	[tilespmem:s16+$0x2380] =	vst v14  }
0x157: {  	v15 =	vld [tilespmem:s0+$0x900]  }
0x158: {  	p2 =	por $0x0, $0x0;
	p0 =	por $0x0, $0x0;
	v32 =	vld [tilespmem:s0+$0x980]  }
0x159: {  	_ = 	snop  }
0x15a: {  	v33 =	vld [tilespmem:s0+$0xA00];
	_ =	sdelay $0x2  }
0x15b: {  	v14 =	vmul.f32 v15, v15;
	v16 =	vmul.f32 v32, v32;
	_ =	sdelay $0x1  }
0x15c: {  	v14 =	vadd.f32 v16, v14;
	v16 =	vmul.f32 v33, v33;
	_ =	sdelay $0x1  }
0x15d: {  	v14 =	vadd.f32 v16, v14;
	_ =	sdelay $0x1  }
0x15e: {  	v16 =	vmul.f32 $1.605904440e-10, v14;
	v17 =	vmul.f32 $1.147074540e-11, v14;
	_ =	sdelay $0x1  }
0x15f: {  	v16 =	vadd.f32 $-2.505210790e-08, v16;
	v17 =	vadd.f32 $-2.087675590e-09, v17;
	_ =	sdelay $0x1  }
0x160: {  	v16 =	vmul.f32 v16, v14;
	v17 =	vmul.f32 v17, v14;
	_ =	sdelay $0x1  }
0x161: {  	v16 =	vadd.f32 $2.755731880e-06, v16;
	v17 =	vadd.f32 $2.755732000e-07, v17;
	_ =	sdelay $0x1  }
0x162: {  	v16 =	vmul.f32 v16, v14;
	v17 =	vmul.f32 v17, v14;
	_ =	sdelay $0x1  }
0x163: {  	v16 =	vadd.f32 $-1.984127010e-04, v16;
	v17 =	vadd.f32 $-2.480158760e-05, v17;
	_ =	sdelay $0x1  }
0x164: {  	v16 =	vmul.f32 v16, v14;
	v17 =	vmul.f32 v17, v14;
	_ =	sdelay $0x1  }
0x165: {  	v16 =	vadd.f32 $8.333333770e-03, v16;
	v17 =	vadd.f32 $1.388888920e-03, v17;
	_ =	sdelay $0x1  }
0x166: {  	v16 =	vmul.f32 v16, v14;
	v17 =	vmul.f32 v17, v14;
	_ =	sdelay $0x1  }
0x167: {  	v16 =	vadd.f32 $-1.666666720e-01, v16;
	v17 =	vadd.f32 $-4.166666790e-02, v17;
	_ =	sdelay $0x1  }
0x168: {  	v16 =	vmul.f32 v16, v14;
	v17 =	vmul.f32 v17, v14  }
0x169: {  	[tilespmem:s0+$0x2C00] =	vst v1  }
0x16a: {  	[tilespmem:s0+$0x2C80] =	vst v1;
	v27 =	vadd.f32 $1.000000000e+00, v16;
	v16 =	vadd.f32 $5.000000000e-01, v17  }
0x16b: {  	[tilespmem:s0+$0x2D00] =	vst v1;
	p3 =	por $0x1, $0x1  }
.Ltmp2:
0x16c: {  	[tilespmem:s0+$0x2D80] =	vst v0;
	s15 =	simm.s32 $0x10;
	v29 =	vmul.f32 v16, v33;
	v30 =	vmul.f32 v16, v15;
	(pc) =	sbr.rel @!p3 .LBB2_6-.Ltmp2, $4  }
0x16d: {  	v17 =	vmul.f32 v16, v32;
	v16 =	vmul.f32 v16, v14;
	v14 =	vld [tilespmem:s15+$0x980]  }
0x16e: {  	v22 =	vld [tilespmem:s0+$0xA80];
	v20 =	vmul.f32 v27, v15;
	v25 =	vmul.f32 v27, v32  }
0x16f: {  	v21 =	vld [tilespmem:s0+$0xB00];
	v26 =	vmul.f32 v30, v33;
	v24 =	vmul.f32 v17, v33  }
0x170: {  	p2 =	por $0x1, $0x1;
	v18 =	vld [tilespmem:s15+$0x900];
	v28 =	vsub.f32 $1.000000000e+00, v16;
	v34 =	vmul.f32 v30, v15;
	v31 =	vmul.f32 v17, v32  }
0x171: {  	v19 =	vmul.f32 v29, v33  }
0x172: {  	v23 =	vsub.f32 v26, v25;
	v29 =	vadd.f32 v24, v20;
	v30 =	vmul.f32 v30, v32  }
0x173: {  	v16 =	vld [tilespmem:s15+$0xA00];
	v27 =	vmul.f32 v27, v33;
	v25 =	vadd.f32 v26, v25;
	v20 =	vsub.f32 v24, v20  }
0x174: {  	v62 =	vadd.f32 v34, v28;
	v41 =	vmul.f32 v14, v14;
	v35 =	vmul.f32 v23, v12  }
0x175: {  	v63 =	vadd.f32 v19, v28;
	v36 =	vmul.f32 v29, v13;
	v52 =	vmul.f32 v25, v11  }
0x176: {  	v37 =	vsub.f32 v30, v27;
	v57 =	vmul.f32 v20, v11;
	v19 =	vmul.f32 v18, v18  }
0x177: {  	v27 =	vadd.f32 v30, v27;
	v58 =	vmul.f32 v23, v9;
	v59 =	vmul.f32 v29, v10  }
0x178: {  	v60 =	vmul.f32 v29, v8;
	v30 =	vmul.f32 v16, v16;
	v19 =	vadd.f32 v41, v19  }
0x179: {  	v28 =	vadd.f32 v31, v28;
	v29 =	vmul.f32 v29, v4;
	v61 =	vmul.f32 v25, v5  }
0x17a: {  	v31 =	vmul.f32 v62, v12;
	v26 =	vmul.f32 v62, v9;
	v39 =	vadd.f32 v30, v19  }
0x17b: {  	v48 =	vmul.f32 v62, v7;
	v32 =	vmul.f32 v62, v2  }
0x17c: {  	v46 =	vmul.f32 $1.605904440e-10, v39;
	v24 =	vmul.f32 $1.147074540e-11, v39  }
0x17d: {  	v42 =	vadd.f32 v36, v35;
	v43 =	vmul.f32 v63, v11;
	v44 =	vmul.f32 v37, v13  }
0x17e: {  	v45 =	vmul.f32 v28, v13;
	v35 =	vadd.f32 $-2.505210790e-08, v46;
	v24 =	vadd.f32 $-2.087675590e-09, v24  }
0x17f: {  	v47 =	vmul.f32 v37, v10;
	v40 =	vmul.f32 v37, v8  }
0x180: {  	v49 =	vmul.f32 v35, v39;
	v24 =	vmul.f32 v24, v39  }
0x181: {  	v51 =	vmul.f32 v37, v4;
	v53 =	vmul.f32 v27, v9;
	v37 =	vadd.f32 v59, v58  }
0x182: {  	v55 =	vmul.f32 v27, v7;
	v34 =	vadd.f32 $2.755731880e-06, v49;
	v24 =	vadd.f32 $2.755732000e-07, v24  }
0x183: {  	v56 =	vmul.f32 v28, v8;
	v31 =	vadd.f32 v44, v31;
	v26 =	vadd.f32 v47, v26  }
0x184: {  	[tilespmem:s15+$0x2C00] =	vst v1;
	v50 =	vadd.f32 v40, v48;
	v34 =	vmul.f32 v34, v39;
	v24 =	vmul.f32 v24, v39  }
0x185: {  	[tilespmem:s15+$0x2C80] =	vst v1;
	v54 =	vmul.f32 v28, v10;
	v32 =	vadd.f32 v51, v32;
	v36 =	vadd.f32 v56, v55  }
0x186: {  	v38 =	vld [tilespmem:s0+$0xB80];
	v28 =	vmul.f32 v28, v4;
	v34 =	vadd.f32 $-1.984127010e-04, v34;
	v24 =	vadd.f32 $-2.480158760e-05, v24  }
0x187: {  	v19 =	vadd.f32 v42, v43;
	v30 =	vmul.f32 v27, v12;
	v27 =	vmul.f32 v27, v2  }
0x188: {  	v31 =	vadd.f32 v31, v52;
	v34 =	vmul.f32 v34, v39;
	v24 =	vmul.f32 v24, v39  }
0x189: {  	v62 =	vmul.f32 v25, v6;
	v26 =	vadd.f32 v26, v61;
	v28 =	vadd.f32 v28, v27  }
0x18a: {  	v41 =	vmul.f32 v23, v7;
	v27 =	vadd.f32 $8.333333770e-03, v34;
	v24 =	vadd.f32 $1.388888920e-03, v24  }
0x18b: {  	[tilespmem:s15+$0x2D00] =	vst v1;
	v23 =	vmul.f32 v23, v2;
	v19 =	vadd.f32 v19, v38;
	v30 =	vadd.f32 v45, v30  }
0x18c: {  	v15 =	vld [tilespmem:s15+$0xA80];
	[tilespmem:s15+$0x2D80] =	vst v0;
	v38 =	vadd.f32 v54, v53;
	v27 =	vmul.f32 v27, v39;
	v24 =	vmul.f32 v24, v39  }
0x18d: {  	v17 =	vld [tilespmem:s15+$0xB00];
	v22 =	vadd.f32 v31, v22;
	v30 =	vadd.f32 v30, v57;
	[tilespmem:s0+$0x2580] =	vst v19;
	v19 =	vmul.f32 v25, v3  }
0x18e: {  	v25 =	vmul.f32 v20, v5;
	v27 =	vadd.f32 $-1.666666720e-01, v27;
	v24 =	vadd.f32 $-4.166666790e-02, v24  }
0x18f: {  	v31 =	vadd.f32 v50, v62;
	v21 =	vadd.f32 v30, v21;
	v30 =	vmul.f32 v20, v6  }
0x190: {  	[tilespmem:s0+$0x1580] =	vst v22;
	v25 =	vadd.f32 v38, v25;
	v22 =	vmul.f32 v27, v39;
	v24 =	vmul.f32 v24, v39  }
0x191: {  	[tilespmem:s0+$0x1D80] =	vst v21;
	v21 =	vmul.f32 v20, v3;
	v20 =	vadd.f32 v32, v19;
	v19 =	vadd.f32 v29, v23  }
0x192: {  	[tilespmem:s0+$0x1480] =	vst v31;
	v31 =	vmul.f32 v63, v6;
	v27 =	vadd.f32 $1.000000000e+00, v22;
	v24 =	vadd.f32 $5.000000000e-01, v24  }
0x193: {  	p4 =	por $0x1, $0x1;
	[tilespmem:s0+$0x1400] =	vst v26;
	v23 =	vmul.f32 v63, v3;
	v26 =	vadd.f32 v36, v30;
	v22 =	vmul.f32 v63, v5  }
.Ltmp3:
0x194: {  	[tilespmem:s0+$0x1500] =	vst v20;
	v34 =	vadd.f32 v60, v41;
	v29 =	vmul.f32 v24, v16;
	v20 =	vmul.f32 v27, v18;
	(pc) =	sbr.rel @!p4 .LBB2_8-.Ltmp3, $4  }
0x195: {  	v21 =	vadd.f32 v28, v21;
	v30 =	vmul.f32 v24, v18;
	v63 =	vmul.f32 v24, v14  }
0x196: {  	s16 =	simm.s32 $0x20;
	[tilespmem:s0+$0x1C00] =	vst v25;
	v38 =	vadd.f32 v34, v31;
	v28 =	vmul.f32 v24, v39;
	v25 =	vmul.f32 v27, v14  }
0x197: {  	v36 =	vld [tilespmem:s16+$0x900];
	[tilespmem:s0+$0x1C80] =	vst v26;
	v35 =	vadd.f32 v37, v22;
	v26 =	vmul.f32 v30, v16;
	v24 =	vmul.f32 v63, v16  }
0x198: {  	s23 =	simm.s32 $0xC0;
	p3 =	por $0x1, $0x1;
	s20 =	simm.s32 $0x0;
	v37 =	vld [tilespmem:s16+$0x980];
	[tilespmem:s0+$0x1D00] =	vst v21;
	v28 =	vsub.f32 $1.000000000e+00, v28;
	v34 =	vmul.f32 v30, v18;
	v31 =	vmul.f32 v63, v14  }
.LBB2_9:
0x199: {  	p4 =	sne.s32 s23, $0x1C0;
	v32 =	vld [tilespmem:s16+$0xA80];
	v18 =	vmul.f32 v29, v16;
	v29 =	vsub.f32 v26, v25;
	v33 =	vadd.f32 v24, v20;
	[tilespmem:s20+$0x2400] =	vst v35  }
0x19a: {  	v14 =	vmul.f32 v30, v14;
	v27 =	vmul.f32 v27, v16;
	v16 =	vld [tilespmem:s16+$0xA00];
	v30 =	vadd.f32 v34, v28;
	[tilespmem:s20+$0x2480] =	vst v38  }
0x19b: {  	v22 =	vld [tilespmem:s16+$0xB00];
	[tilespmem:s16+$0x2C00] =	vst v1;
	v21 =	vadd.f32 v18, v28;
	v18 =	vmul.f32 v29, v12;
	v34 =	vmul.f32 v33, v13  }
0x19c: {  	v39 =	vsub.f32 v14, v27;
	v27 =	vadd.f32 v14, v27;
	v35 =	vmul.f32 v36, v36;
	[tilespmem:s16+$0x2C80] =	vst v1;
	v38 =	vld [tilespmem:s15+$0xB80]  }
0x19d: {  	v43 =	vmul.f32 v37, v37;
	[tilespmem:s16+$0x2D00] =	vst v1;
	v42 =	vadd.f32 v34, v18;
	v34 =	vmul.f32 v21, v11  }
0x19e: {  	v28 =	vadd.f32 v31, v28;
	v31 =	vmul.f32 v30, v12;
	v40 =	vmul.f32 v39, v13;
	[tilespmem:s16+$0x2D80] =	vst v0  }
0x19f: {  	v35 =	vadd.f32 v43, v35;
	v41 =	vmul.f32 v16, v16;
	v34 =	vadd.f32 v42, v34;
	v18 =	vmovc v36  }
0x1a0: {  	v25 =	vadd.f32 v26, v25;
	v26 =	vmul.f32 v27, v12;
	v14 =	vmovc v37;
	v36 =	vmul.f32 v28, v13  }
0x1a1: {  	v37 =	vmul.f32 v30, v9;
	v35 =	vadd.f32 v41, v35;
	v34 =	vadd.f32 v34, v38  }
0x1a2: {  	v20 =	vsub.f32 v24, v20;
	v24 =	vmul.f32 v39, v10;
	v31 =	vadd.f32 v40, v31  }
0x1a3: {  	v26 =	vadd.f32 v36, v26;
	v38 =	vmul.f32 $1.605904440e-10, v35;
	v40 =	vmul.f32 $1.147074540e-11, v35;
	[tilespmem:s15+$0x2580] =	vst v34  }
0x1a4: {  	v24 =	vadd.f32 v24, v37;
	v36 =	vmul.f32 v39, v8;
	v34 =	vmul.f32 v30, v7  }
0x1a5: {  	v30 =	vmul.f32 v30, v2;
	v37 =	vadd.f32 $-2.505210790e-08, v38;
	v38 =	vadd.f32 $-2.087675590e-09, v40  }
0x1a6: {  	v34 =	vadd.f32 v36, v34;
	v36 =	vmul.f32 v39, v4;
	v39 =	vmul.f32 v25, v11  }
0x1a7: {  	v19 =	vadd.f32 v19, v23;
	v37 =	vmul.f32 v37, v35;
	v38 =	vmul.f32 v38, v35  }
0x1a8: {  	v23 =	vadd.f32 v31, v39;
	v31 =	vmul.f32 v27, v9;
	v39 =	vmul.f32 v28, v10  }
0x1a9: {  	v40 =	vmul.f32 v27, v7;
	v37 =	vadd.f32 $2.755731880e-06, v37;
	v38 =	vadd.f32 $2.755732000e-07, v38;
	[tilespmem:s20+$0x2500] =	vst v19;
	s20 =	smov.u32 s15;
	s15 =	smov.u32 s16  }
0x1aa: {  	v30 =	vadd.f32 v36, v30;
	v27 =	vmul.f32 v27, v2;
	v19 =	vmul.f32 v28, v8  }
0x1ab: {  	v31 =	vadd.f32 v39, v31;
	v36 =	vmul.f32 v37, v35;
	v37 =	vmul.f32 v38, v35  }
0x1ac: {  	v38 =	vadd.f32 v19, v40;
	v19 =	vmul.f32 v28, v4;
	v28 =	vmul.f32 v20, v11  }
0x1ad: {  	v39 =	vmul.f32 v29, v9;
	v36 =	vadd.f32 $-1.984127010e-04, v36;
	v37 =	vadd.f32 $-2.480158760e-05, v37  }
0x1ae: {  	v40 =	vmul.f32 v29, v7;
	v26 =	vadd.f32 v26, v28;
	v28 =	vmul.f32 v33, v10  }
0x1af: {  	v41 =	vadd.f32 v19, v27;
	v36 =	vmul.f32 v36, v35;
	v37 =	vmul.f32 v37, v35  }
0x1b0: {  	v19 =	vmul.f32 v33, v8;
	v27 =	vmul.f32 v29, v2;
	v28 =	vadd.f32 v28, v39  }
0x1b1: {  	v33 =	vmul.f32 v33, v4;
	v29 =	vadd.f32 $8.333333770e-03, v36;
	v36 =	vadd.f32 $1.388888920e-03, v37  }
0x1b2: {  	v39 =	vmul.f32 v25, v6;
	v40 =	vadd.f32 v19, v40;
	v37 =	vmul.f32 v25, v5  }
0x1b3: {  	v19 =	vadd.f32 v33, v27;
	v29 =	vmul.f32 v29, v35;
	v36 =	vmul.f32 v36, v35  }
0x1b4: {  	v23 =	vadd.f32 v23, v15;
	v15 =	vmovc v32;
	v33 =	vmul.f32 v20, v5;
	v25 =	vmul.f32 v25, v3  }
0x1b5: {  	v32 =	vmul.f32 v20, v6;
	v27 =	vadd.f32 $-1.666666720e-01, v29;
	v29 =	vadd.f32 $-4.166666790e-02, v36  }
0x1b6: {  	v36 =	vmul.f32 v20, v3;
	v20 =	vadd.f32 v26, v17;
	v26 =	vmul.f32 v21, v5;
	[tilespmem:s20+$0x1580] =	vst v23  }
0x1b7: {  	v24 =	vadd.f32 v24, v37;
	v17 =	vmovc v22;
	v27 =	vmul.f32 v27, v35;
	v29 =	vmul.f32 v29, v35  }
0x1b8: {  	v22 =	vadd.f32 v34, v39;
	v34 =	vmul.f32 v21, v6;
	v23 =	vmul.f32 v21, v3;
	[tilespmem:s20+$0x1D80] =	vst v20  }
0x1b9: {  	v27 =	vadd.f32 $1.000000000e+00, v27;
	v21 =	vadd.f32 $5.000000000e-01, v29;
	[tilespmem:s20+$0x1400] =	vst v24  }
0x1ba: {  	v24 =	vadd.f32 v31, v33;
	[tilespmem:s20+$0x1480] =	vst v22;
	v22 =	vadd.f32 v30, v25  }
.Ltmp4:
0x1bb: {  	v31 =	vadd.f32 v38, v32;
	v29 =	vmul.f32 v21, v16;
	v20 =	vmul.f32 v27, v18;
	(pc) =	sbr.rel @p4 .LBB2_9-.Ltmp4, $4  }
0x1bc: {  	v30 =	vmul.f32 v21, v18;
	v32 =	vmul.f32 v21, v14;
	[tilespmem:s20+$0x1500] =	vst v22;
	v22 =	vadd.f32 v41, v36  }
0x1bd: {  	s16 =	sshra.s32 s23, $0x2;
	v21 =	vmul.f32 v21, v35;
	v25 =	vmul.f32 v27, v14;
	v35 =	vadd.f32 v28, v26;
	[tilespmem:s20+$0x1C00] =	vst v24  }
0x1be: {  	v38 =	vadd.f32 v40, v34;
	v26 =	vmul.f32 v30, v16;
	v24 =	vmul.f32 v32, v16;
	v36 =	vld [tilespmem:s16+$0x900];
	[tilespmem:s20+$0x1C80] =	vst v31  }
0x1bf: {  	s23 =	sadd.s32 $0x40, s23;
	v28 =	vsub.f32 $1.000000000e+00, v21;
	v34 =	vmul.f32 v30, v18;
	v31 =	vmul.f32 v32, v14;
	v37 =	vld [tilespmem:s16+$0x980];
	[tilespmem:s20+$0x1D00] =	vst v22  }
0x1c0: {  	_ =	sdelay $0x2  }
0x1c1: {  	v32 =	vmov v14  }
0x1c2: {  	v33 =	vmovc v16;
	v22 =	vmovc v15;
	v21 =	vmov v17;
	v18 =	vmov v36;
	v14 =	vmov v37  }
.LBB2_11:
0x1c3: {  	v15 =	vld [tilespmem:s16+$0xA80];
	[tilespmem:s20+$0x2400] =	vst @p3 v35;
	v35 =	vsub.f32 @p2 v26, v25;
	v29 =	vmul.f32 @p2 v29, v33  }
0x1c4: {  	v36 =	vadd.f32 @p2 v24, v20;
	v30 =	vmul.f32 @p2 v30, v32;
	v27 =	vmul.f32 @p2 v27, v33;
	v17 =	vld [tilespmem:s16+$0xA00]  }
0x1c5: {  	v32 =	vadd.f32 @p2 v34, v28;
	v37 =	vmul.f32 v18, v18;
	v48 =	vmul.f32 v14, v14  }
0x1c6: {  	v25 =	vadd.f32 @p2 v26, v25;
	v19 =	vadd.f32 @p3 v19, v23;
	[tilespmem:s20+$0x2480] =	vst @p3 v38;
	v33 =	vmul.f32 @p2 v35, v12  }
0x1c7: {  	[tilespmem:s16+$0x2C00] =	vst v1;
	v29 =	vadd.f32 @p2 v29, v28;
	v34 =	vmul.f32 @p2 v36, v13;
	v39 =	vsub.f32 @p2 v30, v27  }
0x1c8: {  	[tilespmem:s16+$0x2C80] =	vst v1;
	v27 =	vadd.f32 @p2 v30, v27;
	v28 =	vadd.f32 @p2 v31, v28;
	v31 =	vmul.f32 @p2 v32, v12  }
0x1c9: {  	v30 =	vadd.f32 v48, v37;
	v37 =	vmul.f32 @p2 v32, v9;
	v38 =	vld @p2 [tilespmem:s15+$0xB80];
	v49 =	vmul.f32 v17, v17  }
0x1ca: {  	v33 =	vadd.f32 @p2 v34, v33;
	v34 =	vmul.f32 @p2 v29, v11;
	v40 =	vmul.f32 @p2 v39, v13  }
0x1cb: {  	v26 =	vmul.f32 @p2 v27, v12;
	v23 =	vmul.f32 @p2 v27, v9;
	v30 =	vadd.f32 v49, v30  }
0x1cc: {  	v42 =	vmul.f32 @p2 v28, v8;
	v33 =	vadd.f32 @p2 v33, v34;
	v34 =	vmul.f32 @p2 v28, v13  }
0x1cd: {  	v20 =	vsub.f32 @p2 v24, v20;
	v50 =	vmul.f32 $1.605904440e-10, v30;
	v41 =	vmul.f32 $1.147074540e-11, v30  }
0x1ce: {  	v31 =	vadd.f32 @p2 v40, v31;
	v40 =	vmul.f32 @p2 v39, v8;
	v33 =	vadd.f32 @p2 v33, v38  }
0x1cf: {  	v38 =	vmul.f32 @p2 v39, v10;
	v24 =	vadd.f32 $-2.505210790e-08, v50;
	v41 =	vadd.f32 $-2.087675590e-09, v41  }
0x1d0: {  	v26 =	vadd.f32 @p2 v34, v26;
	v34 =	vmul.f32 @p2 v32, v7;
	v32 =	vmul.f32 @p2 v32, v2  }
0x1d1: {  	[tilespmem:s16+$0x2D00] =	vst v1;
	v24 =	vmul.f32 v24, v30;
	v51 =	vmul.f32 v41, v30  }
0x1d2: {  	[tilespmem:s16+$0x2D80] =	vst v0;
	v37 =	vadd.f32 @p2 v38, v37;
	v34 =	vadd.f32 @p2 v40, v34;
	v40 =	vmul.f32 @p2 v25, v11  }
0x1d3: {  	v16 =	vld [tilespmem:s16+$0xB00];
	v38 =	vmul.f32 @p2 v39, v4;
	[tilespmem:s15+$0x2580] =	vst @p2 v33;
	v24 =	vadd.f32 $2.755731880e-06, v24;
	v39 =	vadd.f32 $2.755732000e-07, v51  }
0x1d4: {  	[tilespmem:s20+$0x2500] =	vst @p3 v19;
	v19 =	vmul.f32 @p2 v29, v5;
	v31 =	vadd.f32 @p2 v31, v40;
	v40 =	vmul.f32 @p2 v27, v7  }
0x1d5: {  	v32 =	vadd.f32 @p2 v38, v32;
	v24 =	vmul.f32 v24, v30;
	v52 =	vmul.f32 v39, v30  }
0x1d6: {  	v27 =	vmul.f32 @p2 v27, v2;
	v41 =	vmul.f32 @p2 v28, v10;
	v40 =	vadd.f32 @p2 v42, v40  }
0x1d7: {  	v28 =	vmul.f32 @p2 v28, v4;
	v24 =	vadd.f32 $-1.984127010e-04, v24;
	v38 =	vadd.f32 $-2.480158760e-05, v52  }
0x1d8: {  	v42 =	vmul.f32 @p2 v36, v10;
	v22 =	vadd.f32 @p2 v31, v22;
	v31 =	vmul.f32 @p2 v20, v6  }
0x1d9: {  	v23 =	vadd.f32 @p2 v41, v23;
	v24 =	vmul.f32 v24, v30;
	v38 =	vmul.f32 v38, v30  }
0x1da: {  	v41 =	vmul.f32 @p2 v35, v9;
	v27 =	vadd.f32 @p2 v28, v27;
	v28 =	vmul.f32 @p2 v36, v8  }
0x1db: {  	v36 =	vmul.f32 @p2 v36, v4;
	v24 =	vadd.f32 $8.333333770e-03, v24;
	v38 =	vadd.f32 $1.388888920e-03, v38  }
0x1dc: {  	[tilespmem:s15+$0x1580] =	vst @p2 v22;
	v22 =	vmul.f32 @p2 v29, v6;
	v31 =	vadd.f32 @p2 v40, v31;
	v39 =	vmul.f32 @p2 v20, v11  }
0x1dd: {  	v41 =	vadd.f32 @p2 v42, v41;
	v24 =	vmul.f32 v24, v30;
	v38 =	vmul.f32 v38, v30  }
0x1de: {  	v42 =	vmul.f32 @p2 v25, v5;
	v26 =	vadd.f32 @p2 v26, v39;
	v39 =	vmul.f32 @p2 v35, v7  }
0x1df: {  	v35 =	vmul.f32 @p2 v35, v2;
	v24 =	vadd.f32 $-1.666666720e-01, v24;
	v38 =	vadd.f32 $-4.166666790e-02, v38  }
0x1e0: {  	v33 =	vadd.f32 @p2 v37, v42;
	v28 =	vadd.f32 @p2 v28, v39;
	v39 =	vmul.f32 @p2 v25, v6  }
0x1e1: {  	v19 =	vadd.f32 @p2 v41, v19;
	v24 =	vmul.f32 v24, v30;
	v53 =	vmul.f32 v38, v30  }
0x1e2: {  	v35 =	vadd.f32 @p2 v36, v35;
	v25 =	vmul.f32 @p2 v25, v3;
	v21 =	vadd.f32 @p2 v26, v21  }
0x1e3: {  	[tilespmem:s15+$0x1C80] =	vst @p2 v31;
	v36 =	vmul.f32 @p2 v20, v5;
	v24 =	vadd.f32 $1.000000000e+00, v24;
	v26 =	vadd.f32 $5.000000000e-01, v53  }
0x1e4: {  	v20 =	vmul.f32 @p2 v20, v3;
	[tilespmem:s15+$0x1400] =	vst @p2 v33;
	v19 =	vpsel p2, v19, v0;
	v34 =	vadd.f32 @p2 v34, v39  }
0x1e5: {  	[tilespmem:s15+$0x1D80] =	vst @p2 v21;
	v25 =	vadd.f32 @p2 v32, v25;
	v54 =	vmul.f32 v26, v17;
	v55 =	vmul.f32 v24, v18  }
0x1e6: {  	v23 =	vadd.f32 @p2 v23, v36;
	[tilespmem:s15+$0x1480] =	vst @p2 v34;
	v56 =	vmul.f32 v26, v18;
	v57 =	vmul.f32 v26, v14  }
0x1e7: {  	v20 =	vadd.f32 @p2 v27, v20;
	[tilespmem:s15+$0x1500] =	vst @p2 v25;
	v58 =	vmul.f32 v26, v30;
	v59 =	vmul.f32 v24, v14  }
0x1e8: {  	v22 =	vadd.f32 @p2 v28, v22;
	[tilespmem:s15+$0x1C00] =	vst @p2 v23;
	v60 =	vmul.f32 v56, v17;
	v61 =	vmul.f32 v57, v17  }
0x1e9: {  	[tilespmem:s15+$0x1D00] =	vst @p2 v20;
	s15 =	smov.u32 @p2 s15;
	v25 =	vsub.f32 $1.000000000e+00, v58;
	v18 =	vmul.f32 v56, v18;
	v20 =	vmul.f32 v54, v17  }
0x1ea: {  	[tilespmem:s15+$0x2400] =	vst @p2 v19;
	v19 =	vmul.f32 v56, v14;
	v17 =	vmul.f32 v24, v17;
	v62 =	vsub.f32 v60, v59  }
0x1eb: {  	v21 =	vmul.f32 @p2 v29, v3;
	v63 =	vadd.f32 v61, v55;
	v20 =	vadd.f32 v20, v25  }
0x1ec: {  	v14 =	vmul.f32 v57, v14;
	v18 =	vadd.f32 v18, v25;
	v39 =	vsub.f32 v19, v17  }
0x1ed: {  	v17 =	vadd.f32 v19, v17;
	v36 =	vmul.f32 v62, v12;
	v37 =	vmul.f32 v63, v13  }
0x1ee: {  	v14 =	vadd.f32 v14, v25;
	v40 =	vmul.f32 v20, v11;
	v19 =	vmul.f32 v18, v12  }
0x1ef: {  	v33 =	vpsel p2, v35, v0;
	v41 =	vmul.f32 v39, v13;
	v42 =	vmul.f32 v17, v12  }
0x1f0: {  	v22 =	vpsel p2, v22, v0;
	v43 =	vmul.f32 v14, v13;
	v44 =	vmul.f32 v18, v9  }
0x1f1: {  	v23 =	vadd.f32 v60, v59;
	v45 =	vmul.f32 v39, v10;
	v46 =	vmul.f32 v18, v7  }
0x1f2: {  	v21 =	vpsel p2, v21, v0;
	v47 =	vmul.f32 v39, v8;
	v18 =	vmul.f32 v18, v2  }
0x1f3: {  	[tilespmem:s15+$0x2480] =	vst @p2 v22;
	v21 =	vadd.f32 @p2 v33, v21;
	v31 =	vmul.f32 v39, v4;
	v48 =	vmul.f32 v23, v11  }
0x1f4: {  	v38 =	vld [tilespmem:s16+$0xB80];
	v27 =	vsub.f32 v61, v55;
	v49 =	vmul.f32 v17, v9;
	v50 =	vmul.f32 v14, v10  }
0x1f5: {  	v51 =	vmul.f32 v17, v7;
	v52 =	vmul.f32 v14, v8;
	v22 =	vadd.f32 v37, v36  }
0x1f6: {  	v53 =	vmul.f32 v27, v11;
	v17 =	vmul.f32 v17, v2;
	v19 =	vadd.f32 v41, v19  }
0x1f7: {  	v14 =	vmul.f32 v14, v4;
	v24 =	vadd.f32 v43, v42;
	v22 =	vadd.f32 v22, v40  }
0x1f8: {  	v55 =	vmul.f32 v62, v9;
	v30 =	vadd.f32 v45, v44;
	v25 =	vadd.f32 v47, v46  }
0x1f9: {  	v56 =	vmul.f32 v63, v10;
	v19 =	vadd.f32 v19, v48;
	v22 =	vadd.f32 v22, v38  }
0x1fa: {  	v57 =	vmul.f32 v23, v5;
	v18 =	vadd.f32 v31, v18;
	v24 =	vadd.f32 v24, v53  }
0x1fb: {  	v59 =	vmul.f32 v27, v5;
	v26 =	vadd.f32 v50, v49;
	v15 =	vadd.f32 v19, v15;
	[tilespmem:s16+$0x2580] =	vst v22  }
0x1fc: {  	v58 =	vmul.f32 v23, v6;
	v54 =	vadd.f32 v52, v51;
	v16 =	vadd.f32 v24, v16;
	[tilespmem:s15+$0x2500] =	vst @p2 v21  }
0x1fd: {  	v60 =	vmul.f32 v27, v6;
	v14 =	vadd.f32 v14, v17;
	v61 =	vadd.f32 v26, v59;
	[tilespmem:s16+$0x1580] =	vst v15  }
0x1fe: {  	v17 =	vmul.f32 v23, v3;
	v19 =	vmul.f32 v62, v7;
	v15 =	vadd.f32 v30, v57;
	[tilespmem:s16+$0x1D80] =	vst v16  }
0x1ff: {  	v24 =	vadd.f32 v54, v60;
	v22 =	vadd.f32 v56, v55;
	v16 =	vmul.f32 v63, v8;
	[tilespmem:s16+$0x1C00] =	vst v61  }
0x200: {  	[tilespmem:s16+$0x1400] =	vst v15;
	v15 =	vadd.f32 v18, v17;
	v17 =	vmul.f32 v62, v2;
	v18 =	vmul.f32 v27, v3  }
0x201: {  	v21 =	vadd.f32 v25, v58;
	[tilespmem:s16+$0x1C80] =	vst v24;
	v62 =	vmul.f32 v63, v4;
	v63 =	vmul.f32 v20, v5  }
0x202: {  	[tilespmem:s16+$0x1500] =	vst v15;
	v15 =	vadd.f32 v16, v19;
	v16 =	vmul.f32 v20, v6;
	v14 =	vadd.f32 v14, v18  }
0x203: {  	[tilespmem:s16+$0x1480] =	vst v21;
	v17 =	vadd.f32 v62, v17;
	v18 =	vmul.f32 v20, v3;
	v19 =	vadd.f32 v22, v63  }
0x204: {  	v15 =	vadd.f32 v15, v16;
	[tilespmem:s16+$0x1D00] =	vst v14  }
.Ltmp5:
0x205: {  	[tilespmem:s16+$0x2400] =	vst v19;
	v14 =	vadd.f32 v17, v18;
	(pc) =	sbr.rel @!p1 .LBB2_12-.Ltmp5, $4  }
0x206: {  	[tilespmem:s16+$0x2480] =	vst v15  }
0x207: {  	[tilespmem:s16+$0x2500] =	vst v14  }
0x208: {  	v19 =	vld [tilespmem:s0+$0xC00]  }
0x209: {  	v17 =	vld [tilespmem:s0+$0xC80]  }
0x20a: {  	_ = 	snop  }
0x20b: {  	v34 =	vld [tilespmem:s0+$0xD00];
	_ =	sdelay $0x2  }
0x20c: {  	v14 =	vmul.f32 v19, v19;
	v15 =	vmul.f32 v17, v17;
	_ =	sdelay $0x1  }
0x20d: {  	v14 =	vadd.f32 v15, v14;
	v15 =	vmul.f32 v34, v34;
	_ =	sdelay $0x1  }
0x20e: {  	v14 =	vadd.f32 v15, v14;
	_ =	sdelay $0x1  }
0x20f: {  	v15 =	vmul.f32 $1.605904440e-10, v14;
	v16 =	vmul.f32 $1.147074540e-11, v14;
	_ =	sdelay $0x1  }
0x210: {  	v15 =	vadd.f32 $-2.505210790e-08, v15;
	v16 =	vadd.f32 $-2.087675590e-09, v16;
	_ =	sdelay $0x1  }
0x211: {  	v15 =	vmul.f32 v15, v14;
	v16 =	vmul.f32 v16, v14;
	_ =	sdelay $0x1  }
0x212: {  	v15 =	vadd.f32 $2.755731880e-06, v15;
	v16 =	vadd.f32 $2.755732000e-07, v16;
	_ =	sdelay $0x1  }
0x213: {  	v15 =	vmul.f32 v15, v14;
	v16 =	vmul.f32 v16, v14;
	_ =	sdelay $0x1  }
0x214: {  	v15 =	vadd.f32 $-1.984127010e-04, v15;
	v16 =	vadd.f32 $-2.480158760e-05, v16;
	_ =	sdelay $0x1  }
0x215: {  	v15 =	vmul.f32 v15, v14;
	v16 =	vmul.f32 v16, v14;
	_ =	sdelay $0x1  }
0x216: {  	v15 =	vadd.f32 $8.333333770e-03, v15;
	v16 =	vadd.f32 $1.388888920e-03, v16;
	_ =	sdelay $0x1  }
0x217: {  	v15 =	vmul.f32 v15, v14;
	v16 =	vmul.f32 v16, v14;
	_ =	sdelay $0x1  }
0x218: {  	v15 =	vadd.f32 $-1.666666720e-01, v15;
	v16 =	vadd.f32 $-4.166666790e-02, v16;
	_ =	sdelay $0x1  }
0x219: {  	v15 =	vmul.f32 v15, v14;
	v16 =	vmul.f32 v16, v14  }
0x21a: {  	[tilespmem:s0+$0x2E00] =	vst v1  }
0x21b: {  	[tilespmem:s0+$0x2E80] =	vst v1;
	v28 =	vadd.f32 $1.000000000e+00, v15;
	v15 =	vadd.f32 $5.000000000e-01, v16  }
0x21c: {  	[tilespmem:s0+$0x2F00] =	vst v1;
	p2 =	por $0x1, $0x1  }
.Ltmp6:
0x21d: {  	[tilespmem:s0+$0x2F80] =	vst v0;
	s16 =	simm.s32 $0x10;
	v31 =	vmul.f32 v15, v34;
	v21 =	vmul.f32 v28, v19;
	(pc) =	sbr.rel @!p2 .LBB2_14-.Ltmp6, $4  }
0x21e: {  	v18 =	vld [tilespmem:s16+$0xC80];
	v33 =	vmul.f32 v15, v19;
	v16 =	vmul.f32 v15, v17  }
0x21f: {  	v23 =	vld [tilespmem:s0+$0xD80];
	v14 =	vmul.f32 v15, v14;
	v26 =	vmul.f32 v28, v17  }
0x220: {  	v22 =	vld [tilespmem:s0+$0xE00];
	v27 =	vmul.f32 v33, v34;
	v25 =	vmul.f32 v16, v34  }
0x221: {  	p1 =	por $0x1, $0x1;
	v29 =	vld [tilespmem:s16+$0xC00];
	v30 =	vsub.f32 $1.000000000e+00, v14;
	v35 =	vmul.f32 v33, v19;
	v32 =	vmul.f32 v16, v17  }
0x222: {  	v19 =	vmul.f32 v31, v34;
	v20 =	vsub.f32 v27, v26;
	v24 =	vadd.f32 v25, v21  }
0x223: {  	v15 =	vld [tilespmem:s16+$0xD00];
	v17 =	vmul.f32 v33, v17;
	v28 =	vmul.f32 v28, v34;
	v26 =	vadd.f32 v27, v26  }
0x224: {  	v31 =	vadd.f32 v35, v30;
	v55 =	vmul.f32 v18, v18;
	v56 =	vmul.f32 v20, v12  }
0x225: {  	v19 =	vadd.f32 v19, v30;
	v36 =	vmul.f32 v24, v13;
	v49 =	vmul.f32 v26, v11  }
0x226: {  	v37 =	vsub.f32 v17, v28;
	v41 =	vmul.f32 v20, v7;
	v54 =	vmul.f32 v29, v29  }
0x227: {  	v17 =	vadd.f32 v17, v28;
	v60 =	vmul.f32 v31, v12;
	v27 =	vmul.f32 v31, v9  }
0x228: {  	v45 =	vmul.f32 v31, v7;
	v57 =	vmul.f32 v15, v15;
	v28 =	vadd.f32 v55, v54  }
0x229: {  	v30 =	vadd.f32 v32, v30;
	v31 =	vmul.f32 v31, v2;
	v59 =	vmul.f32 v19, v11  }
0x22a: {  	v61 =	vmul.f32 v37, v13;
	v62 =	vmul.f32 v17, v12;
	v39 =	vadd.f32 v57, v28  }
0x22b: {  	v63 =	vmul.f32 v30, v13;
	v44 =	vmul.f32 v37, v10  }
0x22c: {  	v21 =	vsub.f32 v25, v21;
	v43 =	vmul.f32 $1.605904440e-10, v39;
	v25 =	vmul.f32 $1.147074540e-11, v39  }
0x22d: {  	v40 =	vmul.f32 v37, v8;
	v48 =	vmul.f32 v37, v4  }
0x22e: {  	v50 =	vmul.f32 v17, v9;
	v35 =	vadd.f32 $-2.505210790e-08, v43;
	v25 =	vadd.f32 $-2.087675590e-09, v25  }
0x22f: {  	v51 =	vmul.f32 v30, v10;
	v52 =	vmul.f32 v17, v7  }
0x230: {  	v58 =	vadd.f32 v36, v56;
	v46 =	vmul.f32 v35, v39;
	v25 =	vmul.f32 v25, v39  }
0x231: {  	v53 =	vmul.f32 v30, v8;
	v17 =	vmul.f32 v17, v2;
	v32 =	vadd.f32 v61, v60  }
0x232: {  	v30 =	vmul.f32 v30, v4;
	v34 =	vadd.f32 $2.755731880e-06, v46;
	v25 =	vadd.f32 $2.755732000e-07, v25  }
0x233: {  	v56 =	vmul.f32 v24, v10;
	v33 =	vadd.f32 v63, v62;
	v27 =	vadd.f32 v44, v27  }
0x234: {  	[tilespmem:s16+$0x2E00] =	vst v1;
	v47 =	vadd.f32 v40, v45;
	v34 =	vmul.f32 v34, v39;
	v25 =	vmul.f32 v25, v39  }
0x235: {  	[tilespmem:s16+$0x2E80] =	vst v1;
	v31 =	vadd.f32 v48, v31;
	v54 =	vmul.f32 v21, v11;
	v36 =	vadd.f32 v53, v52  }
0x236: {  	v38 =	vld [tilespmem:s0+$0xE80];
	v55 =	vmul.f32 v20, v9;
	v34 =	vadd.f32 $-1.984127010e-04, v34;
	v25 =	vadd.f32 $-2.480158760e-05, v25  }
0x237: {  	v17 =	vadd.f32 v30, v17;
	v20 =	vmul.f32 v20, v2;
	v60 =	vmul.f32 v21, v5  }
0x238: {  	v28 =	vadd.f32 v58, v59;
	v34 =	vmul.f32 v34, v39;
	v25 =	vmul.f32 v25, v39  }
0x239: {  	v62 =	vmul.f32 v19, v6;
	v32 =	vadd.f32 v32, v49;
	v33 =	vadd.f32 v33, v54  }
0x23a: {  	v57 =	vmul.f32 v24, v8;
	v30 =	vadd.f32 $8.333333770e-03, v34;
	v25 =	vadd.f32 $1.388888920e-03, v25  }
0x23b: {  	v37 =	vadd.f32 v56, v55;
	v58 =	vmul.f32 v26, v5;
	v28 =	vadd.f32 v28, v38  }
0x23c: {  	v38 =	vadd.f32 v51, v50;
	v30 =	vmul.f32 v30, v39;
	v25 =	vmul.f32 v25, v39  }
0x23d: {  	v59 =	vmul.f32 v26, v6;
	v23 =	vadd.f32 v32, v23;
	v22 =	vadd.f32 v33, v22  }
0x23e: {  	[tilespmem:s16+$0x2F00] =	vst v1;
	v24 =	vmul.f32 v24, v4;
	v30 =	vadd.f32 $-1.666666720e-01, v30;
	v25 =	vadd.f32 $-4.166666790e-02, v25  }
0x23f: {  	v14 =	vld [tilespmem:s16+$0xD80];
	[tilespmem:s16+$0x2F80] =	vst v0;
	v26 =	vmul.f32 v26, v3;
	v27 =	vadd.f32 v27, v58;
	v61 =	vadd.f32 v47, v59  }
0x240: {  	v16 =	vld [tilespmem:s16+$0xE00];
	v20 =	vadd.f32 v24, v20;
	[tilespmem:s0+$0x1780] =	vst v23;
	v23 =	vmul.f32 v30, v39;
	v25 =	vmul.f32 v25, v39  }
0x241: {  	[tilespmem:s0+$0x1F80] =	vst v22;
	v22 =	vmul.f32 v21, v3;
	v30 =	vmul.f32 v21, v6;
	v21 =	vadd.f32 v31, v26  }
0x242: {  	v24 =	vmul.f32 v19, v3;
	[tilespmem:s0+$0x2780] =	vst v28;
	v28 =	vadd.f32 $1.000000000e+00, v23;
	v25 =	vadd.f32 $5.000000000e-01, v25  }
0x243: {  	p2 =	por $0x1, $0x1;
	[tilespmem:s0+$0x1600] =	vst v27;
	v22 =	vadd.f32 v17, v22;
	v34 =	vadd.f32 v57, v41;
	v23 =	vmul.f32 v19, v5  }
.Ltmp7:
0x244: {  	v26 =	vadd.f32 v38, v60;
	[tilespmem:s0+$0x1700] =	vst v21;
	v31 =	vmul.f32 v25, v15;
	v21 =	vmul.f32 v28, v29;
	(pc) =	sbr.rel @!p2 .LBB2_16-.Ltmp7, $4  }
0x245: {  	[tilespmem:s0+$0x1680] =	vst v61;
	v27 =	vadd.f32 v36, v30;
	v33 =	vmul.f32 v25, v29;
	v63 =	vmul.f32 v25, v18  }
0x246: {  	s15 =	simm.s32 $0x20;
	[tilespmem:s0+$0x1E00] =	vst v26;
	v30 =	vmul.f32 v25, v39;
	v26 =	vmul.f32 v28, v18;
	v36 =	vadd.f32 v37, v23  }
0x247: {  	v19 =	vld [tilespmem:s15+$0xC00];
	[tilespmem:s0+$0x1E80] =	vst v27;
	v37 =	vadd.f32 v34, v62;
	v27 =	vmul.f32 v33, v15;
	v25 =	vmul.f32 v63, v15  }
0x248: {  	s20 =	simm.s32 $0xC0;
	p0 =	por $0x1, $0x1;
	v17 =	vld [tilespmem:s15+$0xC80];
	[tilespmem:s0+$0x1F00] =	vst v22;
	v30 =	vsub.f32 $1.000000000e+00, v30;
	v35 =	vmul.f32 v33, v29;
	v32 =	vmul.f32 v63, v18  }
.LBB2_17:
0x249: {  	p2 =	sne.s32 s20, $0x1C0;
	v29 =	vld [tilespmem:s15+$0xD80];
	v22 =	vmul.f32 v31, v15;
	v31 =	vsub.f32 v27, v26;
	v34 =	vadd.f32 v25, v21;
	[tilespmem:s0+$0x2600] =	vst v36  }
0x24a: {  	v18 =	vmul.f32 v33, v18;
	v33 =	vmul.f32 v28, v15;
	v15 =	vld [tilespmem:s15+$0xD00];
	v35 =	vadd.f32 v35, v30;
	[tilespmem:s0+$0x2680] =	vst v37  }
0x24b: {  	v28 =	vld [tilespmem:s15+$0xE00];
	[tilespmem:s15+$0x2E00] =	vst v1;
	v23 =	vadd.f32 v22, v30;
	v22 =	vmul.f32 v31, v12;
	v36 =	vmul.f32 v34, v13  }
0x24c: {  	v39 =	vsub.f32 v18, v33;
	v33 =	vadd.f32 v18, v33;
	v37 =	vmul.f32 v19, v19;
	[tilespmem:s15+$0x2E80] =	vst v1;
	v38 =	vld [tilespmem:s16+$0xE80]  }
0x24d: {  	v43 =	vmul.f32 v17, v17;
	[tilespmem:s15+$0x2F00] =	vst v1;
	v42 =	vadd.f32 v36, v22;
	v36 =	vmul.f32 v23, v11  }
0x24e: {  	v30 =	vadd.f32 v32, v30;
	v32 =	vmul.f32 v35, v12;
	v40 =	vmul.f32 v39, v13;
	[tilespmem:s15+$0x2F80] =	vst v0  }
0x24f: {  	v37 =	vadd.f32 v43, v37;
	v41 =	vmul.f32 v15, v15;
	v36 =	vadd.f32 v42, v36;
	v22 =	vmovc v19  }
0x250: {  	v18 =	vmovc v17;
	v19 =	vadd.f32 v27, v26;
	v26 =	vmul.f32 v33, v12;
	v27 =	vmul.f32 v30, v13  }
0x251: {  	v17 =	vadd.f32 v41, v37;
	v37 =	vmul.f32 v35, v9;
	v36 =	vadd.f32 v36, v38  }
0x252: {  	v21 =	vsub.f32 v25, v21;
	v25 =	vmul.f32 v39, v10;
	v32 =	vadd.f32 v40, v32  }
0x253: {  	v26 =	vadd.f32 v27, v26;
	v38 =	vmul.f32 $1.605904440e-10, v17;
	v40 =	vmul.f32 $1.147074540e-11, v17;
	[tilespmem:s16+$0x2780] =	vst v36  }
0x254: {  	v27 =	vmul.f32 v35, v7;
	v25 =	vadd.f32 v25, v37;
	v36 =	vmul.f32 v39, v8  }
0x255: {  	v35 =	vmul.f32 v35, v2;
	v37 =	vadd.f32 $-2.505210790e-08, v38;
	v38 =	vadd.f32 $-2.087675590e-09, v40  }
0x256: {  	v27 =	vadd.f32 v36, v27;
	v36 =	vmul.f32 v39, v4;
	v39 =	vmul.f32 v19, v11  }
0x257: {  	v20 =	vadd.f32 v20, v24;
	v37 =	vmul.f32 v37, v17;
	v38 =	vmul.f32 v38, v17  }
0x258: {  	v24 =	vadd.f32 v32, v39;
	v32 =	vmul.f32 v33, v9;
	v39 =	vmul.f32 v30, v10  }
0x259: {  	v40 =	vmul.f32 v33, v7;
	v37 =	vadd.f32 $2.755731880e-06, v37;
	v38 =	vadd.f32 $2.755732000e-07, v38;
	[tilespmem:s0+$0x2700] =	vst v20;
	s0 =	smov.u32 s16;
	s16 =	smov.u32 s15  }
0x25a: {  	v35 =	vadd.f32 v36, v35;
	v33 =	vmul.f32 v33, v2;
	v20 =	vmul.f32 v30, v8  }
0x25b: {  	v32 =	vadd.f32 v39, v32;
	v36 =	vmul.f32 v37, v17;
	v37 =	vmul.f32 v38, v17  }
0x25c: {  	v38 =	vadd.f32 v20, v40;
	v20 =	vmul.f32 v30, v4;
	v30 =	vmul.f32 v21, v11  }
0x25d: {  	v39 =	vmul.f32 v31, v9;
	v36 =	vadd.f32 $-1.984127010e-04, v36;
	v37 =	vadd.f32 $-2.480158760e-05, v37  }
0x25e: {  	v40 =	vmul.f32 v31, v7;
	v26 =	vadd.f32 v26, v30;
	v30 =	vmul.f32 v34, v10  }
0x25f: {  	v41 =	vadd.f32 v20, v33;
	v36 =	vmul.f32 v36, v17;
	v37 =	vmul.f32 v37, v17  }
0x260: {  	v31 =	vmul.f32 v31, v2;
	v20 =	vmul.f32 v34, v8;
	v30 =	vadd.f32 v30, v39  }
0x261: {  	v34 =	vmul.f32 v34, v4;
	v33 =	vadd.f32 $8.333333770e-03, v36;
	v36 =	vadd.f32 $1.388888920e-03, v37  }
0x262: {  	v39 =	vmul.f32 v19, v6;
	v40 =	vadd.f32 v20, v40;
	v37 =	vmul.f32 v19, v5  }
0x263: {  	v20 =	vadd.f32 v34, v31;
	v33 =	vmul.f32 v33, v17;
	v36 =	vmul.f32 v36, v17  }
0x264: {  	v24 =	vadd.f32 v24, v14;
	v14 =	vmovc v29;
	v31 =	vmul.f32 v21, v5;
	v19 =	vmul.f32 v19, v3  }
0x265: {  	v34 =	vmul.f32 v21, v6;
	v29 =	vadd.f32 $-1.666666720e-01, v33;
	v33 =	vadd.f32 $-4.166666790e-02, v36  }
0x266: {  	v42 =	vmul.f32 v23, v5;
	v36 =	vmul.f32 v21, v3;
	v21 =	vadd.f32 v26, v16;
	[tilespmem:s0+$0x1780] =	vst v24  }
0x267: {  	v25 =	vadd.f32 v25, v37;
	v16 =	vmovc v28;
	v26 =	vmul.f32 v29, v17;
	v29 =	vmul.f32 v33, v17  }
0x268: {  	v27 =	vadd.f32 v27, v39;
	v37 =	vmul.f32 v23, v6;
	v24 =	vmul.f32 v23, v3;
	[tilespmem:s0+$0x1F80] =	vst v21  }
0x269: {  	v28 =	vadd.f32 $1.000000000e+00, v26;
	v23 =	vadd.f32 $5.000000000e-01, v29;
	[tilespmem:s0+$0x1600] =	vst v25  }
0x26a: {  	v19 =	vadd.f32 v35, v19;
	v25 =	vadd.f32 v32, v31;
	[tilespmem:s0+$0x1680] =	vst v27  }
.Ltmp8:
0x26b: {  	v29 =	vadd.f32 v38, v34;
	v31 =	vmul.f32 v23, v15;
	v21 =	vmul.f32 v28, v22;
	(pc) =	sbr.rel @p2 .LBB2_17-.Ltmp8, $4  }
0x26c: {  	v34 =	vadd.f32 v41, v36;
	v33 =	vmul.f32 v23, v22;
	v32 =	vmul.f32 v23, v18;
	[tilespmem:s0+$0x1700] =	vst v19  }
0x26d: {  	s15 =	sshra.s32 s20, $0x2;
	v36 =	vadd.f32 v30, v42;
	v23 =	vmul.f32 v23, v17;
	v26 =	vmul.f32 v28, v18;
	[tilespmem:s0+$0x1E00] =	vst v25  }
0x26e: {  	v37 =	vadd.f32 v40, v37;
	v27 =	vmul.f32 v33, v15;
	v25 =	vmul.f32 v32, v15;
	v19 =	vld [tilespmem:s15+$0xC00];
	[tilespmem:s0+$0x1E80] =	vst v29  }
0x26f: {  	s20 =	sadd.s32 $0x40, s20;
	v30 =	vsub.f32 $1.000000000e+00, v23;
	v35 =	vmul.f32 v33, v22;
	v32 =	vmul.f32 v32, v18;
	v17 =	vld [tilespmem:s15+$0xC80];
	[tilespmem:s0+$0x1F00] =	vst v34  }
0x270: {  	s20 =	smov.u32 s0;
	v34 =	vmovc v15;
	v15 =	vmov v18;
	s0 =	smov.u32 s16;
	v23 =	vmov v14;
	v22 =	vmov v16  }
.LBB2_19:
0x271: {  	v18 =	vsub.f32 @p1 v27, v26  }
0x272: {  	v14 =	vld [tilespmem:s15+$0xD80];
	[tilespmem:s20+$0x2600] =	vst @p0 v36;
	v29 =	vmul.f32 @p1 v31, v34;
	v31 =	vadd.f32 @p1 v25, v21;
	v33 =	vmul.f32 @p1 v33, v15  }
0x273: {  	v28 =	vmul.f32 @p1 v28, v34;
	v34 =	vadd.f32 @p1 v35, v30;
	v26 =	vadd.f32 @p1 v27, v26;
	v16 =	vld [tilespmem:s15+$0xD00]  }
0x274: {  	v35 =	vmul.f32 @p1 v18, v12;
	v29 =	vadd.f32 @p1 v29, v30;
	v36 =	vmul.f32 @p1 v31, v13  }
0x275: {  	[tilespmem:s20+$0x2680] =	vst @p0 v37;
	v59 =	vmul.f32 v19, v19;
	v39 =	vsub.f32 @p1 v33, v28;
	v28 =	vadd.f32 @p1 v33, v28  }
0x276: {  	[tilespmem:s15+$0x2E00] =	vst v1;
	v30 =	vadd.f32 @p1 v32, v30;
	v32 =	vmul.f32 @p1 v34, v12;
	v60 =	vmul.f32 v17, v17  }
0x277: {  	[tilespmem:s15+$0x2E80] =	vst v1;
	v37 =	vmul.f32 @p1 v34, v9;
	v35 =	vadd.f32 @p1 v36, v35;
	v36 =	vmul.f32 @p1 v29, v11  }
0x278: {  	v38 =	vld @p1 [tilespmem:s0+$0xE80];
	v40 =	vmul.f32 @p1 v39, v13;
	v33 =	vadd.f32 v60, v59;
	v61 =	vmul.f32 v16, v16  }
0x279: {  	v20 =	vadd.f32 @p0 v20, v24;
	v27 =	vmul.f32 @p1 v28, v12;
	v24 =	vmul.f32 @p1 v28, v9  }
0x27a: {  	v42 =	vmul.f32 @p1 v30, v8;
	v35 =	vadd.f32 @p1 v35, v36;
	v33 =	vadd.f32 v61, v33  }
0x27b: {  	v36 =	vmul.f32 @p1 v30, v13;
	v32 =	vadd.f32 @p1 v40, v32;
	v40 =	vmul.f32 @p1 v39, v8  }
0x27c: {  	v21 =	vsub.f32 @p1 v25, v21;
	v25 =	vmul.f32 $1.605904440e-10, v33;
	v41 =	vmul.f32 $1.147074540e-11, v33  }
0x27d: {  	v35 =	vadd.f32 @p1 v35, v38;
	v27 =	vadd.f32 @p1 v36, v27;
	v36 =	vmul.f32 @p1 v34, v7  }
0x27e: {  	[tilespmem:s15+$0x2F00] =	vst v1;
	v38 =	vmul.f32 @p1 v39, v10;
	v25 =	vadd.f32 $-2.505210790e-08, v25;
	v41 =	vadd.f32 $-2.087675590e-09, v41  }
0x27f: {  	[tilespmem:s15+$0x2F80] =	vst v0;
	v34 =	vmul.f32 @p1 v34, v2;
	v36 =	vadd.f32 @p1 v40, v36;
	v40 =	vmul.f32 @p1 v26, v11  }
0x280: {  	v15 =	vld [tilespmem:s15+$0xE00];
	v37 =	vadd.f32 @p1 v38, v37;
	[tilespmem:s0+$0x2780] =	vst @p1 v35;
	v25 =	vmul.f32 v25, v33;
	v62 =	vmul.f32 v41, v33  }
0x281: {  	v38 =	vmul.f32 @p1 v39, v4;
	[tilespmem:s20+$0x2700] =	vst @p0 v20;
	v20 =	vmul.f32 @p1 v29, v5;
	v32 =	vadd.f32 @p1 v32, v40  }
0x282: {  	v40 =	vmul.f32 @p1 v28, v7;
	v25 =	vadd.f32 $2.755731880e-06, v25;
	v39 =	vadd.f32 $2.755732000e-07, v62  }
0x283: {  	v28 =	vmul.f32 @p1 v28, v2;
	v41 =	vmul.f32 @p1 v30, v10  }
0x284: {  	v34 =	vadd.f32 @p1 v38, v34;
	v25 =	vmul.f32 v25, v33;
	v63 =	vmul.f32 v39, v33  }
0x285: {  	v30 =	vmul.f32 @p1 v30, v4;
	v40 =	vadd.f32 @p1 v42, v40;
	v23 =	vadd.f32 @p1 v32, v23  }
0x286: {  	v42 =	vmul.f32 @p1 v31, v10;
	v25 =	vadd.f32 $-1.984127010e-04, v25;
	v38 =	vadd.f32 $-2.480158760e-05, v63  }
0x287: {  	v32 =	vmul.f32 @p1 v21, v6;
	v24 =	vadd.f32 @p1 v41, v24;
	v41 =	vmul.f32 @p1 v18, v9  }
0x288: {  	v25 =	vmul.f32 v25, v33;
	v38 =	vmul.f32 v38, v33  }
0x289: {  	v28 =	vadd.f32 @p1 v30, v28;
	v30 =	vmul.f32 @p1 v31, v8;
	v31 =	vmul.f32 @p1 v31, v4  }
0x28a: {  	[tilespmem:s0+$0x1780] =	vst @p1 v23;
	v23 =	vmul.f32 @p1 v29, v6;
	v25 =	vadd.f32 $8.333333770e-03, v25;
	v38 =	vadd.f32 $1.388888920e-03, v38  }
0x28b: {  	v39 =	vmul.f32 @p1 v21, v11;
	v41 =	vadd.f32 @p1 v42, v41;
	v42 =	vmul.f32 @p1 v26, v5  }
0x28c: {  	v32 =	vadd.f32 @p1 v40, v32;
	v25 =	vmul.f32 v25, v33;
	v38 =	vmul.f32 v38, v33  }
0x28d: {  	v27 =	vadd.f32 @p1 v27, v39;
	v39 =	vmul.f32 @p1 v18, v7;
	v35 =	vadd.f32 @p1 v37, v42  }
0x28e: {  	v18 =	vmul.f32 @p1 v18, v2;
	v25 =	vadd.f32 $-1.666666720e-01, v25;
	v38 =	vadd.f32 $-4.166666790e-02, v38  }
0x28f: {  	v20 =	vadd.f32 @p1 v41, v20;
	v30 =	vadd.f32 @p1 v30, v39;
	v39 =	vmul.f32 @p1 v26, v6  }
0x290: {  	v22 =	vadd.f32 @p1 v27, v22;
	v25 =	vmul.f32 v25, v33;
	v27 =	vmul.f32 v38, v33  }
0x291: {  	v18 =	vadd.f32 @p1 v31, v18;
	v26 =	vmul.f32 @p1 v26, v3;
	v31 =	vmul.f32 @p1 v21, v5  }
0x292: {  	[tilespmem:s0+$0x1E80] =	vst @p1 v32;
	v21 =	vmul.f32 @p1 v21, v3;
	v25 =	vadd.f32 $1.000000000e+00, v25;
	v27 =	vadd.f32 $5.000000000e-01, v27  }
0x293: {  	v36 =	vadd.f32 @p1 v36, v39;
	[tilespmem:s0+$0x1F80] =	vst @p1 v22;
	v22 =	vmul.f32 @p1 v29, v3;
	v26 =	vadd.f32 @p1 v34, v26  }
0x294: {  	[tilespmem:s0+$0x1600] =	vst @p1 v35;
	v24 =	vadd.f32 @p1 v24, v31;
	v29 =	vmul.f32 v27, v16;
	v31 =	vmul.f32 v25, v19  }
0x295: {  	v20 =	vpsel p1, v20, v0;
	[tilespmem:s0+$0x1680] =	vst @p1 v36;
	v42 =	vmul.f32 v27, v19;
	v43 =	vmul.f32 v27, v17  }
0x296: {  	v21 =	vadd.f32 @p1 v28, v21;
	[tilespmem:s0+$0x1700] =	vst @p1 v26;
	v26 =	vmul.f32 v27, v33;
	v27 =	vmul.f32 v25, v17  }
0x297: {  	v23 =	vadd.f32 @p1 v30, v23;
	[tilespmem:s0+$0x1E00] =	vst @p1 v24;
	v24 =	vmul.f32 v42, v16;
	v28 =	vmul.f32 v43, v16  }
0x298: {  	v18 =	vpsel p1, v18, v0;
	[tilespmem:s0+$0x1F00] =	vst @p1 v21;
	s0 =	smov.u32 @p1 s0;
	v19 =	vmul.f32 v42, v19;
	v21 =	vmul.f32 v29, v16  }
0x299: {  	[tilespmem:s0+$0x2600] =	vst @p1 v20;
	v26 =	vsub.f32 $1.000000000e+00, v26;
	v20 =	vmul.f32 v42, v17;
	v16 =	vmul.f32 v25, v16  }
0x29a: {  	v17 =	vmul.f32 v43, v17;
	v29 =	vsub.f32 v24, v27;
	v30 =	vadd.f32 v28, v31  }
0x29b: {  	v23 =	vpsel p1, v23, v0;
	v21 =	vadd.f32 v21, v26;
	v19 =	vadd.f32 v19, v26  }
0x29c: {  	[tilespmem:s0+$0x2680] =	vst @p1 v23;
	v44 =	vsub.f32 v20, v16;
	v17 =	vadd.f32 v17, v26;
	v23 =	vmul.f32 v29, v12  }
0x29d: {  	v16 =	vadd.f32 v20, v16;
	v25 =	vmul.f32 v30, v13;
	v20 =	vmul.f32 v19, v12  }
0x29e: {  	v24 =	vadd.f32 v24, v27;
	v26 =	vmul.f32 v44, v13;
	v27 =	vmul.f32 v17, v13  }
0x29f: {  	v28 =	vsub.f32 v28, v31;
	v45 =	vmul.f32 v19, v9;
	v31 =	vmul.f32 v44, v10  }
0x2a0: {  	v22 =	vpsel p1, v22, v0;
	v46 =	vmul.f32 v44, v4;
	v47 =	vmul.f32 v24, v11  }
0x2a1: {  	v18 =	vadd.f32 @p1 v18, v22;
	v48 =	vmul.f32 v17, v10;
	v22 =	vmul.f32 v16, v7  }
0x2a2: {  	v49 =	vmul.f32 v17, v8;
	v50 =	vmul.f32 v28, v11  }
0x2a3: {  	v32 =	vld [tilespmem:s15+$0xE80];
	v17 =	vmul.f32 v17, v4;
	v23 =	vadd.f32 v25, v23;
	v25 =	vmul.f32 v21, v11  }
0x2a4: {  	v51 =	vmul.f32 v29, v9;
	v52 =	vmul.f32 v24, v5;
	v20 =	vadd.f32 v26, v20  }
0x2a5: {  	v26 =	vmul.f32 v19, v7;
	v23 =	vadd.f32 v23, v25;
	v25 =	vmul.f32 v16, v12  }
0x2a6: {  	v19 =	vmul.f32 v19, v2;
	v31 =	vadd.f32 v31, v45;
	v20 =	vadd.f32 v20, v47  }
0x2a7: {  	v22 =	vadd.f32 v49, v22;
	v25 =	vadd.f32 v27, v25;
	v27 =	vmul.f32 v44, v8  }
0x2a8: {  	v23 =	vadd.f32 v23, v32;
	v14 =	vadd.f32 v20, v14;
	v20 =	vmul.f32 v24, v6  }
0x2a9: {  	v26 =	vadd.f32 v27, v26;
	v27 =	vmul.f32 v16, v9;
	v25 =	vadd.f32 v25, v50  }
0x2aa: {  	v19 =	vadd.f32 v46, v19;
	v16 =	vmul.f32 v16, v2;
	[tilespmem:s15+$0x2780] =	vst v23;
	v23 =	vmul.f32 v30, v10  }
0x2ab: {  	[tilespmem:s0+$0x2700] =	vst @p1 v18;
	v18 =	vmul.f32 v29, v7;
	v27 =	vadd.f32 v48, v27;
	v15 =	vadd.f32 v25, v15  }
0x2ac: {  	v16 =	vadd.f32 v17, v16;
	v17 =	vmul.f32 v24, v3;
	[tilespmem:s15+$0x1780] =	vst v14;
	v14 =	vadd.f32 v31, v52  }
0x2ad: {  	v23 =	vadd.f32 v23, v51;
	v24 =	vmul.f32 v28, v5;
	v20 =	vadd.f32 v26, v20;
	[tilespmem:s15+$0x1F80] =	vst v15  }
0x2ae: {  	v25 =	vmul.f32 v28, v6;
	v26 =	vmul.f32 v21, v5;
	[tilespmem:s15+$0x1600] =	vst v14;
	v14 =	vadd.f32 v19, v17  }
0x2af: {  	v15 =	vmul.f32 v30, v8;
	v19 =	vmul.f32 v28, v3;
	[tilespmem:s15+$0x1680] =	vst v20;
	v20 =	vadd.f32 v27, v24  }
0x2b0: {  	v17 =	vmul.f32 v29, v2;
	v24 =	vmul.f32 v30, v4;
	v22 =	vadd.f32 v22, v25;
	[tilespmem:s15+$0x1700] =	vst v14  }
0x2b1: {  	v14 =	vadd.f32 v15, v18;
	v15 =	vmul.f32 v21, v6;
	v16 =	vadd.f32 v16, v19;
	[tilespmem:s15+$0x1E00] =	vst v20  }
0x2b2: {  	v17 =	vadd.f32 v24, v17;
	v18 =	vmul.f32 v21, v3;
	v19 =	vadd.f32 v23, v26;
	[tilespmem:s15+$0x1E80] =	vst v22  }
0x2b3: {  	v14 =	vadd.f32 v14, v15;
	[tilespmem:s15+$0x1F00] =	vst v16  }
0x2b4: {  	[tilespmem:s15+$0x2600] =	vst v19;
	v15 =	vadd.f32 v17, v18  }
0x2b5: {  	[tilespmem:s15+$0x2680] =	vst v14  }
0x2b6: {  	[tilespmem:s15+$0x2700] =	vst v15;
	s15 =	simm.s32 $0x0  }
0x2b7: {  	v14 =	vld [tilespmem:s15+$0xF00]  }
0x2b8: {  	v15 =	vld [tilespmem:s15+$0xF80];
	_ =	sdelay $0x1  }
0x2b9: {  	v18 =	vld [tilespmem:s15+$0x1000];
	_ =	sdelay $0x2  }
0x2ba: {  	v16 =	vmul.f32 v14, v14;
	v17 =	vmul.f32 v15, v15;
	_ =	sdelay $0x1  }
0x2bb: {  	v16 =	vadd.f32 v17, v16;
	v17 =	vmul.f32 v18, v18;
	_ =	sdelay $0x1  }
0x2bc: {  	v16 =	vadd.f32 v17, v16;
	_ =	sdelay $0x1  }
0x2bd: {  	v17 =	vmul.f32 $1.605904440e-10, v16;
	v19 =	vmul.f32 $1.147074540e-11, v16;
	_ =	sdelay $0x1  }
0x2be: {  	v17 =	vadd.f32 $-2.505210790e-08, v17;
	v19 =	vadd.f32 $-2.087675590e-09, v19;
	_ =	sdelay $0x1  }
0x2bf: {  	v17 =	vmul.f32 v17, v16;
	v19 =	vmul.f32 v19, v16;
	_ =	sdelay $0x1  }
0x2c0: {  	v17 =	vadd.f32 $2.755731880e-06, v17;
	v19 =	vadd.f32 $2.755732000e-07, v19;
	_ =	sdelay $0x1  }
0x2c1: {  	v17 =	vmul.f32 v17, v16;
	v19 =	vmul.f32 v19, v16;
	_ =	sdelay $0x1  }
0x2c2: {  	v17 =	vadd.f32 $-1.984127010e-04, v17;
	v19 =	vadd.f32 $-2.480158760e-05, v19;
	_ =	sdelay $0x1  }
0x2c3: {  	v17 =	vmul.f32 v17, v16;
	v19 =	vmul.f32 v19, v16;
	_ =	sdelay $0x1  }
0x2c4: {  	v17 =	vadd.f32 $8.333333770e-03, v17;
	v19 =	vadd.f32 $1.388888920e-03, v19;
	_ =	sdelay $0x1  }
0x2c5: {  	v17 =	vmul.f32 v17, v16;
	v19 =	vmul.f32 v19, v16;
	_ =	sdelay $0x1  }
0x2c6: {  	v17 =	vadd.f32 $-1.666666720e-01, v17;
	v19 =	vadd.f32 $-4.166666790e-02, v19;
	_ =	sdelay $0x1  }
0x2c7: {  	v17 =	vmul.f32 v17, v16;
	v19 =	vmul.f32 v19, v16;
	_ =	sdelay $0x1  }
0x2c8: {  	[tilespmem:s15+$0x3000] =	vst v1;
	v23 =	vadd.f32 $1.000000000e+00, v17;
	v17 =	vadd.f32 $5.000000000e-01, v19  }
0x2c9: {  	[tilespmem:s15+$0x3080] =	vst v1  }
0x2ca: {  	[tilespmem:s15+$0x3100] =	vst v1;
	v19 =	vmul.f32 v17, v18;
	v24 =	vmul.f32 v23, v14  }
0x2cb: {  	s0 =	simm.s32 $0x10;
	[tilespmem:s15+$0x3180] =	vst v0;
	v25 =	vmul.f32 v17, v14;
	v26 =	vmul.f32 v17, v15  }
0x2cc: {  	v22 =	vld [tilespmem:s0+$0xF00];
	v16 =	vmul.f32 v17, v16;
	v27 =	vmul.f32 v23, v15  }
0x2cd: {  	v17 =	vld [tilespmem:s0+$0xF80];
	v28 =	vmul.f32 v25, v18;
	v29 =	vmul.f32 v26, v18  }
0x2ce: {  	v31 =	vmul.f32 v25, v14;
	v26 =	vmul.f32 v26, v15  }
0x2cf: {  	v30 =	vsub.f32 $1.000000000e+00, v16;
	v19 =	vmul.f32 v19, v18;
	v25 =	vmul.f32 v25, v15  }
0x2d0: {  	v16 =	vld [tilespmem:s0+$0x1000];
	v18 =	vmul.f32 v23, v18;
	v32 =	vsub.f32 v28, v27;
	v33 =	vadd.f32 v29, v24  }
0x2d1: {  	v23 =	vadd.f32 v31, v30;
	v19 =	vadd.f32 v19, v30;
	v31 =	vmul.f32 v22, v22  }
0x2d2: {  	v56 =	vsub.f32 v25, v18;
	v53 =	vmul.f32 v17, v17;
	v54 =	vmul.f32 v32, v12  }
0x2d3: {  	v26 =	vadd.f32 v26, v30;
	v55 =	vmul.f32 v33, v13;
	v59 =	vmul.f32 v19, v11  }
0x2d4: {  	v18 =	vadd.f32 v25, v18;
	v30 =	vmul.f32 v23, v12;
	v60 =	vmul.f32 v56, v13  }
0x2d5: {  	v61 =	vmul.f32 v26, v13;
	v25 =	vadd.f32 v53, v31;
	v31 =	vmul.f32 v16, v16  }
0x2d6: {  	v27 =	vadd.f32 v28, v27;
	v28 =	vmul.f32 v23, v9;
	v63 =	vmul.f32 v56, v10  }
0x2d7: {  	v44 =	vmul.f32 v23, v7;
	v45 =	vmul.f32 v56, v8;
	v39 =	vadd.f32 v31, v25  }
0x2d8: {  	v23 =	vmul.f32 v23, v2;
	v48 =	vmul.f32 v56, v4  }
0x2d9: {  	v24 =	vsub.f32 v29, v24;
	v62 =	vmul.f32 $1.605904440e-10, v39;
	v29 =	vmul.f32 $1.147074540e-11, v39  }
0x2da: {  	v49 =	vmul.f32 v27, v11;
	v50 =	vmul.f32 v18, v9  }
0x2db: {  	v51 =	vmul.f32 v26, v10;
	v35 =	vadd.f32 $-2.505210790e-08, v62;
	v29 =	vadd.f32 $-2.087675590e-09, v29  }
0x2dc: {  	v52 =	vmul.f32 v18, v7;
	v56 =	vmul.f32 v33, v10;
	v58 =	vadd.f32 v55, v54  }
0x2dd: {  	v30 =	vadd.f32 v60, v30;
	v46 =	vmul.f32 v35, v39;
	v29 =	vmul.f32 v29, v39  }
0x2de: {  	v53 =	vmul.f32 v26, v8;
	v28 =	vadd.f32 v63, v28;
	v47 =	vadd.f32 v45, v44  }
0x2df: {  	v26 =	vmul.f32 v26, v4;
	v34 =	vadd.f32 $2.755731880e-06, v46;
	v29 =	vadd.f32 $2.755732000e-07, v29  }
0x2e0: {  	v20 =	vld [tilespmem:s15+$0x1080];
	v23 =	vadd.f32 v48, v23;
	v54 =	vmul.f32 v24, v11;
	v55 =	vmul.f32 v32, v9  }
0x2e1: {  	v21 =	vld [tilespmem:s15+$0x1100];
	[tilespmem:s0+$0x3000] =	vst v1;
	v38 =	vadd.f32 v51, v50;
	v34 =	vmul.f32 v34, v39;
	v29 =	vmul.f32 v29, v39  }
0x2e2: {  	[tilespmem:s0+$0x3080] =	vst v1;
	v60 =	vmul.f32 v27, v6;
	v31 =	vmul.f32 v18, v12;
	v36 =	vadd.f32 v53, v52  }
0x2e3: {  	v57 =	vld [tilespmem:s15+$0x1180];
	v18 =	vmul.f32 v18, v2;
	v34 =	vadd.f32 $-1.984127010e-04, v34;
	v29 =	vadd.f32 $-2.480158760e-05, v29  }
0x2e4: {  	v25 =	vadd.f32 v58, v59;
	v58 =	vmul.f32 v33, v8;
	v33 =	vmul.f32 v33, v4  }
0x2e5: {  	v30 =	vadd.f32 v30, v49;
	v34 =	vmul.f32 v34, v39;
	v29 =	vmul.f32 v29, v39  }
0x2e6: {  	v59 =	vmul.f32 v27, v5;
	v31 =	vadd.f32 v61, v31;
	v26 =	vadd.f32 v26, v18  }
0x2e7: {  	v27 =	vmul.f32 v27, v3;
	v18 =	vadd.f32 $8.333333770e-03, v34;
	v29 =	vadd.f32 $1.388888920e-03, v29  }
0x2e8: {  	v61 =	vmul.f32 v24, v3;
	v25 =	vadd.f32 v25, v57;
	v57 =	vmul.f32 v32, v7  }
0x2e9: {  	[tilespmem:s0+$0x3100] =	vst v1;
	v37 =	vadd.f32 v56, v55;
	v18 =	vmul.f32 v18, v39;
	v29 =	vmul.f32 v29, v39  }
0x2ea: {  	[tilespmem:s0+$0x3180] =	vst v0;
	v14 =	vld [tilespmem:s0+$0x1080];
	v32 =	vmul.f32 v32, v2;
	v20 =	vadd.f32 v30, v20;
	v31 =	vadd.f32 v31, v54  }
0x2eb: {  	v15 =	vld [tilespmem:s0+$0x1100];
	v62 =	vmul.f32 v19, v5;
	[tilespmem:s15+$0x2980] =	vst v25;
	v18 =	vadd.f32 $-1.666666720e-01, v18;
	v25 =	vadd.f32 $-4.166666790e-02, v29  }
0x2ec: {  	[tilespmem:s15+$0x1980] =	vst v20;
	v20 =	vadd.f32 v28, v59;
	v28 =	vmul.f32 v24, v6;
	v21 =	vadd.f32 v31, v21  }
0x2ed: {  	v31 =	vadd.f32 v47, v60;
	v18 =	vmul.f32 v18, v39;
	v30 =	vmul.f32 v25, v39  }
0x2ee: {  	v35 =	vadd.f32 v26, v61;
	[tilespmem:s15+$0x1800] =	vst v20;
	v20 =	vadd.f32 v23, v27;
	v29 =	vmul.f32 v24, v5  }
0x2ef: {  	[tilespmem:s15+$0x2180] =	vst v21;
	v21 =	vmul.f32 v19, v3;
	v25 =	vadd.f32 $1.000000000e+00, v18;
	v27 =	vadd.f32 $5.000000000e-01, v30  }
0x2f0: {  	v34 =	vadd.f32 v58, v57;
	v29 =	vadd.f32 v38, v29;
	v30 =	vmul.f32 v19, v6  }
0x2f1: {  	[tilespmem:s15+$0x1880] =	vst v31;
	v18 =	vadd.f32 v33, v32;
	v24 =	vmul.f32 v27, v16;
	v23 =	vmul.f32 v25, v22  }
0x2f2: {  	[tilespmem:s15+$0x1900] =	vst v20;
	v19 =	vadd.f32 v36, v28;
	v31 =	vmul.f32 v27, v22;
	v63 =	vmul.f32 v27, v17  }
0x2f3: {  	s16 =	simm.s32 $0x20;
	[tilespmem:s15+$0x2000] =	vst v29;
	v33 =	vadd.f32 v37, v62;
	v29 =	vmul.f32 v27, v39;
	v27 =	vmul.f32 v25, v17  }
0x2f4: {  	v20 =	vld [tilespmem:s16+$0xF00];
	[tilespmem:s15+$0x2080] =	vst v19;
	v32 =	vadd.f32 v34, v30;
	v28 =	vmul.f32 v31, v16;
	v26 =	vmul.f32 v63, v16  }
0x2f5: {  	s20 =	simm.s32 $0xC0;
	v19 =	vld [tilespmem:s16+$0xF80];
	[tilespmem:s15+$0x2100] =	vst v35;
	v29 =	vsub.f32 $1.000000000e+00, v29;
	v34 =	vmul.f32 v31, v22;
	v30 =	vmul.f32 v63, v17  }
.LBB2_20:
0x2f6: {  	p0 =	sne.s32 s20, $0x1C0;
	v35 =	vld [tilespmem:s16+$0x1080];
	v22 =	vmul.f32 v24, v16;
	v36 =	vsub.f32 v28, v27;
	v37 =	vadd.f32 v26, v23;
	[tilespmem:s15+$0x2800] =	vst v33  }
0x2f7: {  	v17 =	vmul.f32 v31, v17;
	v31 =	vmul.f32 v25, v16;
	v16 =	vld [tilespmem:s16+$0x1000];
	v33 =	vadd.f32 v34, v29;
	[tilespmem:s15+$0x2880] =	vst v32  }
0x2f8: {  	v25 =	vld [tilespmem:s16+$0x1100];
	[tilespmem:s16+$0x3000] =	vst v1;
	v24 =	vadd.f32 v22, v29;
	v22 =	vmul.f32 v36, v12;
	v32 =	vmul.f32 v37, v13  }
0x2f9: {  	v39 =	vsub.f32 v17, v31;
	v31 =	vadd.f32 v17, v31;
	v34 =	vmul.f32 v20, v20;
	[tilespmem:s16+$0x3080] =	vst v1;
	v38 =	vld [tilespmem:s0+$0x1180]  }
0x2fa: {  	v43 =	vmul.f32 v19, v19;
	[tilespmem:s16+$0x3100] =	vst v1;
	v42 =	vadd.f32 v32, v22;
	v32 =	vmul.f32 v24, v11  }
0x2fb: {  	v29 =	vadd.f32 v30, v29;
	v30 =	vmul.f32 v33, v12;
	v40 =	vmul.f32 v39, v13;
	[tilespmem:s16+$0x3180] =	vst v0  }
0x2fc: {  	v34 =	vadd.f32 v43, v34;
	v41 =	vmul.f32 v16, v16;
	v32 =	vadd.f32 v42, v32;
	v22 =	vmovc v20  }
0x2fd: {  	v17 =	vmovc v19;
	v20 =	vadd.f32 v28, v27;
	v27 =	vmul.f32 v31, v12;
	v28 =	vmul.f32 v29, v13  }
0x2fe: {  	v19 =	vadd.f32 v41, v34;
	v34 =	vmul.f32 v33, v9;
	v32 =	vadd.f32 v32, v38  }
0x2ff: {  	v23 =	vsub.f32 v26, v23;
	v26 =	vmul.f32 v39, v10;
	v30 =	vadd.f32 v40, v30  }
0x300: {  	v27 =	vadd.f32 v28, v27;
	v38 =	vmul.f32 $1.605904440e-10, v19;
	v40 =	vmul.f32 $1.147074540e-11, v19;
	[tilespmem:s0+$0x2980] =	vst v32  }
0x301: {  	v28 =	vmul.f32 v33, v7;
	v26 =	vadd.f32 v26, v34;
	v32 =	vmul.f32 v39, v8  }
0x302: {  	v33 =	vmul.f32 v33, v2;
	v34 =	vadd.f32 $-2.505210790e-08, v38;
	v38 =	vadd.f32 $-2.087675590e-09, v40  }
0x303: {  	v28 =	vadd.f32 v32, v28;
	v32 =	vmul.f32 v39, v4;
	v39 =	vmul.f32 v20, v11  }
0x304: {  	v18 =	vadd.f32 v18, v21;
	v34 =	vmul.f32 v34, v19;
	v38 =	vmul.f32 v38, v19  }
0x305: {  	v21 =	vadd.f32 v30, v39;
	v30 =	vmul.f32 v31, v9;
	v39 =	vmul.f32 v29, v10  }
0x306: {  	v40 =	vmul.f32 v31, v7;
	v34 =	vadd.f32 $2.755731880e-06, v34;
	v38 =	vadd.f32 $2.755732000e-07, v38;
	[tilespmem:s15+$0x2900] =	vst v18;
	s15 =	smov.u32 s0;
	s0 =	smov.u32 s16  }
0x307: {  	v32 =	vadd.f32 v32, v33;
	v31 =	vmul.f32 v31, v2;
	v18 =	vmul.f32 v29, v8  }
0x308: {  	v30 =	vadd.f32 v39, v30;
	v33 =	vmul.f32 v34, v19;
	v34 =	vmul.f32 v38, v19  }
0x309: {  	v38 =	vadd.f32 v18, v40;
	v18 =	vmul.f32 v29, v4;
	v29 =	vmul.f32 v23, v11  }
0x30a: {  	v39 =	vmul.f32 v36, v9;
	v33 =	vadd.f32 $-1.984127010e-04, v33;
	v34 =	vadd.f32 $-2.480158760e-05, v34  }
0x30b: {  	v40 =	vmul.f32 v36, v7;
	v27 =	vadd.f32 v27, v29;
	v29 =	vmul.f32 v37, v10  }
0x30c: {  	v41 =	vadd.f32 v18, v31;
	v33 =	vmul.f32 v33, v19;
	v34 =	vmul.f32 v34, v19  }
0x30d: {  	v18 =	vmul.f32 v37, v8;
	v31 =	vmul.f32 v36, v2;
	v29 =	vadd.f32 v29, v39  }
0x30e: {  	v36 =	vmul.f32 v37, v4;
	v33 =	vadd.f32 $8.333333770e-03, v33;
	v34 =	vadd.f32 $1.388888920e-03, v34  }
0x30f: {  	v37 =	vmul.f32 v20, v5;
	v39 =	vmul.f32 v20, v6;
	v40 =	vadd.f32 v18, v40  }
0x310: {  	v18 =	vadd.f32 v36, v31;
	v33 =	vmul.f32 v33, v19;
	v34 =	vmul.f32 v34, v19  }
0x311: {  	v21 =	vadd.f32 v21, v14;
	v14 =	vmovc v35;
	v20 =	vmul.f32 v20, v3;
	v31 =	vmul.f32 v23, v5  }
0x312: {  	v35 =	vmul.f32 v23, v6;
	v33 =	vadd.f32 $-1.666666720e-01, v33;
	v34 =	vadd.f32 $-4.166666790e-02, v34  }
0x313: {  	v42 =	vmul.f32 v24, v5;
	v36 =	vmul.f32 v23, v3;
	[tilespmem:s15+$0x1980] =	vst v21;
	v21 =	vadd.f32 v27, v15  }
0x314: {  	v26 =	vadd.f32 v26, v37;
	v15 =	vmovc v25;
	v23 =	vmul.f32 v33, v19;
	v27 =	vmul.f32 v34, v19  }
0x315: {  	v28 =	vadd.f32 v28, v39;
	v34 =	vmul.f32 v24, v6;
	[tilespmem:s15+$0x2180] =	vst v21;
	v21 =	vmul.f32 v24, v3  }
0x316: {  	v25 =	vadd.f32 $1.000000000e+00, v23;
	v27 =	vadd.f32 $5.000000000e-01, v27;
	[tilespmem:s15+$0x1800] =	vst v26  }
0x317: {  	v20 =	vadd.f32 v32, v20;
	v26 =	vadd.f32 v30, v31;
	[tilespmem:s15+$0x1880] =	vst v28  }
.Ltmp9:
0x318: {  	v30 =	vadd.f32 v38, v35;
	v24 =	vmul.f32 v27, v16;
	v23 =	vmul.f32 v25, v22;
	(pc) =	sbr.rel @p0 .LBB2_20-.Ltmp9, $4  }
0x319: {  	v36 =	vadd.f32 v41, v36;
	v31 =	vmul.f32 v27, v22;
	v35 =	vmul.f32 v27, v17;
	[tilespmem:s15+$0x1900] =	vst v20  }
0x31a: {  	s16 =	sshra.s32 s20, $0x2;
	v33 =	vadd.f32 v29, v42;
	v37 =	vmul.f32 v27, v19;
	v27 =	vmul.f32 v25, v17;
	[tilespmem:s15+$0x2000] =	vst v26  }
0x31b: {  	v32 =	vadd.f32 v40, v34;
	v28 =	vmul.f32 v31, v16;
	v26 =	vmul.f32 v35, v16;
	v20 =	vld [tilespmem:s16+$0xF00];
	[tilespmem:s15+$0x2080] =	vst v30  }
0x31c: {  	s20 =	sadd.s32 $0x40, s20;
	v29 =	vsub.f32 $1.000000000e+00, v37;
	v34 =	vmul.f32 v31, v22;
	v30 =	vmul.f32 v35, v17;
	v19 =	vld [tilespmem:s16+$0xF80];
	[tilespmem:s15+$0x2100] =	vst v36  }
0x31d: {  	v22 =	vld [tilespmem:s16+$0x1080];
	[tilespmem:s15+$0x2800] =	vst v33  }
0x31e: {  	v44 =	vmul.f32 v24, v16;
	v24 =	vld [tilespmem:s16+$0x1000]  }
0x31f: {  	v35 =	vsub.f32 v28, v27;
	v36 =	vadd.f32 v26, v23  }
0x320: {  	v31 =	vmul.f32 v31, v17;
	v25 =	vmul.f32 v25, v16;
	v27 =	vadd.f32 v28, v27  }
0x321: {  	v45 =	vadd.f32 v34, v29;
	v47 =	vmul.f32 v20, v20;
	v38 =	vmul.f32 v19, v19  }
0x322: {  	v51 =	vadd.f32 v30, v29;
	v46 =	vmul.f32 v35, v12;
	v37 =	vmul.f32 v36, v13  }
0x323: {  	v61 =	vmul.f32 v27, v11;
	v33 =	vadd.f32 v38, v47;
	v49 =	vmul.f32 v24, v24  }
0x324: {  	v17 =	vadd.f32 v44, v29;
	v44 =	vmul.f32 v36, v8;
	v52 =	vmul.f32 v45, v12  }
0x325: {  	v53 =	vmul.f32 v51, v13;
	v54 =	vmul.f32 v45, v9;
	v33 =	vadd.f32 v49, v33  }
0x326: {  	v23 =	vsub.f32 v26, v23;
	[tilespmem:s15+$0x2880] =	vst v32;
	v57 =	vmul.f32 v45, v7;
	v32 =	vmul.f32 v45, v2  }
0x327: {  	v39 =	vsub.f32 v31, v25;
	v63 =	vmul.f32 v51, v10;
	v42 =	vmul.f32 $1.147074540e-11, v33  }
0x328: {  	v25 =	vadd.f32 v31, v25;
	v29 =	vmul.f32 v51, v4;
	v55 =	vmul.f32 $1.605904440e-10, v33  }
0x329: {  	v50 =	vmul.f32 v17, v11;
	v40 =	vmul.f32 v39, v13;
	v42 =	vadd.f32 $-2.087675590e-09, v42  }
0x32a: {  	v41 =	vmul.f32 v25, v12;
	v56 =	vmul.f32 v39, v10;
	v28 =	vadd.f32 $-2.505210790e-08, v55  }
0x32b: {  	v18 =	vadd.f32 v18, v21;
	v58 =	vmul.f32 v39, v8;
	v59 =	vmul.f32 v42, v33  }
0x32c: {  	v34 =	vadd.f32 v37, v46;
	v60 =	vmul.f32 v39, v4;
	v28 =	vmul.f32 v28, v33  }
0x32d: {  	v62 =	vmul.f32 v25, v9;
	v37 =	vadd.f32 v53, v41;
	v41 =	vadd.f32 $2.755732000e-07, v59  }
0x32e: {  	v43 =	vmul.f32 v25, v7;
	v25 =	vmul.f32 v25, v2;
	v28 =	vadd.f32 $2.755731880e-06, v28  }
0x32f: {  	v34 =	vadd.f32 v34, v50;
	v30 =	vadd.f32 v40, v52;
	v46 =	vmul.f32 v41, v33  }
0x330: {  	[tilespmem:s16+$0x3000] =	vst v1;
	v26 =	vadd.f32 v56, v54;
	v47 =	vmul.f32 v51, v8;
	v45 =	vmul.f32 v28, v33  }
0x331: {  	[tilespmem:s16+$0x3080] =	vst v1;
	v32 =	vadd.f32 v60, v32;
	v50 =	vmul.f32 v36, v10;
	v28 =	vadd.f32 $-2.480158760e-05, v46  }
0x332: {  	v48 =	vld [tilespmem:s0+$0x1180];
	v51 =	vmul.f32 v35, v7;
	v36 =	vmul.f32 v36, v4;
	v21 =	vadd.f32 $-1.984127010e-04, v45  }
0x333: {  	v40 =	vadd.f32 v63, v62;
	v53 =	vmul.f32 v27, v5;
	v28 =	vmul.f32 v28, v33  }
0x334: {  	v25 =	vadd.f32 v29, v25;
	v54 =	vmul.f32 v27, v6;
	v21 =	vmul.f32 v21, v33  }
0x335: {  	v27 =	vmul.f32 v27, v3;
	v56 =	vmul.f32 v23, v5;
	v28 =	vadd.f32 $1.388888920e-03, v28  }
0x336: {  	v60 =	vmul.f32 v17, v5;
	v63 =	vmul.f32 v17, v6;
	v21 =	vadd.f32 $8.333333770e-03, v21  }
0x337: {  	v17 =	vmul.f32 v17, v3;
	v31 =	vadd.f32 v34, v48;
	v28 =	vmul.f32 v28, v33  }
0x338: {  	v34 =	vadd.f32 v58, v57;
	v30 =	vadd.f32 v30, v61;
	v21 =	vmul.f32 v21, v33  }
0x339: {  	v48 =	vmul.f32 v23, v11;
	v49 =	vmul.f32 v35, v9;
	v28 =	vadd.f32 $-4.166666790e-02, v28  }
0x33a: {  	[tilespmem:s16+$0x3100] =	vst v1;
	v39 =	vadd.f32 v47, v43;
	v58 =	vmul.f32 v23, v3;
	v21 =	vadd.f32 $-1.666666720e-01, v21  }
0x33b: {  	[tilespmem:s16+$0x3180] =	vst v0;
	v37 =	vadd.f32 v37, v48;
	v52 =	vadd.f32 v50, v49;
	v28 =	vmul.f32 v28, v33  }
0x33c: {  	v16 =	vld [tilespmem:s16+$0x1100];
	[tilespmem:s0+$0x2980] =	vst v31;
	v14 =	vadd.f32 v30, v14;
	v62 =	vadd.f32 v34, v54;
	v21 =	vmul.f32 v21, v33  }
0x33d: {  	v35 =	vmul.f32 v35, v2;
	[tilespmem:s15+$0x2900] =	vst v18;
	v18 =	vadd.f32 v25, v58;
	v61 =	vadd.f32 $5.000000000e-01, v28  }
0x33e: {  	v57 =	vmul.f32 v23, v6;
	v55 =	vadd.f32 v44, v51;
	v21 =	vadd.f32 $1.000000000e+00, v21  }
0x33f: {  	v15 =	vadd.f32 v37, v15;
	v37 =	vadd.f32 v40, v56;
	v38 =	vmul.f32 v61, v24  }
0x340: {  	[tilespmem:s0+$0x1980] =	vst v14;
	v14 =	vadd.f32 v52, v60;
	v40 =	vmul.f32 v21, v20;
	v43 =	vmul.f32 v61, v20  }
0x341: {  	[tilespmem:s0+$0x2180] =	vst v15;
	v15 =	vadd.f32 v55, v63;
	v44 =	vmul.f32 v61, v19;
	v45 =	vmul.f32 v61, v33  }
0x342: {  	v59 =	vadd.f32 v26, v53;
	v46 =	vmul.f32 v21, v19;
	v21 =	vmul.f32 v21, v24  }
0x343: {  	v41 =	vadd.f32 v39, v57;
	v47 =	vmul.f32 v43, v24;
	v48 =	vmul.f32 v44, v24  }
0x344: {  	v25 =	vsub.f32 $1.000000000e+00, v45;
	v20 =	vmul.f32 v43, v20;
	v49 =	vmul.f32 v38, v24  }
0x345: {  	v50 =	vmul.f32 v43, v19;
	v28 =	vsub.f32 v47, v46;
	v29 =	vadd.f32 v48, v40  }
0x346: {  	[tilespmem:s0+$0x2880] =	vst v15;
	v54 =	vmul.f32 v44, v19;
	v15 =	vadd.f32 v49, v25;
	v20 =	vadd.f32 v20, v25  }
0x347: {  	[tilespmem:s0+$0x2800] =	vst v14;
	v56 =	vsub.f32 v50, v21;
	v14 =	vadd.f32 v50, v21;
	v51 =	vmul.f32 v28, v12  }
0x348: {  	v19 =	vadd.f32 v54, v25;
	v52 =	vmul.f32 v29, v13;
	v57 =	vmul.f32 v15, v11  }
0x349: {  	v27 =	vadd.f32 v32, v27;
	[tilespmem:s0+$0x1800] =	vst v59;
	v58 =	vmul.f32 v20, v12;
	v59 =	vmul.f32 v56, v13  }
0x34a: {  	[tilespmem:s0+$0x1880] =	vst v62;
	v60 =	vmul.f32 v14, v12;
	v61 =	vmul.f32 v19, v13  }
0x34b: {  	[tilespmem:s0+$0x1900] =	vst v27;
	v53 =	vadd.f32 v36, v35;
	v62 =	vmul.f32 v20, v9;
	v35 =	vmul.f32 v56, v10  }
0x34c: {  	[tilespmem:s0+$0x2000] =	vst v37;
	v23 =	vadd.f32 v47, v46;
	v36 =	vmul.f32 v20, v7;
	v37 =	vmul.f32 v56, v8  }
0x34d: {  	[tilespmem:s0+$0x2100] =	vst v18;
	v20 =	vmul.f32 v20, v2;
	v38 =	vmul.f32 v56, v4  }
0x34e: {  	[tilespmem:s0+$0x2080] =	vst v41;
	v63 =	vsub.f32 v48, v40;
	v39 =	vmul.f32 v23, v11;
	v40 =	vmul.f32 v14, v9  }
0x34f: {  	v55 =	vld [tilespmem:s16+$0x1180];
	v41 =	vmul.f32 v19, v10;
	v42 =	vmul.f32 v14, v7  }
0x350: {  	v43 =	vmul.f32 v19, v8;
	v44 =	vmul.f32 v63, v11;
	v18 =	vadd.f32 v52, v51  }
0x351: {  	v17 =	vadd.f32 v53, v17;
	v14 =	vmul.f32 v14, v2;
	v19 =	vmul.f32 v19, v4  }
0x352: {  	v46 =	vmul.f32 v28, v9;
	v21 =	vadd.f32 v59, v58;
	v18 =	vadd.f32 v18, v57  }
0x353: {  	v47 =	vmul.f32 v29, v10;
	v48 =	vmul.f32 v23, v5;
	v12 =	vadd.f32 v61, v60  }
0x354: {  	v50 =	vmul.f32 v28, v7;
	v21 =	vadd.f32 v21, v39;
	v18 =	vadd.f32 v18, v55  }
0x355: {  	v53 =	vmul.f32 v63, v5;
	v24 =	vadd.f32 v35, v62;
	v11 =	vadd.f32 v12, v44  }
0x356: {  	v54 =	vmul.f32 v29, v8;
	v13 =	vadd.f32 v37, v36;
	v49 =	vadd.f32 v21, v22;
	[tilespmem:s16+$0x2980] =	vst v18  }
0x357: {  	v20 =	vadd.f32 v38, v20;
	v51 =	vmul.f32 v23, v6;
	v11 =	vadd.f32 v11, v16;
	[tilespmem:s0+$0x2900] =	vst v17  }
0x358: {  	v25 =	vadd.f32 v41, v40;
	v52 =	vmul.f32 v23, v3;
	v12 =	vadd.f32 v24, v48;
	[tilespmem:s16+$0x1980] =	vst v49  }
0x359: {  	v2 =	vmul.f32 v28, v2;
	v14 =	vadd.f32 v19, v14;
	v13 =	vadd.f32 v13, v51;
	[tilespmem:s16+$0x2180] =	vst v11  }
0x35a: {  	v9 =	vadd.f32 v47, v46;
	v56 =	vadd.f32 v20, v52;
	v57 =	vmul.f32 v63, v3;
	[tilespmem:s16+$0x1800] =	vst v12  }
0x35b: {  	v58 =	vmul.f32 v29, v4;
	v59 =	vmul.f32 v15, v5;
	v10 =	vadd.f32 v25, v53;
	[tilespmem:s16+$0x1880] =	vst v13  }
0x35c: {  	v7 =	vadd.f32 v54, v50;
	v60 =	vmul.f32 v15, v6;
	v61 =	vadd.f32 v14, v57;
	[tilespmem:s16+$0x1900] =	vst v56  }
0x35d: {  	v2 =	vadd.f32 v58, v2;
	v3 =	vmul.f32 v15, v3;
	v62 =	vadd.f32 v9, v59;
	[tilespmem:s16+$0x2000] =	vst v10  }
0x35e: {  	v45 =	vadd.f32 v43, v42;
	v55 =	vmul.f32 v63, v6;
	v63 =	vadd.f32 v7, v60;
	[tilespmem:s16+$0x2100] =	vst v61  }
0x35f: {  	v2 =	vadd.f32 v2, v3;
	[tilespmem:s16+$0x2800] =	vst v62  }
0x360: {  	v11 =	vadd.f32 v45, v55;
	[tilespmem:s16+$0x2880] =	vst v63  }
0x361: {  	[tilespmem:s16+$0x2900] =	vst v2  }
0x362: {  	s20 =	simm.s32 $0x1200;
	[tilespmem:s16+$0x2080] =	vst v11  }
0x363: {  	[hbm4b:s6+s2] =	stream.linear.scatter [tilespmem:s20], [sflag:$0x2], $0x800, $0x38;
	[tilespmem:$0x3280] =	vst v63  }
0x364: {  	_ =	swait.ge [sflag:s12], $0x800  }
0x365: {  	[sflag:s12] =	ssyncset.done $0x0  }
0x366: {  	s23 =	simm.s32 $0x1A00;
	[sflag:s12] =	ssyncadd.s32 $0xFFFFF800  }
0x367: {  	[hbm4b:s8+s2] =	stream.linear.scatter [tilespmem:s23], [sflag:$0x2], $0x800, $0x38;
	[tilespmem:$0x3280] =	vst v63  }
0x368: {  	_ =	swait.ge [sflag:s12], $0x800  }
0x369: {  	[sflag:s12] =	ssyncset.done $0x0  }
0x36a: {  	[sflag:s12] =	ssyncadd.s32 $0xFFFFF800  }
0x36b: {  	[hbm4b:s9+s2] =	stream.linear.scatter [tilespmem:s25], [sflag:$0x2], $0x800, $0x38;
	[tilespmem:$0x3280] =	vst v63  }
0x36c: {  	_ =	swait.ge [sflag:s12], $0x800  }
0x36d: {  	s30 =	sadd.s32 $0x1, s30;
	[sflag:s12] =	ssyncset.done $0x0  }
0x36e: {  	p0 =	sne.s32 s30, s11;
	[sflag:s12] =	ssyncadd.s32 $0xFFFFF800  }
0x36f: {  	[hbm4b:s10+s2] =	stream.linear.scatter [tilespmem:s29], [sflag:$0x2], $0x800, $0x38;
	[tilespmem:$0x3280] =	vst v63  }
.Ltmp10:
0x370: {  	_ = 	snop;
	(pc) =	sbr.rel @p0 .LBB2_1-.Ltmp10, $4  }
.Ltmp11:
0x371: {  	_ = 	snop;
	(pc) =	sbr.rel @!p0 .LBB2_22-.Ltmp11, $4  }
0x372: {  	_ =	swait.ge [sflag:s12], $0x800  }
0x373: {  	[sflag:s12] =	ssyncset.done $0x0  }
0x374: {  	[sflag:s12] =	ssyncadd.s32 $0xFFFFF800  }
0x375: {  	_ = 	snop  }
.LBB2_4:
.Ltmp12:
0x376: {  	_ = 	snop;
	(pc) =	sbr.rel .LBB2_11-.Ltmp12, $2  }
0x377: {  	_ =	sdelay $0x2  }
0x378: {  	s16 =	simm.s32 $0x0;
	p3 =	por $0x0, $0x0;
	v18 =	vmov v15;
	v14 =	vmov v32  }
.LBB2_12:
.Ltmp13:
0x379: {  	(pc) =	sbr.rel .LBB2_19-.Ltmp13, $2  }
0x37a: {  	_ =	sdelay $0x2  }
0x37b: {  	s15 =	simm.s32 $0x0;
	p1 =	por $0x0, $0x0  }
.LBB2_6:
.Ltmp14:
0x37c: {  	(pc) =	sbr.rel .LBB2_11-.Ltmp14, $2  }
0x37d: {  	_ =	sdelay $0x2  }
0x37e: {  	s16 =	simm.s32 $0x10;
	s15 =	simm.s32 $0x0;
	p3 =	por $0x0, $0x0  }
.LBB2_14:
.Ltmp15:
0x37f: {  	_ = 	snop;
	(pc) =	sbr.rel .LBB2_19-.Ltmp15, $2  }
0x380: {  	_ =	sdelay $0x2  }
0x381: {  	v15 =	vmov v17;
	s15 =	simm.s32 $0x10;
	v17 =	vmov v18;
	v19 =	vmov v29  }
.LBB2_8:
.Ltmp16:
0x382: {  	_ = 	snop;
	(pc) =	sbr.rel .LBB2_11-.Ltmp16, $3  }
0x383: {  	_ =	sdelay $0x1  }
0x384: {  	v32 =	vmov v14  }
0x385: {  	v33 =	vmovc v16;
	s20 =	simm.s32 $0x0;
	v22 =	vmovc v15;
	v21 =	vmov v17;
	v18 =	vmov v36;
	v14 =	vmov v37  }
.LBB2_16:
.Ltmp17:
0x386: {  	(pc) =	sbr.rel .LBB2_19-.Ltmp17, $2  }
0x387: {  	_ =	sdelay $0x2  }
0x388: {  	v34 =	vmovc v15;
	s20 =	simm.s32 $0x0;
	v15 =	vmov v18;
	s0 =	simm.s32 $0x10;
	v23 =	vmov v14;
	v22 =	vmov v16  }
.LBB2_22:
0x389: {  	_ =	sfence.sel $0x180000  }
0x38a: {  	[bflag:$0x0] =	sbarrier.arrive $0xFFFF  }
0x38b: {  	_ =	strace $0x90000047  }
0x38c: {  	s0 =	stileid.u32;
	[bflag:$0x2] =	sbarrier.arrive $0xFFFF  }
0x38d: {  	p0 =	sne.s32 s0, $0x0;
	s0 =	rddreg [dreg:$0x2]  }
0x38e: {  	s0 =	sadd.s32 @!p0 $0x100000, s0  }
0x38f: {  	[sflag:s0] =	ssyncadd.tile.s32 @!p0 $0x1;
	_ =	shalt  }
.Lfunc_end2:
_tile_overlayer_lowered:
.L_overlay_start_2:
0x390: {  	(tag) =	ssettag $0x2  }
0x391: {  	s0 =	rddreg [dreg:$0x0];
	s2 =	stileid.u32  }
0x392: {  	s1 =	rddreg [dreg:$0x1];
	p0 =	sne.s32 s2, $0x0  }
0x393: {  	s3 =	rddreg [dreg:$0x2];
	[bflag:$0x3] =	sbarrier.arrive $0xFFFF;
	s2 =	simm.s32 @!p0 $0x1C02  }
0x394: {  	[timem:s3], [sflag:s2] =	dma.local @!p0 [hbm:s0], s1  }
0x395: {  	s0 =	simm.s32 @!p0 $0x2  }
0x396: {  	_ =	swait.ge @!p0 [sflag:s0], s1  }
0x397: {  	s1 =	ssub.s32 @!p0 $0x0, s1;
	[sflag:s0] =	ssyncset.done @!p0 $0x0  }
0x398: {  	[sflag:s0] =	ssyncadd.s32 @!p0 s1  }
0x399: {  	[bflag:$0x3] =	sbarrier.arrive $0xFFFF  }
0x39a: {  	_ =	shalt  }

</sc_bundles>
